<compile_context>
chip_gen: v7x
topology: tpu7x:2x2x1
jax: 0.10.2.dev20260603
libtpu: 0.0.44.dev20260713+nightly
codegen_flags: <defaults>
</compile_context>

<pallas_src>
import functools

import jax
import jax.numpy as jnp
from jax import lax
from jax.experimental import pallas as pl
from jax.experimental.pallas import tpu as pltpu
from jax.experimental.pallas import tpu_sc as plsc

_MIN_NORM = 1e-15
_EPS = 4e-3

_N = 10000
_D = 128
_R_SC = 1600
_BM = 400
_NW = 32
_GROUPS = _N // 16


def _artanh(v):
    v = jnp.clip(v, -1.0 + 1e-7, 1.0 - 1e-7)
    return 0.5 * (jnp.log1p(v) - jnp.log1p(-v))


def _tangent_body(x_ref, o_ref):
    x = x_ref[...]
    n = jnp.sqrt(jnp.sum(x * x, axis=-1, keepdims=True))
    n = jnp.maximum(n, _MIN_NORM)
    o_ref[pl.ds(0, _N), :] = x / n * _artanh(n)
    o_ref[pl.ds(_N, 16), :] = jnp.zeros((16, _D), jnp.float32)


def _exp_proj(acc):
    n = jnp.maximum(jnp.sqrt(jnp.sum(acc * acc, axis=-1, keepdims=True)),
                    _MIN_NORM)
    y = jnp.tanh(n) * acc / n
    yn = jnp.maximum(jnp.sqrt(jnp.sum(y * y, axis=-1, keepdims=True)),
                     _MIN_NORM)
    maxnorm = 1.0 - _EPS
    return jnp.where(yn > maxnorm, y / yn * maxnorm, y)


def _agg_body(xt_ref, adj_ref, o_ref):
    acc = jnp.dot(adj_ref[...], xt_ref[pl.ds(0, _N), :],
                  preferred_element_type=jnp.float32)
    o_ref[...] = _exp_proj(acc)


def _epi_body(sup_ref, o_ref):
    o_ref[...] = _exp_proj(sup_ref[...])


_NPAD = 10240
_GROUPS_PAD = _NPAD // 16
_UNROLL = 8


def _sc_agg_body(xt_hbm, adj_hbm, out_hbm,
                 rowbuf, idx_buf, rows, acc_buf, outbuf,
                 sem_row, sem_g0, sem_g1):
    rpw = _R_SC // _NW
    wid = lax.axis_index("s") * 2 + lax.axis_index("c")
    w_base = wid * rpw
    lanes16 = lax.iota(jnp.int32, 16)
    fifteen = jnp.full((16,), 15, jnp.int32)

    z16 = jnp.zeros((16,), jnp.float32)
    for b in range(2):
        for j in range(_N, _NPAD, 16):
            rowbuf[pl.ds(b * _NPAD + j, 16)] = z16

    def _row_dma(r, b):
        return pltpu.make_async_copy(
            adj_hbm.at[pl.ds((w_base + r) * _N, _N)],
            rowbuf.at[pl.ds(b * _NPAD, 0 + _N)], sem_row)

    _row_dma(0, 0).start()

    def row_body(r, _):
        b = r & 1
        _row_dma(r, b).wait()

        @pl.when(r + 1 < rpw)
        def _():
            _row_dma(r + 1, (r + 1) & 1).start()

        def scan_body(jj, cnt_v):
            for u in range(_UNROLL):
                g = _UNROLL * jj + u
                v = rowbuf[pl.ds(b * _NPAD + 16 * g, 16)]
                m = v > 0.0
                ones = jnp.where(m, 1, 0).astype(jnp.int32)
                pref = plsc.cumsum(ones)
                tot = pref.at[fifteen].get(mode="promise_in_bounds")
                p = cnt_v + pref - 1
                plsc.store_scatter(idx_buf, [p], lanes16 + 16 * g, mask=m)
                cnt_v = cnt_v + tot
            return cnt_v

        cnt_v = jnp.zeros((16,), jnp.int32)
        cnt = cnt_v[0]
        pad = jnp.full((16,), _N, jnp.int32)
        idx_buf[pl.ds(cnt, 16)] = pad
        idx_buf[pl.ds(cnt + 16, 16)] = pad
        idx_buf[pl.ds(cnt + 32, 16)] = pad
        n_chunks = (cnt + 31) // 32

        for c8 in range(8):
            acc_buf[pl.ds(16 * c8, 16)] = z16

        def chunk_body(ci, carry):
            iv0 = idx_buf[pl.ds(32 * ci, 16)]
            iv1 = idx_buf[pl.ds(32 * ci + 16, 16)]
            d0 = pltpu.async_copy(xt_hbm.at[iv0],
                                  rows.at[pl.ds(0, 16)], sem_g0)
            d1 = pltpu.async_copy(xt_hbm.at[iv1],
                                  rows.at[pl.ds(16, 16)], sem_g0)
            d0.wait()
            d1.wait()
            for c8 in range(8):
                a = acc_buf[pl.ds(16 * c8, 16)]
                for t in range(32):
                    a = a + rows[t, pl.ds(16 * c8, 16)]
                acc_buf[pl.ds(16 * c8, 16)] = a
            return 0

        lax.fori_loop(0, n_chunks, chunk_body, 0)
        wv = 1.0 / jnp.maximum(jnp.full((16,), cnt.astype(jnp.float32)), 1.0)
        for c8 in range(8):
            outbuf[pl.ds(r * _D + 16 * c8, 16)] = acc_buf[pl.ds(16 * c8, 16)] * wv
        return 0

    lax.fori_loop(0, rpw, row_body, 0)
    pltpu.sync_copy(outbuf, out_hbm.at[pl.ds(w_base * _D, rpw * _D)])


def _sc_agg(xt, adj):
    rpw = _R_SC // _NW
    mesh = plsc.VectorSubcoreMesh(core_axis_name="c", subcore_axis_name="s")
    f = pl.kernel(
        _sc_agg_body,
        mesh=mesh,
        compiler_params=pltpu.CompilerParams(needs_layout_passes=False),
        out_type=jax.ShapeDtypeStruct((_R_SC * _D,), jnp.float32),
        scratch_types=[
            pltpu.VMEM((2 * _NPAD,), jnp.float32),
            pltpu.VMEM((_N + 64,), jnp.int32),
            pltpu.VMEM((32, _D), jnp.float32),
            pltpu.VMEM((_D,), jnp.float32),
            pltpu.VMEM((rpw * _D,), jnp.float32),
            pltpu.SemaphoreType.DMA,
            pltpu.SemaphoreType.DMA,
            pltpu.SemaphoreType.DMA,
        ],
    )
    return jnp.reshape(f(xt, jnp.reshape(adj, (-1,))), (_R_SC, _D))


def kernel(x, adj):
    n_nodes, d = x.shape
    xt = pl.pallas_call(
        _tangent_body,
        grid=(1,),
        in_specs=[pl.BlockSpec((n_nodes, d), lambda i: (0, 0))],
        out_specs=pl.BlockSpec((n_nodes + 16, d), lambda i: (0, 0)),
        out_shape=jax.ShapeDtypeStruct((n_nodes + 16, d), jnp.float32),
    )(x)

    sc_sup = _sc_agg(xt, adj)
    sc_out = pl.pallas_call(
        _epi_body,
        grid=(_R_SC // _BM,),
        in_specs=[pl.BlockSpec((_BM, d), lambda i: (i, 0))],
        out_specs=pl.BlockSpec((_BM, d), lambda i: (i, 0)),
        out_shape=jax.ShapeDtypeStruct((_R_SC, d), jnp.float32),
    )(sc_sup)

    nblk = _R_SC // _BM
    tc_rows = n_nodes - _R_SC
    tc_out = pl.pallas_call(
        _agg_body,
        grid=(tc_rows // _BM,),
        in_specs=[
            pl.BlockSpec((n_nodes + 16, d), lambda i: (0, 0)),
            pl.BlockSpec((_BM, n_nodes), lambda i: (i + nblk, 0)),
        ],
        out_specs=pl.BlockSpec((_BM, d), lambda i: (i, 0)),
        out_shape=jax.ShapeDtypeStruct((tc_rows, d), jnp.float32),
    )(xt, adj)

    return jnp.concatenate([sc_out, tc_out], axis=0)

# --- scband reference (transcript-rebuilt; emitter-appended) ---
"""Pipeline reference for scband-hyp-agg-40415642255634 (READ-ONLY COPY).

The authoritative reference and input builder live on the scoring server;
editing this copy changes nothing except your own understanding.
"""

import jax, jax.numpy as jnp
import numpy as np

MIN_NORM = 1e-15
C = 1.0

def artanh(x):
    x = jnp.clip(x, -1.0 + 1e-7, 1.0 - 1e-7)
    return 0.5 * (jnp.log1p(x) - jnp.log1p(-x))

def logmap0(y, c):
    sqrt_c = c ** 0.5
    y_norm = jnp.maximum(jnp.linalg.norm(y, axis=-1, keepdims=True), MIN_NORM)
    return y / y_norm / sqrt_c * artanh(sqrt_c * y_norm)

def expmap0(u, c):
    sqrt_c = c ** 0.5
    u_norm = jnp.maximum(jnp.linalg.norm(u, axis=-1, keepdims=True), MIN_NORM)
    return jnp.tanh(sqrt_c * u_norm) * u / (sqrt_c * u_norm)

def proj(x, c):
    norm = jnp.maximum(jnp.linalg.norm(x, axis=-1, keepdims=True), MIN_NORM)
    eps = 4e-3  # float32 eps used by hgcn PoincareBall
    maxnorm = (1.0 - eps) / (c ** 0.5)
    cond = norm > maxnorm
    projected = x / norm * maxnorm
    return jnp.where(cond, projected, x)

def setup_inputs(seed: int = 0):
    key = jax.random.key(seed)
    k1, k2 = jax.random.split(key)
    N, d = 10000, 128
    # points on the Poincare ball: scaled gaussian projected inside the ball
    x = 0.1 * jax.random.normal(k1, (N, d), dtype=jnp.float32)
    x = proj(x, C)
    # sparse-pattern row-normalized adjacency, avg_degree ~= 32
    u = jax.random.uniform(k2, (N, N), dtype=jnp.float32)
    adj = (u < (32.0 / N)).astype(jnp.float32)
    adj = adj / jnp.maximum(adj.sum(axis=1, keepdims=True), 1.0)
    return {"x": x, "adj": adj}

def reference(x, adj):
    # HypAgg.forward with use_att=False, use_frechet_agg=False:
    # x_tangent = logmap0(x); support_t = spmm(adj, x_tangent);
    # output = proj(expmap0(support_t))
    x_tangent = logmap0(x, C)
    support_t = jnp.matmul(adj, x_tangent)
    output = proj(expmap0(support_t, C), C)
    return output

if __name__ == "__main__":
    import jax
    _d = setup_inputs()
    print(jax.jit(kernel)(*tuple(_d.values())))

</pallas_src>

<mosaic_0001>
#map = affine_map<(d0, d1) -> (0, 0)>
#map1 = affine_map<(d0, d1) -> (0)>
module attributes {stable_mosaic.version = 14 : i64} {
  func.func @_sc_agg_body(%arg0: i32, %arg1: i32, %arg2: memref<10016x128xf32, #tpu.memory_space<hbm>>, %arg3: memref<100000000xf32, #tpu.memory_space<hbm>>, %arg4: memref<204800xf32, #tpu.memory_space<hbm>>, %arg5: memref<20480xf32, #tpu.memory_space<vmem>>, %arg6: memref<10064xi32, #tpu.memory_space<vmem>>, %arg7: memref<32x128xf32, #tpu.memory_space<vmem>>, %arg8: memref<128xf32, #tpu.memory_space<vmem>>, %arg9: memref<6400xf32, #tpu.memory_space<vmem>>, %arg10: memref<!tpu.dma_semaphore, #tpu.memory_space<semaphore_mem>>, %arg11: memref<!tpu.dma_semaphore, #tpu.memory_space<semaphore_mem>>, %arg12: memref<!tpu.dma_semaphore, #tpu.memory_space<semaphore_mem>>) attributes {dimension_semantics = [#tpu.dimension_semantics<core_parallel>, #tpu.dimension_semantics<subcore_parallel>], iteration_bounds = array<i64: 2, 16>, scalar_prefetch = 0 : i64, scratch_operands = 8 : i64, tpu.core_type = #tpu.core_type<sc_vector_subcore>, window_params = [{transform_indices = #map}, {transform_indices = #map1}, {transform_indices = #map1}]} {
    %mul3A = arith.constant 2 : i32
    %mul3A_0 = arith.muli %arg1, %mul3A : i32
    %add3A = arith.addi %mul3A_0, %arg0 : i32
    %mul3A_1 = arith.constant 50 : i32
    %mul3A_2 = arith.muli %add3A, %mul3A_1 : i32
    %iota3A = tpu.iota {dimensions = array<i32: 0>} : vector<16xi32>
    %broadcast_in_dim3A = arith.constant 15 : i32
    %broadcast_in_dim3A_3 = vector.broadcast %broadcast_in_dim3A : i32 to vector<16xi32>
    %broadcast_in_dim3A_4 = arith.constant 0.000000e+00 : f32
    %broadcast_in_dim3A_5 = vector.broadcast %broadcast_in_dim3A_4 : f32 to vector<16xf32>
    %swap3A = arith.constant 10000 : index
    %swap3A_6 = tpu.vector_load %arg5[%swap3A] {strides = array<i32>} : memref<20480xf32, #tpu.memory_space<vmem>>, vector<16xf32>,
    tpu.vector_store %arg5[%swap3A], %broadcast_in_dim3A_5 {strides = array<i32>} : memref<20480xf32, #tpu.memory_space<vmem>>, vector<16xf32>,
    %swap3A_7 = arith.constant 10016 : index
    %swap3A_8 = tpu.vector_load %arg5[%swap3A_7] {strides = array<i32>} : memref<20480xf32, #tpu.memory_space<vmem>>, vector<16xf32>,
    tpu.vector_store %arg5[%swap3A_7], %broadcast_in_dim3A_5 {strides = array<i32>} : memref<20480xf32, #tpu.memory_space<vmem>>, vector<16xf32>,
    %swap3A_9 = arith.constant 10032 : index
    %swap3A_10 = tpu.vector_load %arg5[%swap3A_9] {strides = array<i32>} : memref<20480xf32, #tpu.memory_space<vmem>>, vector<16xf32>,
    tpu.vector_store %arg5[%swap3A_9], %broadcast_in_dim3A_5 {strides = array<i32>} : memref<20480xf32, #tpu.memory_space<vmem>>, vector<16xf32>,
    %swap3A_11 = arith.constant 10048 : index
    %swap3A_12 = tpu.vector_load %arg5[%swap3A_11] {strides = array<i32>} : memref<20480xf32, #tpu.memory_space<vmem>>, vector<16xf32>,
    tpu.vector_store %arg5[%swap3A_11], %broadcast_in_dim3A_5 {strides = array<i32>} : memref<20480xf32, #tpu.memory_space<vmem>>, vector<16xf32>,
    %swap3A_13 = arith.constant 10064 : index
    %swap3A_14 = tpu.vector_load %arg5[%swap3A_13] {strides = array<i32>} : memref<20480xf32, #tpu.memory_space<vmem>>, vector<16xf32>,
    tpu.vector_store %arg5[%swap3A_13], %broadcast_in_dim3A_5 {strides = array<i32>} : memref<20480xf32, #tpu.memory_space<vmem>>, vector<16xf32>,
    %swap3A_15 = arith.constant 10080 : index
    %swap3A_16 = tpu.vector_load %arg5[%swap3A_15] {strides = array<i32>} : memref<20480xf32, #tpu.memory_space<vmem>>, vector<16xf32>,
    tpu.vector_store %arg5[%swap3A_15], %broadcast_in_dim3A_5 {strides = array<i32>} : memref<20480xf32, #tpu.memory_space<vmem>>, vector<16xf32>,
    %swap3A_17 = arith.constant 10096 : index
    %swap3A_18 = tpu.vector_load %arg5[%swap3A_17] {strides = array<i32>} : memref<20480xf32, #tpu.memory_space<vmem>>, vector<16xf32>,
    tpu.vector_store %arg5[%swap3A_17], %broadcast_in_dim3A_5 {strides = array<i32>} : memref<20480xf32, #tpu.memory_space<vmem>>, vector<16xf32>,
    %swap3A_19 = arith.constant 10112 : index
    %swap3A_20 = tpu.vector_load %arg5[%swap3A_19] {strides = array<i32>} : memref<20480xf32, #tpu.memory_space<vmem>>, vector<16xf32>,
    tpu.vector_store %arg5[%swap3A_19], %broadcast_in_dim3A_5 {strides = array<i32>} : memref<20480xf32, #tpu.memory_space<vmem>>, vector<16xf32>,
    %swap3A_21 = arith.constant 10128 : index
    %swap3A_22 = tpu.vector_load %arg5[%swap3A_21] {strides = array<i32>} : memref<20480xf32, #tpu.memory_space<vmem>>, vector<16xf32>,
    tpu.vector_store %arg5[%swap3A_21], %broadcast_in_dim3A_5 {strides = array<i32>} : memref<20480xf32, #tpu.memory_space<vmem>>, vector<16xf32>,
    %swap3A_23 = arith.constant 10144 : index
    %swap3A_24 = tpu.vector_load %arg5[%swap3A_23] {strides = array<i32>} : memref<20480xf32, #tpu.memory_space<vmem>>, vector<16xf32>,
    tpu.vector_store %arg5[%swap3A_23], %broadcast_in_dim3A_5 {strides = array<i32>} : memref<20480xf32, #tpu.memory_space<vmem>>, vector<16xf32>,
    %swap3A_25 = arith.constant 10160 : index
    %swap3A_26 = tpu.vector_load %arg5[%swap3A_25] {strides = array<i32>} : memref<20480xf32, #tpu.memory_space<vmem>>, vector<16xf32>,
    tpu.vector_store %arg5[%swap3A_25], %broadcast_in_dim3A_5 {strides = array<i32>} : memref<20480xf32, #tpu.memory_space<vmem>>, vector<16xf32>,
    %swap3A_27 = arith.constant 10176 : index
    %swap3A_28 = tpu.vector_load %arg5[%swap3A_27] {strides = array<i32>} : memref<20480xf32, #tpu.memory_space<vmem>>, vector<16xf32>,
    tpu.vector_store %arg5[%swap3A_27], %broadcast_in_dim3A_5 {strides = array<i32>} : memref<20480xf32, #tpu.memory_space<vmem>>, vector<16xf32>,
    %swap3A_29 = arith.constant 10192 : index
    %swap3A_30 = tpu.vector_load %arg5[%swap3A_29] {strides = array<i32>} : memref<20480xf32, #tpu.memory_space<vmem>>, vector<16xf32>,
    tpu.vector_store %arg5[%swap3A_29], %broadcast_in_dim3A_5 {strides = array<i32>} : memref<20480xf32, #tpu.memory_space<vmem>>, vector<16xf32>,
    %swap3A_31 = arith.constant 10208 : index
    %swap3A_32 = tpu.vector_load %arg5[%swap3A_31] {strides = array<i32>} : memref<20480xf32, #tpu.memory_space<vmem>>, vector<16xf32>,
    tpu.vector_store %arg5[%swap3A_31], %broadcast_in_dim3A_5 {strides = array<i32>} : memref<20480xf32, #tpu.memory_space<vmem>>, vector<16xf32>,
    %swap3A_33 = arith.constant 10224 : index
    %swap3A_34 = tpu.vector_load %arg5[%swap3A_33] {strides = array<i32>} : memref<20480xf32, #tpu.memory_space<vmem>>, vector<16xf32>,
    tpu.vector_store %arg5[%swap3A_33], %broadcast_in_dim3A_5 {strides = array<i32>} : memref<20480xf32, #tpu.memory_space<vmem>>, vector<16xf32>,
    %swap3A_35 = arith.constant 20240 : index
    %swap3A_36 = tpu.vector_load %arg5[%swap3A_35] {strides = array<i32>} : memref<20480xf32, #tpu.memory_space<vmem>>, vector<16xf32>,
    tpu.vector_store %arg5[%swap3A_35], %broadcast_in_dim3A_5 {strides = array<i32>} : memref<20480xf32, #tpu.memory_space<vmem>>, vector<16xf32>,
    %swap3A_37 = arith.constant 20256 : index
    %swap3A_38 = tpu.vector_load %arg5[%swap3A_37] {strides = array<i32>} : memref<20480xf32, #tpu.memory_space<vmem>>, vector<16xf32>,
    tpu.vector_store %arg5[%swap3A_37], %broadcast_in_dim3A_5 {strides = array<i32>} : memref<20480xf32, #tpu.memory_space<vmem>>, vector<16xf32>,
    %swap3A_39 = arith.constant 20272 : index
    %swap3A_40 = tpu.vector_load %arg5[%swap3A_39] {strides = array<i32>} : memref<20480xf32, #tpu.memory_space<vmem>>, vector<16xf32>,
    tpu.vector_store %arg5[%swap3A_39], %broadcast_in_dim3A_5 {strides = array<i32>} : memref<20480xf32, #tpu.memory_space<vmem>>, vector<16xf32>,
    %swap3A_41 = arith.constant 20288 : index
    %swap3A_42 = tpu.vector_load %arg5[%swap3A_41] {strides = array<i32>} : memref<20480xf32, #tpu.memory_space<vmem>>, vector<16xf32>,
    tpu.vector_store %arg5[%swap3A_41], %broadcast_in_dim3A_5 {strides = array<i32>} : memref<20480xf32, #tpu.memory_space<vmem>>, vector<16xf32>,
    %swap3A_43 = arith.constant 20304 : index
    %swap3A_44 = tpu.vector_load %arg5[%swap3A_43] {strides = array<i32>} : memref<20480xf32, #tpu.memory_space<vmem>>, vector<16xf32>,
    tpu.vector_store %arg5[%swap3A_43], %broadcast_in_dim3A_5 {strides = array<i32>} : memref<20480xf32, #tpu.memory_space<vmem>>, vector<16xf32>,
    %swap3A_45 = arith.constant 20320 : index
    %swap3A_46 = tpu.vector_load %arg5[%swap3A_45] {strides = array<i32>} : memref<20480xf32, #tpu.memory_space<vmem>>, vector<16xf32>,
    tpu.vector_store %arg5[%swap3A_45], %broadcast_in_dim3A_5 {strides = array<i32>} : memref<20480xf32, #tpu.memory_space<vmem>>, vector<16xf32>,
    %swap3A_47 = arith.constant 20336 : index
    %swap3A_48 = tpu.vector_load %arg5[%swap3A_47] {strides = array<i32>} : memref<20480xf32, #tpu.memory_space<vmem>>, vector<16xf32>,
    tpu.vector_store %arg5[%swap3A_47], %broadcast_in_dim3A_5 {strides = array<i32>} : memref<20480xf32, #tpu.memory_space<vmem>>, vector<16xf32>,
    %swap3A_49 = arith.constant 20352 : index
    %swap3A_50 = tpu.vector_load %arg5[%swap3A_49] {strides = array<i32>} : memref<20480xf32, #tpu.memory_space<vmem>>, vector<16xf32>,
    tpu.vector_store %arg5[%swap3A_49], %broadcast_in_dim3A_5 {strides = array<i32>} : memref<20480xf32, #tpu.memory_space<vmem>>, vector<16xf32>,
    %swap3A_51 = arith.constant 20368 : index
    %swap3A_52 = tpu.vector_load %arg5[%swap3A_51] {strides = array<i32>} : memref<20480xf32, #tpu.memory_space<vmem>>, vector<16xf32>,
    tpu.vector_store %arg5[%swap3A_51], %broadcast_in_dim3A_5 {strides = array<i32>} : memref<20480xf32, #tpu.memory_space<vmem>>, vector<16xf32>,
    %swap3A_53 = arith.constant 20384 : index
    %swap3A_54 = tpu.vector_load %arg5[%swap3A_53] {strides = array<i32>} : memref<20480xf32, #tpu.memory_space<vmem>>, vector<16xf32>,
    tpu.vector_store %arg5[%swap3A_53], %broadcast_in_dim3A_5 {strides = array<i32>} : memref<20480xf32, #tpu.memory_space<vmem>>, vector<16xf32>,
    %swap3A_55 = arith.constant 20400 : index
    %swap3A_56 = tpu.vector_load %arg5[%swap3A_55] {strides = array<i32>} : memref<20480xf32, #tpu.memory_space<vmem>>, vector<16xf32>,
    tpu.vector_store %arg5[%swap3A_55], %broadcast_in_dim3A_5 {strides = array<i32>} : memref<20480xf32, #tpu.memory_space<vmem>>, vector<16xf32>,
    %swap3A_57 = arith.constant 20416 : index
    %swap3A_58 = tpu.vector_load %arg5[%swap3A_57] {strides = array<i32>} : memref<20480xf32, #tpu.memory_space<vmem>>, vector<16xf32>,
    tpu.vector_store %arg5[%swap3A_57], %broadcast_in_dim3A_5 {strides = array<i32>} : memref<20480xf32, #tpu.memory_space<vmem>>, vector<16xf32>,
    %swap3A_59 = arith.constant 20432 : index
    %swap3A_60 = tpu.vector_load %arg5[%swap3A_59] {strides = array<i32>} : memref<20480xf32, #tpu.memory_space<vmem>>, vector<16xf32>,
    tpu.vector_store %arg5[%swap3A_59], %broadcast_in_dim3A_5 {strides = array<i32>} : memref<20480xf32, #tpu.memory_space<vmem>>, vector<16xf32>,
    %swap3A_61 = arith.constant 20448 : index
    %swap3A_62 = tpu.vector_load %arg5[%swap3A_61] {strides = array<i32>} : memref<20480xf32, #tpu.memory_space<vmem>>, vector<16xf32>,
    tpu.vector_store %arg5[%swap3A_61], %broadcast_in_dim3A_5 {strides = array<i32>} : memref<20480xf32, #tpu.memory_space<vmem>>, vector<16xf32>,
    %swap3A_63 = arith.constant 20464 : index
    %swap3A_64 = tpu.vector_load %arg5[%swap3A_63] {strides = array<i32>} : memref<20480xf32, #tpu.memory_space<vmem>>, vector<16xf32>,
    tpu.vector_store %arg5[%swap3A_63], %broadcast_in_dim3A_5 {strides = array<i32>} : memref<20480xf32, #tpu.memory_space<vmem>>, vector<16xf32>,
    %add3A_65 = arith.constant 0 : i32
    %add3A_66 = arith.addi %mul3A_2, %add3A_65 : i32
    %mul3A_67 = arith.constant 10000 : i32
    %mul3A_68 = arith.muli %add3A_66, %mul3A_67 : i32
    %dma_start3A = arith.constant 0 : i32
    %dma_start3A_69 = tpu.memref_slice %arg5[%dma_start3A] : memref<20480xf32, #tpu.memory_space<vmem>> -> memref<10000xf32, #tpu.memory_space<vmem>>
    %dma_start3A_70 = tpu.memref_slice %arg3[%mul3A_68] : memref<100000000xf32, #tpu.memory_space<hbm>> -> memref<10000xf32, #tpu.memory_space<hbm>>
    %dma_start3A_71 = arith.constant 0 : i32
    %dma_start3A_72 = tpu.memref_slice %arg5[%dma_start3A_71] : memref<20480xf32, #tpu.memory_space<vmem>> -> memref<10000xf32, #tpu.memory_space<vmem>>
    %dma_start3A_73 = tpu.memref_slice %arg3[%mul3A_68] : memref<100000000xf32, #tpu.memory_space<hbm>> -> memref<10000xf32, #tpu.memory_space<hbm>>
    tpu.enqueue_dma source(%dma_start3A_73 : memref<10000xf32, #tpu.memory_space<hbm>>) target(%dma_start3A_72 : memref<10000xf32, #tpu.memory_space<vmem>>) target_semaphore(%arg10 : memref<!tpu.dma_semaphore, #tpu.memory_space<semaphore_mem>>)
    %scan3A = arith.constant 0 : i32
    %scan3A_74 = arith.constant 0 : i32
    %scan3A_75 = arith.constant 50 : i32
    %scan3A_76 = arith.addi %scan3A_74, %scan3A_75 : i32
    %scan3A_77 = arith.constant 1 : i32
    %scan3A_78 = scf.for %scan3A_82 = %scan3A_74 to %scan3A_76 step %scan3A_77 iter_args(%scan3A_83 = %scan3A) -> (i32)  : i32 {
      %and3A = arith.constant 1 : i32
      %and3A_84 = arith.andi %scan3A_82, %and3A : i32
      %add3A_85 = arith.addi %mul3A_2, %scan3A_82 : i32
      %mul3A_86 = arith.constant 10000 : i32
      %mul3A_87 = arith.muli %add3A_85, %mul3A_86 : i32
      %mul3A_88 = arith.constant 10240 : i32
      %mul3A_89 = arith.muli %and3A_84, %mul3A_88 : i32
      %dma_wait3A = tpu.memref_slice %arg5[%mul3A_89] : memref<20480xf32, #tpu.memory_space<vmem>> -> memref<10000xf32, #tpu.memory_space<vmem>>
      %dma_wait3A_90 = tpu.memref_slice %arg3[%mul3A_87] : memref<100000000xf32, #tpu.memory_space<hbm>> -> memref<10000xf32, #tpu.memory_space<hbm>>
      %dma_wait3A_91 = tpu.memref_slice %arg5[%mul3A_89] : memref<20480xf32, #tpu.memory_space<vmem>> -> memref<10000xf32, #tpu.memory_space<vmem>>
      %dma_wait3A_92 = tpu.memref_slice %arg3[%mul3A_87] : memref<100000000xf32, #tpu.memory_space<hbm>> -> memref<10000xf32, #tpu.memory_space<hbm>>
      tpu.wait_dma2 semaphore(%arg10 : memref<!tpu.dma_semaphore, #tpu.memory_space<semaphore_mem>>) src(%dma_wait3A_92 : memref<10000xf32, #tpu.memory_space<hbm>>) dst(%dma_wait3A_91 : memref<10000xf32, #tpu.memory_space<vmem>>)
      %add3A_93 = arith.constant 1 : i32
      %add3A_94 = arith.addi %scan3A_82, %add3A_93 : i32
      %lt3A = arith.constant 50 : i32
      %lt3A_95 = arith.cmpi slt, %add3A_94, %lt3A : i32
      %convert_element_type3A = arith.extui %lt3A_95 : i1 to i32
      %cond3A = arith.constant 0 : i32
      %cond3A_96 = arith.cmpi ne, %convert_element_type3A, %cond3A : i32
      scf.if %cond3A_96 {
        %add3A_236 = arith.constant 1 : i32
        %add3A_237 = arith.addi %scan3A_82, %add3A_236 : i32
        %add3A_238 = arith.constant 1 : i32
        %add3A_239 = arith.addi %scan3A_82, %add3A_238 : i32
        %and3A_240 = arith.constant 1 : i32
        %and3A_241 = arith.andi %add3A_239, %and3A_240 : i32
        %add3A_242 = arith.addi %mul3A_2, %add3A_237 : i32
        %mul3A_243 = arith.constant 10000 : i32
        %mul3A_244 = arith.muli %add3A_242, %mul3A_243 : i32
        %mul3A_245 = arith.constant 10240 : i32
        %mul3A_246 = arith.muli %and3A_241, %mul3A_245 : i32
        %dma_start3A_247 = tpu.memref_slice %arg5[%mul3A_246] : memref<20480xf32, #tpu.memory_space<vmem>> -> memref<10000xf32, #tpu.memory_space<vmem>>
        %dma_start3A_248 = tpu.memref_slice %arg3[%mul3A_244] : memref<100000000xf32, #tpu.memory_space<hbm>> -> memref<10000xf32, #tpu.memory_space<hbm>>
        %dma_start3A_249 = tpu.memref_slice %arg5[%mul3A_246] : memref<20480xf32, #tpu.memory_space<vmem>> -> memref<10000xf32, #tpu.memory_space<vmem>>
        %dma_start3A_250 = tpu.memref_slice %arg3[%mul3A_244] : memref<100000000xf32, #tpu.memory_space<hbm>> -> memref<10000xf32, #tpu.memory_space<hbm>>
        tpu.enqueue_dma source(%dma_start3A_250 : memref<10000xf32, #tpu.memory_space<hbm>>) target(%dma_start3A_249 : memref<10000xf32, #tpu.memory_space<vmem>>) target_semaphore(%arg10 : memref<!tpu.dma_semaphore, #tpu.memory_space<semaphore_mem>>)
      } else {
      }
      %broadcast_in_dim3A_97 = arith.constant 0 : i32
      %broadcast_in_dim3A_98 = vector.broadcast %broadcast_in_dim3A_97 : i32 to vector<16xi32>
      %slice3A = vector.extract_strided_slice %broadcast_in_dim3A_98 {offsets = [0], sizes = [1], strides = [1]} : vector<16xi32> to vector<1xi32>
      %squeeze3A = vector.extract %slice3A[0] : i32 from vector<1xi32>
      %broadcast_in_dim3A_99 = arith.constant 10000 : i32
      %broadcast_in_dim3A_100 = vector.broadcast %broadcast_in_dim3A_99 : i32 to vector<16xi32>
      %swap3A_101 = arith.index_cast %squeeze3A : i32 to index
      %swap3A_102 = tpu.vector_load %arg6[%swap3A_101] {strides = array<i32>} : memref<10064xi32, #tpu.memory_space<vmem>>, vector<16xi32>,
      tpu.vector_store %arg6[%swap3A_101], %broadcast_in_dim3A_100 {strides = array<i32>} : memref<10064xi32, #tpu.memory_space<vmem>>, vector<16xi32>,
      %add3A_103 = arith.constant 16 : i32
      %add3A_104 = arith.addi %squeeze3A, %add3A_103 : i32
      %swap3A_105 = arith.index_cast %add3A_104 : i32 to index
      %swap3A_106 = tpu.vector_load %arg6[%swap3A_105] {strides = array<i32>} : memref<10064xi32, #tpu.memory_space<vmem>>, vector<16xi32>,
      tpu.vector_store %arg6[%swap3A_105], %broadcast_in_dim3A_100 {strides = array<i32>} : memref<10064xi32, #tpu.memory_space<vmem>>, vector<16xi32>,
      %add3A_107 = arith.constant 32 : i32
      %add3A_108 = arith.addi %squeeze3A, %add3A_107 : i32
      %swap3A_109 = arith.index_cast %add3A_108 : i32 to index
      %swap3A_110 = tpu.vector_load %arg6[%swap3A_109] {strides = array<i32>} : memref<10064xi32, #tpu.memory_space<vmem>>, vector<16xi32>,
      tpu.vector_store %arg6[%swap3A_109], %broadcast_in_dim3A_100 {strides = array<i32>} : memref<10064xi32, #tpu.memory_space<vmem>>, vector<16xi32>,
      %add3A_111 = arith.constant 31 : i32
      %add3A_112 = arith.addi %squeeze3A, %add3A_111 : i32
      %jit3A = arith.constant 32 : i32
      %div3A = arith.divsi %add3A_112, %jit3A : i32
      %sign3A = arith.constant 0 : i32
      %sign3A_113 = arith.cmpi sgt, %add3A_112, %sign3A : i32
      %sign3A_114 = arith.extui %sign3A_113 : i1 to i32
      %sign3A_115 = arith.constant 0 : i32
      %sign3A_116 = arith.cmpi slt, %add3A_112, %sign3A_115 : i32
      %sign3A_117 = arith.extui %sign3A_116 : i1 to i32
      %sign3A_118 = arith.subi %sign3A_114, %sign3A_117 : i32
      %sign3A_119 = arith.constant 0 : i32
      %sign3A_120 = arith.cmpi sgt, %jit3A, %sign3A_119 : i32
      %sign3A_121 = arith.extui %sign3A_120 : i1 to i32
      %sign3A_122 = arith.constant 0 : i32
      %sign3A_123 = arith.cmpi slt, %jit3A, %sign3A_122 : i32
      %sign3A_124 = arith.extui %sign3A_123 : i1 to i32
      %sign3A_125 = arith.subi %sign3A_121, %sign3A_124 : i32
      %ne3A = arith.cmpi ne, %sign3A_118, %sign3A_125 : i32
      %rem3A = arith.remsi %add3A_112, %jit3A : i32
      %ne3A_126 = arith.constant 0 : i32
      %ne3A_127 = arith.cmpi ne, %rem3A, %ne3A_126 : i32
      %and3A_128 = arith.andi %ne3A, %ne3A_127 : i1
      %sub3A = arith.constant 1 : i32
      %sub3A_129 = arith.subi %div3A, %sub3A : i32
      %select_n3A = arith.select %and3A_128, %sub3A_129, %div3A : i32
      %swap3A_130 = arith.constant 0 : index
      %swap3A_131 = tpu.vector_load %arg8[%swap3A_130] {strides = array<i32>} : memref<128xf32, #tpu.memory_space<vmem>>, vector<16xf32>,
      tpu.vector_store %arg8[%swap3A_130], %broadcast_in_dim3A_5 {strides = array<i32>} : memref<128xf32, #tpu.memory_space<vmem>>, vector<16xf32>,
      %swap3A_132 = arith.constant 16 : index
      %swap3A_133 = tpu.vector_load %arg8[%swap3A_132] {strides = array<i32>} : memref<128xf32, #tpu.memory_space<vmem>>, vector<16xf32>,
      tpu.vector_store %arg8[%swap3A_132], %broadcast_in_dim3A_5 {strides = array<i32>} : memref<128xf32, #tpu.memory_space<vmem>>, vector<16xf32>,
      %swap3A_134 = arith.constant 32 : index
      %swap3A_135 = tpu.vector_load %arg8[%swap3A_134] {strides = array<i32>} : memref<128xf32, #tpu.memory_space<vmem>>, vector<16xf32>,
      tpu.vector_store %arg8[%swap3A_134], %broadcast_in_dim3A_5 {strides = array<i32>} : memref<128xf32, #tpu.memory_space<vmem>>, vector<16xf32>,
      %swap3A_136 = arith.constant 48 : index
      %swap3A_137 = tpu.vector_load %arg8[%swap3A_136] {strides = array<i32>} : memref<128xf32, #tpu.memory_space<vmem>>, vector<16xf32>,
      tpu.vector_store %arg8[%swap3A_136], %broadcast_in_dim3A_5 {strides = array<i32>} : memref<128xf32, #tpu.memory_space<vmem>>, vector<16xf32>,
      %swap3A_138 = arith.constant 64 : index
      %swap3A_139 = tpu.vector_load %arg8[%swap3A_138] {strides = array<i32>} : memref<128xf32, #tpu.memory_space<vmem>>, vector<16xf32>,
      tpu.vector_store %arg8[%swap3A_138], %broadcast_in_dim3A_5 {strides = array<i32>} : memref<128xf32, #tpu.memory_space<vmem>>, vector<16xf32>,
      %swap3A_140 = arith.constant 80 : index
      %swap3A_141 = tpu.vector_load %arg8[%swap3A_140] {strides = array<i32>} : memref<128xf32, #tpu.memory_space<vmem>>, vector<16xf32>,
      tpu.vector_store %arg8[%swap3A_140], %broadcast_in_dim3A_5 {strides = array<i32>} : memref<128xf32, #tpu.memory_space<vmem>>, vector<16xf32>,
      %swap3A_142 = arith.constant 96 : index
      %swap3A_143 = tpu.vector_load %arg8[%swap3A_142] {strides = array<i32>} : memref<128xf32, #tpu.memory_space<vmem>>, vector<16xf32>,
      tpu.vector_store %arg8[%swap3A_142], %broadcast_in_dim3A_5 {strides = array<i32>} : memref<128xf32, #tpu.memory_space<vmem>>, vector<16xf32>,
      %swap3A_144 = arith.constant 112 : index
      %swap3A_145 = tpu.vector_load %arg8[%swap3A_144] {strides = array<i32>} : memref<128xf32, #tpu.memory_space<vmem>>, vector<16xf32>,
      tpu.vector_store %arg8[%swap3A_144], %broadcast_in_dim3A_5 {strides = array<i32>} : memref<128xf32, #tpu.memory_space<vmem>>, vector<16xf32>,
      %while3A = arith.constant 0 : i32
      %while3A_146 = arith.constant 0 : i32
      %while3A_147 = arith.subi %select_n3A, %while3A : i32
      %while3A_148 = arith.addi %while3A, %while3A_147 : i32
      %while3A_149 = arith.constant 1 : i32
      %while3A_150 = arith.divsi %while3A_147, %while3A_149 : i32
      %while3A_151 = arith.muli %while3A_150, %while3A_149 : i32
      %while3A_152 = arith.addi %while3A, %while3A_151 : i32
      %while3A_153 = arith.constant 1 : i32
      %while3A_154 = scf.for %while3A_236 = %while3A to %while3A_152 step %while3A_153 iter_args(%while3A_237 = %while3A_146) -> (i32)  : i32 {
        %mul3A_238 = arith.constant 32 : i32
        %mul3A_239 = arith.muli %mul3A_238, %while3A_236 : i32
        %get3A_240 = arith.index_cast %mul3A_239 : i32 to index
        %get3A_241 = tpu.vector_load %arg6[%get3A_240] {strides = array<i32>} : memref<10064xi32, #tpu.memory_space<vmem>>, vector<16xi32>,
        %mul3A_242 = arith.constant 32 : i32
        %mul3A_243 = arith.muli %mul3A_242, %while3A_236 : i32
        %add3A_244 = arith.constant 16 : i32
        %add3A_245 = arith.addi %mul3A_243, %add3A_244 : i32
        %get3A_246 = arith.index_cast %add3A_245 : i32 to index
        %get3A_247 = tpu.vector_load %arg6[%get3A_246] {strides = array<i32>} : memref<10064xi32, #tpu.memory_space<vmem>>, vector<16xi32>,
        %dma_start3A_248 = arith.constant 0 : i32
        %dma_start3A_249 = arith.constant 0 : i32
        %dma_start3A_250 = tpu.memref_slice %arg7[%dma_start3A_248, %dma_start3A_249] : memref<32x128xf32, #tpu.memory_space<vmem>> -> memref<16x128xf32, #tpu.memory_space<vmem>>
        %dma_start3A_251 = arith.constant 0 : i32
        %dma_start3A_252 = arith.constant 0 : i32
        %dma_start3A_253 = tpu.memref_slice %arg2[%dma_start3A_251, %dma_start3A_252] : memref<10016x128xf32, #tpu.memory_space<hbm>> -> memref<10016x128xf32, #tpu.memory_space<hbm>>
        tpu.enqueue_indirect_dma source(%dma_start3A_253 : memref<10016x128xf32, #tpu.memory_space<hbm>>) target(%dma_start3A_250 : memref<16x128xf32, #tpu.memory_space<vmem>>) offsets(%get3A_241 : vector<16xi32>) semaphore(%arg11 : memref<!tpu.dma_semaphore, #tpu.memory_space<semaphore_mem>>)
        %dma_start3A_254 = arith.constant 16 : i32
        %dma_start3A_255 = arith.constant 0 : i32
        %dma_start3A_256 = tpu.memref_slice %arg7[%dma_start3A_254, %dma_start3A_255] : memref<32x128xf32, #tpu.memory_space<vmem>> -> memref<16x128xf32, #tpu.memory_space<vmem>>
        %dma_start3A_257 = arith.constant 0 : i32
        %dma_start3A_258 = arith.constant 0 : i32
        %dma_start3A_259 = tpu.memref_slice %arg2[%dma_start3A_257, %dma_start3A_258] : memref<10016x128xf32, #tpu.memory_space<hbm>> -> memref<10016x128xf32, #tpu.memory_space<hbm>>
        tpu.enqueue_indirect_dma source(%dma_start3A_259 : memref<10016x128xf32, #tpu.memory_space<hbm>>) target(%dma_start3A_256 : memref<16x128xf32, #tpu.memory_space<vmem>>) offsets(%get3A_247 : vector<16xi32>) semaphore(%arg11 : memref<!tpu.dma_semaphore, #tpu.memory_space<semaphore_mem>>)
        %dma_wait3A_260 = arith.constant 0 : i32
        %dma_wait3A_261 = arith.constant 0 : i32
        %dma_wait3A_262 = tpu.memref_slice %arg7[%dma_wait3A_260, %dma_wait3A_261] : memref<32x128xf32, #tpu.memory_space<vmem>> -> memref<16x128xf32, #tpu.memory_space<vmem>>
        %dma_wait3A_263 = arith.constant 0 : i32
        %dma_wait3A_264 = arith.constant 0 : i32
        %dma_wait3A_265 = tpu.memref_slice %arg2[%dma_wait3A_263, %dma_wait3A_264] : memref<10016x128xf32, #tpu.memory_space<hbm>> -> memref<10016x128xf32, #tpu.memory_space<hbm>>
        tpu.wait_indirect_dma semaphore(%arg11 : memref<!tpu.dma_semaphore, #tpu.memory_space<semaphore_mem>>) src(%dma_wait3A_265 : memref<10016x128xf32, #tpu.memory_space<hbm>>) dst(%dma_wait3A_262 : memref<16x128xf32, #tpu.memory_space<vmem>>)
        %dma_wait3A_266 = arith.constant 16 : i32
        %dma_wait3A_267 = arith.constant 0 : i32
        %dma_wait3A_268 = tpu.memref_slice %arg7[%dma_wait3A_266, %dma_wait3A_267] : memref<32x128xf32, #tpu.memory_space<vmem>> -> memref<16x128xf32, #tpu.memory_space<vmem>>
        %dma_wait3A_269 = arith.constant 0 : i32
        %dma_wait3A_270 = arith.constant 0 : i32
        %dma_wait3A_271 = tpu.memref_slice %arg2[%dma_wait3A_269, %dma_wait3A_270] : memref<10016x128xf32, #tpu.memory_space<hbm>> -> memref<10016x128xf32, #tpu.memory_space<hbm>>
        tpu.wait_indirect_dma semaphore(%arg11 : memref<!tpu.dma_semaphore, #tpu.memory_space<semaphore_mem>>) src(%dma_wait3A_271 : memref<10016x128xf32, #tpu.memory_space<hbm>>) dst(%dma_wait3A_268 : memref<16x128xf32, #tpu.memory_space<vmem>>)
        %get3A_272 = arith.constant 0 : index
        %get3A_273 = tpu.vector_load %arg8[%get3A_272] {strides = array<i32>} : memref<128xf32, #tpu.memory_space<vmem>>, vector<16xf32>,
        %get3A_274 = arith.constant 0 : i32
        %get3A_275 = arith.index_cast %get3A_274 : i32 to index
        %get3A_276 = arith.constant 0 : index
        %get3A_277 = tpu.vector_load %arg7[%get3A_275, %get3A_276] {strides = array<i32>} : memref<32x128xf32, #tpu.memory_space<vmem>>, vector<16xf32>,
        %add3A_278 = arith.addf %get3A_273, %get3A_277 : vector<16xf32>
        %get3A_279 = arith.constant 1 : i32
        %get3A_280 = arith.index_cast %get3A_279 : i32 to index
        %get3A_281 = arith.constant 0 : index
        %get3A_282 = tpu.vector_load %arg7[%get3A_280, %get3A_281] {strides = array<i32>} : memref<32x128xf32, #tpu.memory_space<vmem>>, vector<16xf32>,
        %add3A_283 = arith.addf %add3A_278, %get3A_282 : vector<16xf32>
        %get3A_284 = arith.constant 2 : i32
        %get3A_285 = arith.index_cast %get3A_284 : i32 to index
        %get3A_286 = arith.constant 0 : index
        %get3A_287 = tpu.vector_load %arg7[%get3A_285, %get3A_286] {strides = array<i32>} : memref<32x128xf32, #tpu.memory_space<vmem>>, vector<16xf32>,
        %add3A_288 = arith.addf %add3A_283, %get3A_287 : vector<16xf32>
        %get3A_289 = arith.constant 3 : i32
        %get3A_290 = arith.index_cast %get3A_289 : i32 to index
        %get3A_291 = arith.constant 0 : index
        %get3A_292 = tpu.vector_load %arg7[%get3A_290, %get3A_291] {strides = array<i32>} : memref<32x128xf32, #tpu.memory_space<vmem>>, vector<16xf32>,
        %add3A_293 = arith.addf %add3A_288, %get3A_292 : vector<16xf32>
        %get3A_294 = arith.constant 4 : i32
        %get3A_295 = arith.index_cast %get3A_294 : i32 to index
        %get3A_296 = arith.constant 0 : index
        %get3A_297 = tpu.vector_load %arg7[%get3A_295, %get3A_296] {strides = array<i32>} : memref<32x128xf32, #tpu.memory_space<vmem>>, vector<16xf32>,
        %add3A_298 = arith.addf %add3A_293, %get3A_297 : vector<16xf32>
        %get3A_299 = arith.constant 5 : i32
        %get3A_300 = arith.index_cast %get3A_299 : i32 to index
        %get3A_301 = arith.constant 0 : index
        %get3A_302 = tpu.vector_load %arg7[%get3A_300, %get3A_301] {strides = array<i32>} : memref<32x128xf32, #tpu.memory_space<vmem>>, vector<16xf32>,
        %add3A_303 = arith.addf %add3A_298, %get3A_302 : vector<16xf32>
        %get3A_304 = arith.constant 6 : i32
        %get3A_305 = arith.index_cast %get3A_304 : i32 to index
        %get3A_306 = arith.constant 0 : index
        %get3A_307 = tpu.vector_load %arg7[%get3A_305, %get3A_306] {strides = array<i32>} : memref<32x128xf32, #tpu.memory_space<vmem>>, vector<16xf32>,
        %add3A_308 = arith.addf %add3A_303, %get3A_307 : vector<16xf32>
        %get3A_309 = arith.constant 7 : i32
        %get3A_310 = arith.index_cast %get3A_309 : i32 to index
        %get3A_311 = arith.constant 0 : index
        %get3A_312 = tpu.vector_load %arg7[%get3A_310, %get3A_311] {strides = array<i32>} : memref<32x128xf32, #tpu.memory_space<vmem>>, vector<16xf32>,
        %add3A_313 = arith.addf %add3A_308, %get3A_312 : vector<16xf32>
        %get3A_314 = arith.constant 8 : i32
        %get3A_315 = arith.index_cast %get3A_314 : i32 to index
        %get3A_316 = arith.constant 0 : index
        %get3A_317 = tpu.vector_load %arg7[%get3A_315, %get3A_316] {strides = array<i32>} : memref<32x128xf32, #tpu.memory_space<vmem>>, vector<16xf32>,
        %add3A_318 = arith.addf %add3A_313, %get3A_317 : vector<16xf32>
        %get3A_319 = arith.constant 9 : i32
        %get3A_320 = arith.index_cast %get3A_319 : i32 to index
        %get3A_321 = arith.constant 0 : index
        %get3A_322 = tpu.vector_load %arg7[%get3A_320, %get3A_321] {strides = array<i32>} : memref<32x128xf32, #tpu.memory_space<vmem>>, vector<16xf32>,
        %add3A_323 = arith.addf %add3A_318, %get3A_322 : vector<16xf32>
        %get3A_324 = arith.constant 10 : i32
        %get3A_325 = arith.index_cast %get3A_324 : i32 to index
        %get3A_326 = arith.constant 0 : index
        %get3A_327 = tpu.vector_load %arg7[%get3A_325, %get3A_326] {strides = array<i32>} : memref<32x128xf32, #tpu.memory_space<vmem>>, vector<16xf32>,
        %add3A_328 = arith.addf %add3A_323, %get3A_327 : vector<16xf32>
        %get3A_329 = arith.constant 11 : i32
        %get3A_330 = arith.index_cast %get3A_329 : i32 to index
        %get3A_331 = arith.constant 0 : index
        %get3A_332 = tpu.vector_load %arg7[%get3A_330, %get3A_331] {strides = array<i32>} : memref<32x128xf32, #tpu.memory_space<vmem>>, vector<16xf32>,
        %add3A_333 = arith.addf %add3A_328, %get3A_332 : vector<16xf32>
        %get3A_334 = arith.constant 12 : i32
        %get3A_335 = arith.index_cast %get3A_334 : i32 to index
        %get3A_336 = arith.constant 0 : index
        %get3A_337 = tpu.vector_load %arg7[%get3A_335, %get3A_336] {strides = array<i32>} : memref<32x128xf32, #tpu.memory_space<vmem>>, vector<16xf32>,
        %add3A_338 = arith.addf %add3A_333, %get3A_337 : vector<16xf32>
        %get3A_339 = arith.constant 13 : i32
        %get3A_340 = arith.index_cast %get3A_339 : i32 to index
        %get3A_341 = arith.constant 0 : index
        %get3A_342 = tpu.vector_load %arg7[%get3A_340, %get3A_341] {strides = array<i32>} : memref<32x128xf32, #tpu.memory_space<vmem>>, vector<16xf32>,
        %add3A_343 = arith.addf %add3A_338, %get3A_342 : vector<16xf32>
        %get3A_344 = arith.constant 14 : i32
        %get3A_345 = arith.index_cast %get3A_344 : i32 to index
        %get3A_346 = arith.constant 0 : index
        %get3A_347 = tpu.vector_load %arg7[%get3A_345, %get3A_346] {strides = array<i32>} : memref<32x128xf32, #tpu.memory_space<vmem>>, vector<16xf32>,
        %add3A_348 = arith.addf %add3A_343, %get3A_347 : vector<16xf32>
        %get3A_349 = arith.constant 15 : i32
        %get3A_350 = arith.index_cast %get3A_349 : i32 to index
        %get3A_351 = arith.constant 0 : index
        %get3A_352 = tpu.vector_load %arg7[%get3A_350, %get3A_351] {strides = array<i32>} : memref<32x128xf32, #tpu.memory_space<vmem>>, vector<16xf32>,
        %add3A_353 = arith.addf %add3A_348, %get3A_352 : vector<16xf32>
        %get3A_354 = arith.constant 16 : i32
        %get3A_355 = arith.index_cast %get3A_354 : i32 to index
        %get3A_356 = arith.constant 0 : index
        %get3A_357 = tpu.vector_load %arg7[%get3A_355, %get3A_356] {strides = array<i32>} : memref<32x128xf32, #tpu.memory_space<vmem>>, vector<16xf32>,
        %add3A_358 = arith.addf %add3A_353, %get3A_357 : vector<16xf32>
        %get3A_359 = arith.constant 17 : i32
        %get3A_360 = arith.index_cast %get3A_359 : i32 to index
        %get3A_361 = arith.constant 0 : index
        %get3A_362 = tpu.vector_load %arg7[%get3A_360, %get3A_361] {strides = array<i32>} : memref<32x128xf32, #tpu.memory_space<vmem>>, vector<16xf32>,
        %add3A_363 = arith.addf %add3A_358, %get3A_362 : vector<16xf32>
        %get3A_364 = arith.constant 18 : i32
        %get3A_365 = arith.index_cast %get3A_364 : i32 to index
        %get3A_366 = arith.constant 0 : index
        %get3A_367 = tpu.vector_load %arg7[%get3A_365, %get3A_366] {strides = array<i32>} : memref<32x128xf32, #tpu.memory_space<vmem>>, vector<16xf32>,
        %add3A_368 = arith.addf %add3A_363, %get3A_367 : vector<16xf32>
        %get3A_369 = arith.constant 19 : i32
        %get3A_370 = arith.index_cast %get3A_369 : i32 to index
        %get3A_371 = arith.constant 0 : index
        %get3A_372 = tpu.vector_load %arg7[%get3A_370, %get3A_371] {strides = array<i32>} : memref<32x128xf32, #tpu.memory_space<vmem>>, vector<16xf32>,
        %add3A_373 = arith.addf %add3A_368, %get3A_372 : vector<16xf32>
        %get3A_374 = arith.constant 20 : i32
        %get3A_375 = arith.index_cast %get3A_374 : i32 to index
        %get3A_376 = arith.constant 0 : index
        %get3A_377 = tpu.vector_load %arg7[%get3A_375, %get3A_376] {strides = array<i32>} : memref<32x128xf32, #tpu.memory_space<vmem>>, vector<16xf32>,
        %add3A_378 = arith.addf %add3A_373, %get3A_377 : vector<16xf32>
        %get3A_379 = arith.constant 21 : i32
        %get3A_380 = arith.index_cast %get3A_379 : i32 to index
        %get3A_381 = arith.constant 0 : index
        %get3A_382 = tpu.vector_load %arg7[%get3A_380, %get3A_381] {strides = array<i32>} : memref<32x128xf32, #tpu.memory_space<vmem>>, vector<16xf32>,
        %add3A_383 = arith.addf %add3A_378, %get3A_382 : vector<16xf32>
        %get3A_384 = arith.constant 22 : i32
        %get3A_385 = arith.index_cast %get3A_384 : i32 to index
        %get3A_386 = arith.constant 0 : index
        %get3A_387 = tpu.vector_load %arg7[%get3A_385, %get3A_386] {strides = array<i32>} : memref<32x128xf32, #tpu.memory_space<vmem>>, vector<16xf32>,
        %add3A_388 = arith.addf %add3A_383, %get3A_387 : vector<16xf32>
        %get3A_389 = arith.constant 23 : i32
        %get3A_390 = arith.index_cast %get3A_389 : i32 to index
        %get3A_391 = arith.constant 0 : index
        %get3A_392 = tpu.vector_load %arg7[%get3A_390, %get3A_391] {strides = array<i32>} : memref<32x128xf32, #tpu.memory_space<vmem>>, vector<16xf32>,
        %add3A_393 = arith.addf %add3A_388, %get3A_392 : vector<16xf32>
        %get3A_394 = arith.constant 24 : i32
        %get3A_395 = arith.index_cast %get3A_394 : i32 to index
        %get3A_396 = arith.constant 0 : index
        %get3A_397 = tpu.vector_load %arg7[%get3A_395, %get3A_396] {strides = array<i32>} : memref<32x128xf32, #tpu.memory_space<vmem>>, vector<16xf32>,
        %add3A_398 = arith.addf %add3A_393, %get3A_397 : vector<16xf32>
        %get3A_399 = arith.constant 25 : i32
        %get3A_400 = arith.index_cast %get3A_399 : i32 to index
        %get3A_401 = arith.constant 0 : index
        %get3A_402 = tpu.vector_load %arg7[%get3A_400, %get3A_401] {strides = array<i32>} : memref<32x128xf32, #tpu.memory_space<vmem>>, vector<16xf32>,
        %add3A_403 = arith.addf %add3A_398, %get3A_402 : vector<16xf32>
        %get3A_404 = arith.constant 26 : i32
        %get3A_405 = arith.index_cast %get3A_404 : i32 to index
        %get3A_406 = arith.constant 0 : index
        %get3A_407 = tpu.vector_load %arg7[%get3A_405, %get3A_406] {strides = array<i32>} : memref<32x128xf32, #tpu.memory_space<vmem>>, vector<16xf32>,
        %add3A_408 = arith.addf %add3A_403, %get3A_407 : vector<16xf32>
        %get3A_409 = arith.constant 27 : i32
        %get3A_410 = arith.index_cast %get3A_409 : i32 to index
        %get3A_411 = arith.constant 0 : index
        %get3A_412 = tpu.vector_load %arg7[%get3A_410, %get3A_411] {strides = array<i32>} : memref<32x128xf32, #tpu.memory_space<vmem>>, vector<16xf32>,
        %add3A_413 = arith.addf %add3A_408, %get3A_412 : vector<16xf32>
        %get3A_414 = arith.constant 28 : i32
        %get3A_415 = arith.index_cast %get3A_414 : i32 to index
        %get3A_416 = arith.constant 0 : index
        %get3A_417 = tpu.vector_load %arg7[%get3A_415, %get3A_416] {strides = array<i32>} : memref<32x128xf32, #tpu.memory_space<vmem>>, vector<16xf32>,
        %add3A_418 = arith.addf %add3A_413, %get3A_417 : vector<16xf32>
        %get3A_419 = arith.constant 29 : i32
        %get3A_420 = arith.index_cast %get3A_419 : i32 to index
        %get3A_421 = arith.constant 0 : index
        %get3A_422 = tpu.vector_load %arg7[%get3A_420, %get3A_421] {strides = array<i32>} : memref<32x128xf32, #tpu.memory_space<vmem>>, vector<16xf32>,
        %add3A_423 = arith.addf %add3A_418, %get3A_422 : vector<16xf32>
        %get3A_424 = arith.constant 30 : i32
        %get3A_425 = arith.index_cast %get3A_424 : i32 to index
        %get3A_426 = arith.constant 0 : index
        %get3A_427 = tpu.vector_load %arg7[%get3A_425, %get3A_426] {strides = array<i32>} : memref<32x128xf32, #tpu.memory_space<vmem>>, vector<16xf32>,
        %add3A_428 = arith.addf %add3A_423, %get3A_427 : vector<16xf32>
        %get3A_429 = arith.constant 31 : i32
        %get3A_430 = arith.index_cast %get3A_429 : i32 to index
        %get3A_431 = arith.constant 0 : index
        %get3A_432 = tpu.vector_load %arg7[%get3A_430, %get3A_431] {strides = array<i32>} : memref<32x128xf32, #tpu.memory_space<vmem>>, vector<16xf32>,
        %add3A_433 = arith.addf %add3A_428, %get3A_432 : vector<16xf32>
        %swap3A_434 = arith.constant 0 : index
        %swap3A_435 = tpu.vector_load %arg8[%swap3A_434] {strides = array<i32>} : memref<128xf32, #tpu.memory_space<vmem>>, vector<16xf32>,
        tpu.vector_store %arg8[%swap3A_434], %add3A_433 {strides = array<i32>} : memref<128xf32, #tpu.memory_space<vmem>>, vector<16xf32>,
        %get3A_436 = arith.constant 16 : index
        %get3A_437 = tpu.vector_load %arg8[%get3A_436] {strides = array<i32>} : memref<128xf32, #tpu.memory_space<vmem>>, vector<16xf32>,
        %get3A_438 = arith.constant 0 : i32
        %get3A_439 = arith.index_cast %get3A_438 : i32 to index
        %get3A_440 = arith.constant 16 : index
        %get3A_441 = tpu.vector_load %arg7[%get3A_439, %get3A_440] {strides = array<i32>} : memref<32x128xf32, #tpu.memory_space<vmem>>, vector<16xf32>,
        %add3A_442 = arith.addf %get3A_437, %get3A_441 : vector<16xf32>
        %get3A_443 = arith.constant 1 : i32
        %get3A_444 = arith.index_cast %get3A_443 : i32 to index
        %get3A_445 = arith.constant 16 : index
        %get3A_446 = tpu.vector_load %arg7[%get3A_444, %get3A_445] {strides = array<i32>} : memref<32x128xf32, #tpu.memory_space<vmem>>, vector<16xf32>,
        %add3A_447 = arith.addf %add3A_442, %get3A_446 : vector<16xf32>
        %get3A_448 = arith.constant 2 : i32
        %get3A_449 = arith.index_cast %get3A_448 : i32 to index
        %get3A_450 = arith.constant 16 : index
        %get3A_451 = tpu.vector_load %arg7[%get3A_449, %get3A_450] {strides = array<i32>} : memref<32x128xf32, #tpu.memory_space<vmem>>, vector<16xf32>,
        %add3A_452 = arith.addf %add3A_447, %get3A_451 : vector<16xf32>
        %get3A_453 = arith.constant 3 : i32
        %get3A_454 = arith.index_cast %get3A_453 : i32 to index
        %get3A_455 = arith.constant 16 : index
        %get3A_456 = tpu.vector_load %arg7[%get3A_454, %get3A_455] {strides = array<i32>} : memref<32x128xf32, #tpu.memory_space<vmem>>, vector<16xf32>,
        %add3A_457 = arith.addf %add3A_452, %get3A_456 : vector<16xf32>
        %get3A_458 = arith.constant 4 : i32
        %get3A_459 = arith.index_cast %get3A_458 : i32 to index
        %get3A_460 = arith.constant 16 : index
        %get3A_461 = tpu.vector_load %arg7[%get3A_459, %get3A_460] {strides = array<i32>} : memref<32x128xf32, #tpu.memory_space<vmem>>, vector<16xf32>,
        %add3A_462 = arith.addf %add3A_457, %get3A_461 : vector<16xf32>
        %get3A_463 = arith.constant 5 : i32
        %get3A_464 = arith.index_cast %get3A_463 : i32 to index
        %get3A_465 = arith.constant 16 : index
        %get3A_466 = tpu.vector_load %arg7[%get3A_464, %get3A_465] {strides = array<i32>} : memref<32x128xf32, #tpu.memory_space<vmem>>, vector<16xf32>,
        %add3A_467 = arith.addf %add3A_462, %get3A_466 : vector<16xf32>
        %get3A_468 = arith.constant 6 : i32
        %get3A_469 = arith.index_cast %get3A_468 : i32 to index
        %get3A_470 = arith.constant 16 : index
        %get3A_471 = tpu.vector_load %arg7[%get3A_469, %get3A_470] {strides = array<i32>} : memref<32x128xf32, #tpu.memory_space<vmem>>, vector<16xf32>,
        %add3A_472 = arith.addf %add3A_467, %get3A_471 : vector<16xf32>
        %get3A_473 = arith.constant 7 : i32
        %get3A_474 = arith.index_cast %get3A_473 : i32 to index
        %get3A_475 = arith.constant 16 : index
        %get3A_476 = tpu.vector_load %arg7[%get3A_474, %get3A_475] {strides = array<i32>} : memref<32x128xf32, #tpu.memory_space<vmem>>, vector<16xf32>,
        %add3A_477 = arith.addf %add3A_472, %get3A_476 : vector<16xf32>
        %get3A_478 = arith.constant 8 : i32
        %get3A_479 = arith.index_cast %get3A_478 : i32 to index
        %get3A_480 = arith.constant 16 : index
        %get3A_481 = tpu.vector_load %arg7[%get3A_479, %get3A_480] {strides = array<i32>} : memref<32x128xf32, #tpu.memory_space<vmem>>, vector<16xf32>,
        %add3A_482 = arith.addf %add3A_477, %get3A_481 : vector<16xf32>
        %get3A_483 = arith.constant 9 : i32
        %get3A_484 = arith.index_cast %get3A_483 : i32 to index
        %get3A_485 = arith.constant 16 : index
        %get3A_486 = tpu.vector_load %arg7[%get3A_484, %get3A_485] {strides = array<i32>} : memref<32x128xf32, #tpu.memory_space<vmem>>, vector<16xf32>,
        %add3A_487 = arith.addf %add3A_482, %get3A_486 : vector<16xf32>
        %get3A_488 = arith.constant 10 : i32
        %get3A_489 = arith.index_cast %get3A_488 : i32 to index
        %get3A_490 = arith.constant 16 : index
        %get3A_491 = tpu.vector_load %arg7[%get3A_489, %get3A_490] {strides = array<i32>} : memref<32x128xf32, #tpu.memory_space<vmem>>, vector<16xf32>,
        %add3A_492 = arith.addf %add3A_487, %get3A_491 : vector<16xf32>
        %get3A_493 = arith.constant 11 : i32
        %get3A_494 = arith.index_cast %get3A_493 : i32 to index
        %get3A_495 = arith.constant 16 : index
        %get3A_496 = tpu.vector_load %arg7[%get3A_494, %get3A_495] {strides = array<i32>} : memref<32x128xf32, #tpu.memory_space<vmem>>, vector<16xf32>,
        %add3A_497 = arith.addf %add3A_492, %get3A_496 : vector<16xf32>
        %get3A_498 = arith.constant 12 : i32
        %get3A_499 = arith.index_cast %get3A_498 : i32 to index
        %get3A_500 = arith.constant 16 : index
        %get3A_501 = tpu.vector_load %arg7[%get3A_499, %get3A_500] {strides = array<i32>} : memref<32x128xf32, #tpu.memory_space<vmem>>, vector<16xf32>,
        %add3A_502 = arith.addf %add3A_497, %get3A_501 : vector<16xf32>
        %get3A_503 = arith.constant 13 : i32
        %get3A_504 = arith.index_cast %get3A_503 : i32 to index
        %get3A_505 = arith.constant 16 : index
        %get3A_506 = tpu.vector_load %arg7[%get3A_504, %get3A_505] {strides = array<i32>} : memref<32x128xf32, #tpu.memory_space<vmem>>, vector<16xf32>,
        %add3A_507 = arith.addf %add3A_502, %get3A_506 : vector<16xf32>
        %get3A_508 = arith.constant 14 : i32
        %get3A_509 = arith.index_cast %get3A_508 : i32 to index
        %get3A_510 = arith.constant 16 : index
        %get3A_511 = tpu.vector_load %arg7[%get3A_509, %get3A_510] {strides = array<i32>} : memref<32x128xf32, #tpu.memory_space<vmem>>, vector<16xf32>,
        %add3A_512 = arith.addf %add3A_507, %get3A_511 : vector<16xf32>
        %get3A_513 = arith.constant 15 : i32
        %get3A_514 = arith.index_cast %get3A_513 : i32 to index
        %get3A_515 = arith.constant 16 : index
        %get3A_516 = tpu.vector_load %arg7[%get3A_514, %get3A_515] {strides = array<i32>} : memref<32x128xf32, #tpu.memory_space<vmem>>, vector<16xf32>,
        %add3A_517 = arith.addf %add3A_512, %get3A_516 : vector<16xf32>
        %get3A_518 = arith.constant 16 : i32
        %get3A_519 = arith.index_cast %get3A_518 : i32 to index
        %get3A_520 = arith.constant 16 : index
        %get3A_521 = tpu.vector_load %arg7[%get3A_519, %get3A_520] {strides = array<i32>} : memref<32x128xf32, #tpu.memory_space<vmem>>, vector<16xf32>,
        %add3A_522 = arith.addf %add3A_517, %get3A_521 : vector<16xf32>
        %get3A_523 = arith.constant 17 : i32
        %get3A_524 = arith.index_cast %get3A_523 : i32 to index
        %get3A_525 = arith.constant 16 : index
        %get3A_526 = tpu.vector_load %arg7[%get3A_524, %get3A_525] {strides = array<i32>} : memref<32x128xf32, #tpu.memory_space<vmem>>, vector<16xf32>,
        %add3A_527 = arith.addf %add3A_522, %get3A_526 : vector<16xf32>
        %get3A_528 = arith.constant 18 : i32
        %get3A_529 = arith.index_cast %get3A_528 : i32 to index
        %get3A_530 = arith.constant 16 : index
        %get3A_531 = tpu.vector_load %arg7[%get3A_529, %get3A_530] {strides = array<i32>} : memref<32x128xf32, #tpu.memory_space<vmem>>, vector<16xf32>,
        %add3A_532 = arith.addf %add3A_527, %get3A_531 : vector<16xf32>
        %get3A_533 = arith.constant 19 : i32
        %get3A_534 = arith.index_cast %get3A_533 : i32 to index
        %get3A_535 = arith.constant 16 : index
        %get3A_536 = tpu.vector_load %arg7[%get3A_534, %get3A_535] {strides = array<i32>} : memref<32x128xf32, #tpu.memory_space<vmem>>, vector<16xf32>,
        %add3A_537 = arith.addf %add3A_532, %get3A_536 : vector<16xf32>
        %get3A_538 = arith.constant 20 : i32
        %get3A_539 = arith.index_cast %get3A_538 : i32 to index
        %get3A_540 = arith.constant 16 : index
        %get3A_541 = tpu.vector_load %arg7[%get3A_539, %get3A_540] {strides = array<i32>} : memref<32x128xf32, #tpu.memory_space<vmem>>, vector<16xf32>,
        %add3A_542 = arith.addf %add3A_537, %get3A_541 : vector<16xf32>
        %get3A_543 = arith.constant 21 : i32
        %get3A_544 = arith.index_cast %get3A_543 : i32 to index
        %get3A_545 = arith.constant 16 : index
        %get3A_546 = tpu.vector_load %arg7[%get3A_544, %get3A_545] {strides = array<i32>} : memref<32x128xf32, #tpu.memory_space<vmem>>, vector<16xf32>,
        %add3A_547 = arith.addf %add3A_542, %get3A_546 : vector<16xf32>
        %get3A_548 = arith.constant 22 : i32
        %get3A_549 = arith.index_cast %get3A_548 : i32 to index
        %get3A_550 = arith.constant 16 : index
        %get3A_551 = tpu.vector_load %arg7[%get3A_549, %get3A_550] {strides = array<i32>} : memref<32x128xf32, #tpu.memory_space<vmem>>, vector<16xf32>,
        %add3A_552 = arith.addf %add3A_547, %get3A_551 : vector<16xf32>
        %get3A_553 = arith.constant 23 : i32
        %get3A_554 = arith.index_cast %get3A_553 : i32 to index
        %get3A_555 = arith.constant 16 : index
        %get3A_556 = tpu.vector_load %arg7[%get3A_554, %get3A_555] {strides = array<i32>} : memref<32x128xf32, #tpu.memory_space<vmem>>, vector<16xf32>,
        %add3A_557 = arith.addf %add3A_552, %get3A_556 : vector<16xf32>
        %get3A_558 = arith.constant 24 : i32
        %get3A_559 = arith.index_cast %get3A_558 : i32 to index
        %get3A_560 = arith.constant 16 : index
        %get3A_561 = tpu.vector_load %arg7[%get3A_559, %get3A_560] {strides = array<i32>} : memref<32x128xf32, #tpu.memory_space<vmem>>, vector<16xf32>,
        %add3A_562 = arith.addf %add3A_557, %get3A_561 : vector<16xf32>
        %get3A_563 = arith.constant 25 : i32
        %get3A_564 = arith.index_cast %get3A_563 : i32 to index
        %get3A_565 = arith.constant 16 : index
        %get3A_566 = tpu.vector_load %arg7[%get3A_564, %get3A_565] {strides = array<i32>} : memref<32x128xf32, #tpu.memory_space<vmem>>, vector<16xf32>,
        %add3A_567 = arith.addf %add3A_562, %get3A_566 : vector<16xf32>
        %get3A_568 = arith.constant 26 : i32
        %get3A_569 = arith.index_cast %get3A_568 : i32 to index
        %get3A_570 = arith.constant 16 : index
        %get3A_571 = tpu.vector_load %arg7[%get3A_569, %get3A_570] {strides = array<i32>} : memref<32x128xf32, #tpu.memory_space<vmem>>, vector<16xf32>,
        %add3A_572 = arith.addf %add3A_567, %get3A_571 : vector<16xf32>
        %get3A_573 = arith.constant 27 : i32
        %get3A_574 = arith.index_cast %get3A_573 : i32 to index
        %get3A_575 = arith.constant 16 : index
        %get3A_576 = tpu.vector_load %arg7[%get3A_574, %get3A_575] {strides = array<i32>} : memref<32x128xf32, #tpu.memory_space<vmem>>, vector<16xf32>,
        %add3A_577 = arith.addf %add3A_572, %get3A_576 : vector<16xf32>
        %get3A_578 = arith.constant 28 : i32
        %get3A_579 = arith.index_cast %get3A_578 : i32 to index
        %get3A_580 = arith.constant 16 : index
        %get3A_581 = tpu.vector_load %arg7[%get3A_579, %get3A_580] {strides = array<i32>} : memref<32x128xf32, #tpu.memory_space<vmem>>, vector<16xf32>,
        %add3A_582 = arith.addf %add3A_577, %get3A_581 : vector<16xf32>
        %get3A_583 = arith.constant 29 : i32
        %get3A_584 = arith.index_cast %get3A_583 : i32 to index
        %get3A_585 = arith.constant 16 : index
        %get3A_586 = tpu.vector_load %arg7[%get3A_584, %get3A_585] {strides = array<i32>} : memref<32x128xf32, #tpu.memory_space<vmem>>, vector<16xf32>,
        %add3A_587 = arith.addf %add3A_582, %get3A_586 : vector<16xf32>
        %get3A_588 = arith.constant 30 : i32
        %get3A_589 = arith.index_cast %get3A_588 : i32 to index
        %get3A_590 = arith.constant 16 : index
        %get3A_591 = tpu.vector_load %arg7[%get3A_589, %get3A_590] {strides = array<i32>} : memref<32x128xf32, #tpu.memory_space<vmem>>, vector<16xf32>,
        %add3A_592 = arith.addf %add3A_587, %get3A_591 : vector<16xf32>
        %get3A_593 = arith.constant 31 : i32
        %get3A_594 = arith.index_cast %get3A_593 : i32 to index
        %get3A_595 = arith.constant 16 : index
        %get3A_596 = tpu.vector_load %arg7[%get3A_594, %get3A_595] {strides = array<i32>} : memref<32x128xf32, #tpu.memory_space<vmem>>, vector<16xf32>,
        %add3A_597 = arith.addf %add3A_592, %get3A_596 : vector<16xf32>
        %swap3A_598 = arith.constant 16 : index
        %swap3A_599 = tpu.vector_load %arg8[%swap3A_598] {strides = array<i32>} : memref<128xf32, #tpu.memory_space<vmem>>, vector<16xf32>,
        tpu.vector_store %arg8[%swap3A_598], %add3A_597 {strides = array<i32>} : memref<128xf32, #tpu.memory_space<vmem>>, vector<16xf32>,
        %get3A_600 = arith.constant 32 : index
        %get3A_601 = tpu.vector_load %arg8[%get3A_600] {strides = array<i32>} : memref<128xf32, #tpu.memory_space<vmem>>, vector<16xf32>,
        %get3A_602 = arith.constant 0 : i32
        %get3A_603 = arith.index_cast %get3A_602 : i32 to index
        %get3A_604 = arith.constant 32 : index
        %get3A_605 = tpu.vector_load %arg7[%get3A_603, %get3A_604] {strides = array<i32>} : memref<32x128xf32, #tpu.memory_space<vmem>>, vector<16xf32>,
        %add3A_606 = arith.addf %get3A_601, %get3A_605 : vector<16xf32>
        %get3A_607 = arith.constant 1 : i32
        %get3A_608 = arith.index_cast %get3A_607 : i32 to index
        %get3A_609 = arith.constant 32 : index
        %get3A_610 = tpu.vector_load %arg7[%get3A_608, %get3A_609] {strides = array<i32>} : memref<32x128xf32, #tpu.memory_space<vmem>>, vector<16xf32>,
        %add3A_611 = arith.addf %add3A_606, %get3A_610 : vector<16xf32>
        %get3A_612 = arith.constant 2 : i32
        %get3A_613 = arith.index_cast %get3A_612 : i32 to index
        %get3A_614 = arith.constant 32 : index
        %get3A_615 = tpu.vector_load %arg7[%get3A_613, %get3A_614] {strides = array<i32>} : memref<32x128xf32, #tpu.memory_space<vmem>>, vector<16xf32>,
        %add3A_616 = arith.addf %add3A_611, %get3A_615 : vector<16xf32>
        %get3A_617 = arith.constant 3 : i32
        %get3A_618 = arith.index_cast %get3A_617 : i32 to index
        %get3A_619 = arith.constant 32 : index
        %get3A_620 = tpu.vector_load %arg7[%get3A_618, %get3A_619] {strides = array<i32>} : memref<32x128xf32, #tpu.memory_space<vmem>>, vector<16xf32>,
        %add3A_621 = arith.addf %add3A_616, %get3A_620 : vector<16xf32>
        %get3A_622 = arith.constant 4 : i32
        %get3A_623 = arith.index_cast %get3A_622 : i32 to index
        %get3A_624 = arith.constant 32 : index
        %get3A_625 = tpu.vector_load %arg7[%get3A_623, %get3A_624] {strides = array<i32>} : memref<32x128xf32, #tpu.memory_space<vmem>>, vector<16xf32>,
        %add3A_626 = arith.addf %add3A_621, %get3A_625 : vector<16xf32>
        %get3A_627 = arith.constant 5 : i32
        %get3A_628 = arith.index_cast %get3A_627 : i32 to index
        %get3A_629 = arith.constant 32 : index
        %get3A_630 = tpu.vector_load %arg7[%get3A_628, %get3A_629] {strides = array<i32>} : memref<32x128xf32, #tpu.memory_space<vmem>>, vector<16xf32>,
        %add3A_631 = arith.addf %add3A_626, %get3A_630 : vector<16xf32>
        %get3A_632 = arith.constant 6 : i32
        %get3A_633 = arith.index_cast %get3A_632 : i32 to index
        %get3A_634 = arith.constant 32 : index
        %get3A_635 = tpu.vector_load %arg7[%get3A_633, %get3A_634] {strides = array<i32>} : memref<32x128xf32, #tpu.memory_space<vmem>>, vector<16xf32>,
        %add3A_636 = arith.addf %add3A_631, %get3A_635 : vector<16xf32>
        %get3A_637 = arith.constant 7 : i32
        %get3A_638 = arith.index_cast %get3A_637 : i32 to index
        %get3A_639 = arith.constant 32 : index
        %get3A_640 = tpu.vector_load %arg7[%get3A_638, %get3A_639] {strides = array<i32>} : memref<32x128xf32, #tpu.memory_space<vmem>>, vector<16xf32>,
        %add3A_641 = arith.addf %add3A_636, %get3A_640 : vector<16xf32>
        %get3A_642 = arith.constant 8 : i32
        %get3A_643 = arith.index_cast %get3A_642 : i32 to index
        %get3A_644 = arith.constant 32 : index
        %get3A_645 = tpu.vector_load %arg7[%get3A_643, %get3A_644] {strides = array<i32>} : memref<32x128xf32, #tpu.memory_space<vmem>>, vector<16xf32>,
        %add3A_646 = arith.addf %add3A_641, %get3A_645 : vector<16xf32>
        %get3A_647 = arith.constant 9 : i32
        %get3A_648 = arith.index_cast %get3A_647 : i32 to index
        %get3A_649 = arith.constant 32 : index
        %get3A_650 = tpu.vector_load %arg7[%get3A_648, %get3A_649] {strides = array<i32>} : memref<32x128xf32, #tpu.memory_space<vmem>>, vector<16xf32>,
        %add3A_651 = arith.addf %add3A_646, %get3A_650 : vector<16xf32>
        %get3A_652 = arith.constant 10 : i32
        %get3A_653 = arith.index_cast %get3A_652 : i32 to index
        %get3A_654 = arith.constant 32 : index
        %get3A_655 = tpu.vector_load %arg7[%get3A_653, %get3A_654] {strides = array<i32>} : memref<32x128xf32, #tpu.memory_space<vmem>>, vector<16xf32>,
        %add3A_656 = arith.addf %add3A_651, %get3A_655 : vector<16xf32>
        %get3A_657 = arith.constant 11 : i32
        %get3A_658 = arith.index_cast %get3A_657 : i32 to index
        %get3A_659 = arith.constant 32 : index
        %get3A_660 = tpu.vector_load %arg7[%get3A_658, %get3A_659] {strides = array<i32>} : memref<32x128xf32, #tpu.memory_space<vmem>>, vector<16xf32>,
        %add3A_661 = arith.addf %add3A_656, %get3A_660 : vector<16xf32>
        %get3A_662 = arith.constant 12 : i32
        %get3A_663 = arith.index_cast %get3A_662 : i32 to index
        %get3A_664 = arith.constant 32 : index
        %get3A_665 = tpu.vector_load %arg7[%get3A_663, %get3A_664] {strides = array<i32>} : memref<32x128xf32, #tpu.memory_space<vmem>>, vector<16xf32>,
        %add3A_666 = arith.addf %add3A_661, %get3A_665 : vector<16xf32>
        %get3A_667 = arith.constant 13 : i32
        %get3A_668 = arith.index_cast %get3A_667 : i32 to index
        %get3A_669 = arith.constant 32 : index
        %get3A_670 = tpu.vector_load %arg7[%get3A_668, %get3A_669] {strides = array<i32>} : memref<32x128xf32, #tpu.memory_space<vmem>>, vector<16xf32>,
        %add3A_671 = arith.addf %add3A_666, %get3A_670 : vector<16xf32>
        %get3A_672 = arith.constant 14 : i32
        %get3A_673 = arith.index_cast %get3A_672 : i32 to index
        %get3A_674 = arith.constant 32 : index
        %get3A_675 = tpu.vector_load %arg7[%get3A_673, %get3A_674] {strides = array<i32>} : memref<32x128xf32, #tpu.memory_space<vmem>>, vector<16xf32>,
        %add3A_676 = arith.addf %add3A_671, %get3A_675 : vector<16xf32>
        %get3A_677 = arith.constant 15 : i32
        %get3A_678 = arith.index_cast %get3A_677 : i32 to index
        %get3A_679 = arith.constant 32 : index
        %get3A_680 = tpu.vector_load %arg7[%get3A_678, %get3A_679] {strides = array<i32>} : memref<32x128xf32, #tpu.memory_space<vmem>>, vector<16xf32>,
        %add3A_681 = arith.addf %add3A_676, %get3A_680 : vector<16xf32>
        %get3A_682 = arith.constant 16 : i32
        %get3A_683 = arith.index_cast %get3A_682 : i32 to index
        %get3A_684 = arith.constant 32 : index
        %get3A_685 = tpu.vector_load %arg7[%get3A_683, %get3A_684] {strides = array<i32>} : memref<32x128xf32, #tpu.memory_space<vmem>>, vector<16xf32>,
        %add3A_686 = arith.addf %add3A_681, %get3A_685 : vector<16xf32>
        %get3A_687 = arith.constant 17 : i32
        %get3A_688 = arith.index_cast %get3A_687 : i32 to index
        %get3A_689 = arith.constant 32 : index
        %get3A_690 = tpu.vector_load %arg7[%get3A_688, %get3A_689] {strides = array<i32>} : memref<32x128xf32, #tpu.memory_space<vmem>>, vector<16xf32>,
        %add3A_691 = arith.addf %add3A_686, %get3A_690 : vector<16xf32>
        %get3A_692 = arith.constant 18 : i32
        %get3A_693 = arith.index_cast %get3A_692 : i32 to index
        %get3A_694 = arith.constant 32 : index
        %get3A_695 = tpu.vector_load %arg7[%get3A_693, %get3A_694] {strides = array<i32>} : memref<32x128xf32, #tpu.memory_space<vmem>>, vector<16xf32>,
        %add3A_696 = arith.addf %add3A_691, %get3A_695 : vector<16xf32>
        %get3A_697 = arith.constant 19 : i32
        %get3A_698 = arith.index_cast %get3A_697 : i32 to index
        %get3A_699 = arith.constant 32 : index
        %get3A_700 = tpu.vector_load %arg7[%get3A_698, %get3A_699] {strides = array<i32>} : memref<32x128xf32, #tpu.memory_space<vmem>>, vector<16xf32>,
        %add3A_701 = arith.addf %add3A_696, %get3A_700 : vector<16xf32>
        %get3A_702 = arith.constant 20 : i32
        %get3A_703 = arith.index_cast %get3A_702 : i32 to index
        %get3A_704 = arith.constant 32 : index
        %get3A_705 = tpu.vector_load %arg7[%get3A_703, %get3A_704] {strides = array<i32>} : memref<32x128xf32, #tpu.memory_space<vmem>>, vector<16xf32>,
        %add3A_706 = arith.addf %add3A_701, %get3A_705 : vector<16xf32>
        %get3A_707 = arith.constant 21 : i32
        %get3A_708 = arith.index_cast %get3A_707 : i32 to index
        %get3A_709 = arith.constant 32 : index
        %get3A_710 = tpu.vector_load %arg7[%get3A_708, %get3A_709] {strides = array<i32>} : memref<32x128xf32, #tpu.memory_space<vmem>>, vector<16xf32>,
        %add3A_711 = arith.addf %add3A_706, %get3A_710 : vector<16xf32>
        %get3A_712 = arith.constant 22 : i32
        %get3A_713 = arith.index_cast %get3A_712 : i32 to index
        %get3A_714 = arith.constant 32 : index
        %get3A_715 = tpu.vector_load %arg7[%get3A_713, %get3A_714] {strides = array<i32>} : memref<32x128xf32, #tpu.memory_space<vmem>>, vector<16xf32>,
        %add3A_716 = arith.addf %add3A_711, %get3A_715 : vector<16xf32>
        %get3A_717 = arith.constant 23 : i32
        %get3A_718 = arith.index_cast %get3A_717 : i32 to index
        %get3A_719 = arith.constant 32 : index
        %get3A_720 = tpu.vector_load %arg7[%get3A_718, %get3A_719] {strides = array<i32>} : memref<32x128xf32, #tpu.memory_space<vmem>>, vector<16xf32>,
        %add3A_721 = arith.addf %add3A_716, %get3A_720 : vector<16xf32>
        %get3A_722 = arith.constant 24 : i32
        %get3A_723 = arith.index_cast %get3A_722 : i32 to index
        %get3A_724 = arith.constant 32 : index
        %get3A_725 = tpu.vector_load %arg7[%get3A_723, %get3A_724] {strides = array<i32>} : memref<32x128xf32, #tpu.memory_space<vmem>>, vector<16xf32>,
        %add3A_726 = arith.addf %add3A_721, %get3A_725 : vector<16xf32>
        %get3A_727 = arith.constant 25 : i32
        %get3A_728 = arith.index_cast %get3A_727 : i32 to index
        %get3A_729 = arith.constant 32 : index
        %get3A_730 = tpu.vector_load %arg7[%get3A_728, %get3A_729] {strides = array<i32>} : memref<32x128xf32, #tpu.memory_space<vmem>>, vector<16xf32>,
        %add3A_731 = arith.addf %add3A_726, %get3A_730 : vector<16xf32>
        %get3A_732 = arith.constant 26 : i32
        %get3A_733 = arith.index_cast %get3A_732 : i32 to index
        %get3A_734 = arith.constant 32 : index
        %get3A_735 = tpu.vector_load %arg7[%get3A_733, %get3A_734] {strides = array<i32>} : memref<32x128xf32, #tpu.memory_space<vmem>>, vector<16xf32>,
        %add3A_736 = arith.addf %add3A_731, %get3A_735 : vector<16xf32>
        %get3A_737 = arith.constant 27 : i32
        %get3A_738 = arith.index_cast %get3A_737 : i32 to index
        %get3A_739 = arith.constant 32 : index
        %get3A_740 = tpu.vector_load %arg7[%get3A_738, %get3A_739] {strides = array<i32>} : memref<32x128xf32, #tpu.memory_space<vmem>>, vector<16xf32>,
        %add3A_741 = arith.addf %add3A_736, %get3A_740 : vector<16xf32>
        %get3A_742 = arith.constant 28 : i32
        %get3A_743 = arith.index_cast %get3A_742 : i32 to index
        %get3A_744 = arith.constant 32 : index
        %get3A_745 = tpu.vector_load %arg7[%get3A_743, %get3A_744] {strides = array<i32>} : memref<32x128xf32, #tpu.memory_space<vmem>>, vector<16xf32>,
        %add3A_746 = arith.addf %add3A_741, %get3A_745 : vector<16xf32>
        %get3A_747 = arith.constant 29 : i32
        %get3A_748 = arith.index_cast %get3A_747 : i32 to index
        %get3A_749 = arith.constant 32 : index
        %get3A_750 = tpu.vector_load %arg7[%get3A_748, %get3A_749] {strides = array<i32>} : memref<32x128xf32, #tpu.memory_space<vmem>>, vector<16xf32>,
        %add3A_751 = arith.addf %add3A_746, %get3A_750 : vector<16xf32>
        %get3A_752 = arith.constant 30 : i32
        %get3A_753 = arith.index_cast %get3A_752 : i32 to index
        %get3A_754 = arith.constant 32 : index
        %get3A_755 = tpu.vector_load %arg7[%get3A_753, %get3A_754] {strides = array<i32>} : memref<32x128xf32, #tpu.memory_space<vmem>>, vector<16xf32>,
        %add3A_756 = arith.addf %add3A_751, %get3A_755 : vector<16xf32>
        %get3A_757 = arith.constant 31 : i32
        %get3A_758 = arith.index_cast %get3A_757 : i32 to index
        %get3A_759 = arith.constant 32 : index
        %get3A_760 = tpu.vector_load %arg7[%get3A_758, %get3A_759] {strides = array<i32>} : memref<32x128xf32, #tpu.memory_space<vmem>>, vector<16xf32>,
        %add3A_761 = arith.addf %add3A_756, %get3A_760 : vector<16xf32>
        %swap3A_762 = arith.constant 32 : index
        %swap3A_763 = tpu.vector_load %arg8[%swap3A_762] {strides = array<i32>} : memref<128xf32, #tpu.memory_space<vmem>>, vector<16xf32>,
        tpu.vector_store %arg8[%swap3A_762], %add3A_761 {strides = array<i32>} : memref<128xf32, #tpu.memory_space<vmem>>, vector<16xf32>,
        %get3A_764 = arith.constant 48 : index
        %get3A_765 = tpu.vector_load %arg8[%get3A_764] {strides = array<i32>} : memref<128xf32, #tpu.memory_space<vmem>>, vector<16xf32>,
        %get3A_766 = arith.constant 0 : i32
        %get3A_767 = arith.index_cast %get3A_766 : i32 to index
        %get3A_768 = arith.constant 48 : index
        %get3A_769 = tpu.vector_load %arg7[%get3A_767, %get3A_768] {strides = array<i32>} : memref<32x128xf32, #tpu.memory_space<vmem>>, vector<16xf32>,
        %add3A_770 = arith.addf %get3A_765, %get3A_769 : vector<16xf32>
        %get3A_771 = arith.constant 1 : i32
        %get3A_772 = arith.index_cast %get3A_771 : i32 to index
        %get3A_773 = arith.constant 48 : index
        %get3A_774 = tpu.vector_load %arg7[%get3A_772, %get3A_773] {strides = array<i32>} : memref<32x128xf32, #tpu.memory_space<vmem>>, vector<16xf32>,
        %add3A_775 = arith.addf %add3A_770, %get3A_774 : vector<16xf32>
        %get3A_776 = arith.constant 2 : i32
        %get3A_777 = arith.index_cast %get3A_776 : i32 to index
        %get3A_778 = arith.constant 48 : index
        %get3A_779 = tpu.vector_load %arg7[%get3A_777, %get3A_778] {strides = array<i32>} : memref<32x128xf32, #tpu.memory_space<vmem>>, vector<16xf32>,
        %add3A_780 = arith.addf %add3A_775, %get3A_779 : vector<16xf32>
        %get3A_781 = arith.constant 3 : i32
        %get3A_782 = arith.index_cast %get3A_781 : i32 to index
        %get3A_783 = arith.constant 48 : index
        %get3A_784 = tpu.vector_load %arg7[%get3A_782, %get3A_783] {strides = array<i32>} : memref<32x128xf32, #tpu.memory_space<vmem>>, vector<16xf32>,
        %add3A_785 = arith.addf %add3A_780, %get3A_784 : vector<16xf32>
        %get3A_786 = arith.constant 4 : i32
        %get3A_787 = arith.index_cast %get3A_786 : i32 to index
        %get3A_788 = arith.constant 48 : index
        %get3A_789 = tpu.vector_load %arg7[%get3A_787, %get3A_788] {strides = array<i32>} : memref<32x128xf32, #tpu.memory_space<vmem>>, vector<16xf32>,
        %add3A_790 = arith.addf %add3A_785, %get3A_789 : vector<16xf32>
        %get3A_791 = arith.constant 5 : i32
        %get3A_792 = arith.index_cast %get3A_791 : i32 to index
        %get3A_793 = arith.constant 48 : index
        %get3A_794 = tpu.vector_load %arg7[%get3A_792, %get3A_793] {strides = array<i32>} : memref<32x128xf32, #tpu.memory_space<vmem>>, vector<16xf32>,
        %add3A_795 = arith.addf %add3A_790, %get3A_794 : vector<16xf32>
        %get3A_796 = arith.constant 6 : i32
        %get3A_797 = arith.index_cast %get3A_796 : i32 to index
        %get3A_798 = arith.constant 48 : index
        %get3A_799 = tpu.vector_load %arg7[%get3A_797, %get3A_798] {strides = array<i32>} : memref<32x128xf32, #tpu.memory_space<vmem>>, vector<16xf32>,
        %add3A_800 = arith.addf %add3A_795, %get3A_799 : vector<16xf32>
        %get3A_801 = arith.constant 7 : i32
        %get3A_802 = arith.index_cast %get3A_801 : i32 to index
        %get3A_803 = arith.constant 48 : index
        %get3A_804 = tpu.vector_load %arg7[%get3A_802, %get3A_803] {strides = array<i32>} : memref<32x128xf32, #tpu.memory_space<vmem>>, vector<16xf32>,
        %add3A_805 = arith.addf %add3A_800, %get3A_804 : vector<16xf32>
        %get3A_806 = arith.constant 8 : i32
        %get3A_807 = arith.index_cast %get3A_806 : i32 to index
        %get3A_808 = arith.constant 48 : index
        %get3A_809 = tpu.vector_load %arg7[%get3A_807, %get3A_808] {strides = array<i32>} : memref<32x128xf32, #tpu.memory_space<vmem>>, vector<16xf32>,
        %add3A_810 = arith.addf %add3A_805, %get3A_809 : vector<16xf32>
        %get3A_811 = arith.constant 9 : i32
        %get3A_812 = arith.index_cast %get3A_811 : i32 to index
        %get3A_813 = arith.constant 48 : index
        %get3A_814 = tpu.vector_load %arg7[%get3A_812, %get3A_813] {strides = array<i32>} : memref<32x128xf32, #tpu.memory_space<vmem>>, vector<16xf32>,
        %add3A_815 = arith.addf %add3A_810, %get3A_814 : vector<16xf32>
        %get3A_816 = arith.constant 10 : i32
        %get3A_817 = arith.index_cast %get3A_816 : i32 to index
        %get3A_818 = arith.constant 48 : index
        %get3A_819 = tpu.vector_load %arg7[%get3A_817, %get3A_818] {strides = array<i32>} : memref<32x128xf32, #tpu.memory_space<vmem>>, vector<16xf32>,
        %add3A_820 = arith.addf %add3A_815, %get3A_819 : vector<16xf32>
        %get3A_821 = arith.constant 11 : i32
        %get3A_822 = arith.index_cast %get3A_821 : i32 to index
        %get3A_823 = arith.constant 48 : index
        %get3A_824 = tpu.vector_load %arg7[%get3A_822, %get3A_823] {strides = array<i32>} : memref<32x128xf32, #tpu.memory_space<vmem>>, vector<16xf32>,
        %add3A_825 = arith.addf %add3A_820, %get3A_824 : vector<16xf32>
        %get3A_826 = arith.constant 12 : i32
        %get3A_827 = arith.index_cast %get3A_826 : i32 to index
        %get3A_828 = arith.constant 48 : index
        %get3A_829 = tpu.vector_load %arg7[%get3A_827, %get3A_828] {strides = array<i32>} : memref<32x128xf32, #tpu.memory_space<vmem>>, vector<16xf32>,
        %add3A_830 = arith.addf %add3A_825, %get3A_829 : vector<16xf32>
        %get3A_831 = arith.constant 13 : i32
        %get3A_832 = arith.index_cast %get3A_831 : i32 to index
        %get3A_833 = arith.constant 48 : index
        %get3A_834 = tpu.vector_load %arg7[%get3A_832, %get3A_833] {strides = array<i32>} : memref<32x128xf32, #tpu.memory_space<vmem>>, vector<16xf32>,
        %add3A_835 = arith.addf %add3A_830, %get3A_834 : vector<16xf32>
        %get3A_836 = arith.constant 14 : i32
        %get3A_837 = arith.index_cast %get3A_836 : i32 to index
        %get3A_838 = arith.constant 48 : index
        %get3A_839 = tpu.vector_load %arg7[%get3A_837, %get3A_838] {strides = array<i32>} : memref<32x128xf32, #tpu.memory_space<vmem>>, vector<16xf32>,
        %add3A_840 = arith.addf %add3A_835, %get3A_839 : vector<16xf32>
        %get3A_841 = arith.constant 15 : i32
        %get3A_842 = arith.index_cast %get3A_841 : i32 to index
        %get3A_843 = arith.constant 48 : index
        %get3A_844 = tpu.vector_load %arg7[%get3A_842, %get3A_843] {strides = array<i32>} : memref<32x128xf32, #tpu.memory_space<vmem>>, vector<16xf32>,
        %add3A_845 = arith.addf %add3A_840, %get3A_844 : vector<16xf32>
        %get3A_846 = arith.constant 16 : i32
        %get3A_847 = arith.index_cast %get3A_846 : i32 to index
        %get3A_848 = arith.constant 48 : index
        %get3A_849 = tpu.vector_load %arg7[%get3A_847, %get3A_848] {strides = array<i32>} : memref<32x128xf32, #tpu.memory_space<vmem>>, vector<16xf32>,
        %add3A_850 = arith.addf %add3A_845, %get3A_849 : vector<16xf32>
        %get3A_851 = arith.constant 17 : i32
        %get3A_852 = arith.index_cast %get3A_851 : i32 to index
        %get3A_853 = arith.constant 48 : index
        %get3A_854 = tpu.vector_load %arg7[%get3A_852, %get3A_853] {strides = array<i32>} : memref<32x128xf32, #tpu.memory_space<vmem>>, vector<16xf32>,
        %add3A_855 = arith.addf %add3A_850, %get3A_854 : vector<16xf32>
        %get3A_856 = arith.constant 18 : i32
        %get3A_857 = arith.index_cast %get3A_856 : i32 to index
        %get3A_858 = arith.constant 48 : index
        %get3A_859 = tpu.vector_load %arg7[%get3A_857, %get3A_858] {strides = array<i32>} : memref<32x128xf32, #tpu.memory_space<vmem>>, vector<16xf32>,
        %add3A_860 = arith.addf %add3A_855, %get3A_859 : vector<16xf32>
        %get3A_861 = arith.constant 19 : i32
        %get3A_862 = arith.index_cast %get3A_861 : i32 to index
        %get3A_863 = arith.constant 48 : index
        %get3A_864 = tpu.vector_load %arg7[%get3A_862, %get3A_863] {strides = array<i32>} : memref<32x128xf32, #tpu.memory_space<vmem>>, vector<16xf32>,
        %add3A_865 = arith.addf %add3A_860, %get3A_864 : vector<16xf32>
        %get3A_866 = arith.constant 20 : i32
        %get3A_867 = arith.index_cast %get3A_866 : i32 to index
        %get3A_868 = arith.constant 48 : index
        %get3A_869 = tpu.vector_load %arg7[%get3A_867, %get3A_868] {strides = array<i32>} : memref<32x128xf32, #tpu.memory_space<vmem>>, vector<16xf32>,
        %add3A_870 = arith.addf %add3A_865, %get3A_869 : vector<16xf32>
        %get3A_871 = arith.constant 21 : i32
        %get3A_872 = arith.index_cast %get3A_871 : i32 to index
        %get3A_873 = arith.constant 48 : index
        %get3A_874 = tpu.vector_load %arg7[%get3A_872, %get3A_873] {strides = array<i32>} : memref<32x128xf32, #tpu.memory_space<vmem>>, vector<16xf32>,
        %add3A_875 = arith.addf %add3A_870, %get3A_874 : vector<16xf32>
        %get3A_876 = arith.constant 22 : i32
        %get3A_877 = arith.index_cast %get3A_876 : i32 to index
        %get3A_878 = arith.constant 48 : index
        %get3A_879 = tpu.vector_load %arg7[%get3A_877, %get3A_878] {strides = array<i32>} : memref<32x128xf32, #tpu.memory_space<vmem>>, vector<16xf32>,
        %add3A_880 = arith.addf %add3A_875, %get3A_879 : vector<16xf32>
        %get3A_881 = arith.constant 23 : i32
        %get3A_882 = arith.index_cast %get3A_881 : i32 to index
        %get3A_883 = arith.constant 48 : index
        %get3A_884 = tpu.vector_load %arg7[%get3A_882, %get3A_883] {strides = array<i32>} : memref<32x128xf32, #tpu.memory_space<vmem>>, vector<16xf32>,
        %add3A_885 = arith.addf %add3A_880, %get3A_884 : vector<16xf32>
        %get3A_886 = arith.constant 24 : i32
        %get3A_887 = arith.index_cast %get3A_886 : i32 to index
        %get3A_888 = arith.constant 48 : index
        %get3A_889 = tpu.vector_load %arg7[%get3A_887, %get3A_888] {strides = array<i32>} : memref<32x128xf32, #tpu.memory_space<vmem>>, vector<16xf32>,
        %add3A_890 = arith.addf %add3A_885, %get3A_889 : vector<16xf32>
        %get3A_891 = arith.constant 25 : i32
        %get3A_892 = arith.index_cast %get3A_891 : i32 to index
        %get3A_893 = arith.constant 48 : index
        %get3A_894 = tpu.vector_load %arg7[%get3A_892, %get3A_893] {strides = array<i32>} : memref<32x128xf32, #tpu.memory_space<vmem>>, vector<16xf32>,
        %add3A_895 = arith.addf %add3A_890, %get3A_894 : vector<16xf32>
        %get3A_896 = arith.constant 26 : i32
        %get3A_897 = arith.index_cast %get3A_896 : i32 to index
        %get3A_898 = arith.constant 48 : index
        %get3A_899 = tpu.vector_load %arg7[%get3A_897, %get3A_898] {strides = array<i32>} : memref<32x128xf32, #tpu.memory_space<vmem>>, vector<16xf32>,
        %add3A_900 = arith.addf %add3A_895, %get3A_899 : vector<16xf32>
        %get3A_901 = arith.constant 27 : i32
        %get3A_902 = arith.index_cast %get3A_901 : i32 to index
        %get3A_903 = arith.constant 48 : index
        %get3A_904 = tpu.vector_load %arg7[%get3A_902, %get3A_903] {strides = array<i32>} : memref<32x128xf32, #tpu.memory_space<vmem>>, vector<16xf32>,
        %add3A_905 = arith.addf %add3A_900, %get3A_904 : vector<16xf32>
        %get3A_906 = arith.constant 28 : i32
        %get3A_907 = arith.index_cast %get3A_906 : i32 to index
        %get3A_908 = arith.constant 48 : index
        %get3A_909 = tpu.vector_load %arg7[%get3A_907, %get3A_908] {strides = array<i32>} : memref<32x128xf32, #tpu.memory_space<vmem>>, vector<16xf32>,
        %add3A_910 = arith.addf %add3A_905, %get3A_909 : vector<16xf32>
        %get3A_911 = arith.constant 29 : i32
        %get3A_912 = arith.index_cast %get3A_911 : i32 to index
        %get3A_913 = arith.constant 48 : index
        %get3A_914 = tpu.vector_load %arg7[%get3A_912, %get3A_913] {strides = array<i32>} : memref<32x128xf32, #tpu.memory_space<vmem>>, vector<16xf32>,
        %add3A_915 = arith.addf %add3A_910, %get3A_914 : vector<16xf32>
        %get3A_916 = arith.constant 30 : i32
        %get3A_917 = arith.index_cast %get3A_916 : i32 to index
        %get3A_918 = arith.constant 48 : index
        %get3A_919 = tpu.vector_load %arg7[%get3A_917, %get3A_918] {strides = array<i32>} : memref<32x128xf32, #tpu.memory_space<vmem>>, vector<16xf32>,
        %add3A_920 = arith.addf %add3A_915, %get3A_919 : vector<16xf32>
        %get3A_921 = arith.constant 31 : i32
        %get3A_922 = arith.index_cast %get3A_921 : i32 to index
        %get3A_923 = arith.constant 48 : index
        %get3A_924 = tpu.vector_load %arg7[%get3A_922, %get3A_923] {strides = array<i32>} : memref<32x128xf32, #tpu.memory_space<vmem>>, vector<16xf32>,
        %add3A_925 = arith.addf %add3A_920, %get3A_924 : vector<16xf32>
        %swap3A_926 = arith.constant 48 : index
        %swap3A_927 = tpu.vector_load %arg8[%swap3A_926] {strides = array<i32>} : memref<128xf32, #tpu.memory_space<vmem>>, vector<16xf32>,
        tpu.vector_store %arg8[%swap3A_926], %add3A_925 {strides = array<i32>} : memref<128xf32, #tpu.memory_space<vmem>>, vector<16xf32>,
        %get3A_928 = arith.constant 64 : index
        %get3A_929 = tpu.vector_load %arg8[%get3A_928] {strides = array<i32>} : memref<128xf32, #tpu.memory_space<vmem>>, vector<16xf32>,
        %get3A_930 = arith.constant 0 : i32
        %get3A_931 = arith.index_cast %get3A_930 : i32 to index
        %get3A_932 = arith.constant 64 : index
        %get3A_933 = tpu.vector_load %arg7[%get3A_931, %get3A_932] {strides = array<i32>} : memref<32x128xf32, #tpu.memory_space<vmem>>, vector<16xf32>,
        %add3A_934 = arith.addf %get3A_929, %get3A_933 : vector<16xf32>
        %get3A_935 = arith.constant 1 : i32
        %get3A_936 = arith.index_cast %get3A_935 : i32 to index
        %get3A_937 = arith.constant 64 : index
        %get3A_938 = tpu.vector_load %arg7[%get3A_936, %get3A_937] {strides = array<i32>} : memref<32x128xf32, #tpu.memory_space<vmem>>, vector<16xf32>,
        %add3A_939 = arith.addf %add3A_934, %get3A_938 : vector<16xf32>
        %get3A_940 = arith.constant 2 : i32
        %get3A_941 = arith.index_cast %get3A_940 : i32 to index
        %get3A_942 = arith.constant 64 : index
        %get3A_943 = tpu.vector_load %arg7[%get3A_941, %get3A_942] {strides = array<i32>} : memref<32x128xf32, #tpu.memory_space<vmem>>, vector<16xf32>,
        %add3A_944 = arith.addf %add3A_939, %get3A_943 : vector<16xf32>
        %get3A_945 = arith.constant 3 : i32
        %get3A_946 = arith.index_cast %get3A_945 : i32 to index
        %get3A_947 = arith.constant 64 : index
        %get3A_948 = tpu.vector_load %arg7[%get3A_946, %get3A_947] {strides = array<i32>} : memref<32x128xf32, #tpu.memory_space<vmem>>, vector<16xf32>,
        %add3A_949 = arith.addf %add3A_944, %get3A_948 : vector<16xf32>
        %get3A_950 = arith.constant 4 : i32
        %get3A_951 = arith.index_cast %get3A_950 : i32 to index
        %get3A_952 = arith.constant 64 : index
        %get3A_953 = tpu.vector_load %arg7[%get3A_951, %get3A_952] {strides = array<i32>} : memref<32x128xf32, #tpu.memory_space<vmem>>, vector<16xf32>,
        %add3A_954 = arith.addf %add3A_949, %get3A_953 : vector<16xf32>
        %get3A_955 = arith.constant 5 : i32
        %get3A_956 = arith.index_cast %get3A_955 : i32 to index
        %get3A_957 = arith.constant 64 : index
        %get3A_958 = tpu.vector_load %arg7[%get3A_956, %get3A_957] {strides = array<i32>} : memref<32x128xf32, #tpu.memory_space<vmem>>, vector<16xf32>,
        %add3A_959 = arith.addf %add3A_954, %get3A_958 : vector<16xf32>
        %get3A_960 = arith.constant 6 : i32
        %get3A_961 = arith.index_cast %get3A_960 : i32 to index
        %get3A_962 = arith.constant 64 : index
        %get3A_963 = tpu.vector_load %arg7[%get3A_961, %get3A_962] {strides = array<i32>} : memref<32x128xf32, #tpu.memory_space<vmem>>, vector<16xf32>,
        %add3A_964 = arith.addf %add3A_959, %get3A_963 : vector<16xf32>
        %get3A_965 = arith.constant 7 : i32
        %get3A_966 = arith.index_cast %get3A_965 : i32 to index
        %get3A_967 = arith.constant 64 : index
        %get3A_968 = tpu.vector_load %arg7[%get3A_966, %get3A_967] {strides = array<i32>} : memref<32x128xf32, #tpu.memory_space<vmem>>, vector<16xf32>,
        %add3A_969 = arith.addf %add3A_964, %get3A_968 : vector<16xf32>
        %get3A_970 = arith.constant 8 : i32
        %get3A_971 = arith.index_cast %get3A_970 : i32 to index
        %get3A_972 = arith.constant 64 : index
        %get3A_973 = tpu.vector_load %arg7[%get3A_971, %get3A_972] {strides = array<i32>} : memref<32x128xf32, #tpu.memory_space<vmem>>, vector<16xf32>,
        %add3A_974 = arith.addf %add3A_969, %get3A_973 : vector<16xf32>
        %get3A_975 = arith.constant 9 : i32
        %get3A_976 = arith.index_cast %get3A_975 : i32 to index
        %get3A_977 = arith.constant 64 : index
        %get3A_978 = tpu.vector_load %arg7[%get3A_976, %get3A_977] {strides = array<i32>} : memref<32x128xf32, #tpu.memory_space<vmem>>, vector<16xf32>,
        %add3A_979 = arith.addf %add3A_974, %get3A_978 : vector<16xf32>
        %get3A_980 = arith.constant 10 : i32
        %get3A_981 = arith.index_cast %get3A_980 : i32 to index
        %get3A_982 = arith.constant 64 : index
        %get3A_983 = tpu.vector_load %arg7[%get3A_981, %get3A_982] {strides = array<i32>} : memref<32x128xf32, #tpu.memory_space<vmem>>, vector<16xf32>,
        %add3A_984 = arith.addf %add3A_979, %get3A_983 : vector<16xf32>
        %get3A_985 = arith.constant 11 : i32
        %get3A_986 = arith.index_cast %get3A_985 : i32 to index
        %get3A_987 = arith.constant 64 : index
        %get3A_988 = tpu.vector_load %arg7[%get3A_986, %get3A_987] {strides = array<i32>} : memref<32x128xf32, #tpu.memory_space<vmem>>, vector<16xf32>,
        %add3A_989 = arith.addf %add3A_984, %get3A_988 : vector<16xf32>
        %get3A_990 = arith.constant 12 : i32
        %get3A_991 = arith.index_cast %get3A_990 : i32 to index
        %get3A_992 = arith.constant 64 : index
        %get3A_993 = tpu.vector_load %arg7[%get3A_991, %get3A_992] {strides = array<i32>} : memref<32x128xf32, #tpu.memory_space<vmem>>, vector<16xf32>,
        %add3A_994 = arith.addf %add3A_989, %get3A_993 : vector<16xf32>
        %get3A_995 = arith.constant 13 : i32
        %get3A_996 = arith.index_cast %get3A_995 : i32 to index
        %get3A_997 = arith.constant 64 : index
        %get3A_998 = tpu.vector_load %arg7[%get3A_996, %get3A_997] {strides = array<i32>} : memref<32x128xf32, #tpu.memory_space<vmem>>, vector<16xf32>,
        %add3A_999 = arith.addf %add3A_994, %get3A_998 : vector<16xf32>
        %get3A_1000 = arith.constant 14 : i32
        %get3A_1001 = arith.index_cast %get3A_1000 : i32 to index
        %get3A_1002 = arith.constant 64 : index
        %get3A_1003 = tpu.vector_load %arg7[%get3A_1001, %get3A_1002] {strides = array<i32>} : memref<32x128xf32, #tpu.memory_space<vmem>>, vector<16xf32>,
        %add3A_1004 = arith.addf %add3A_999, %get3A_1003 : vector<16xf32>
        %get3A_1005 = arith.constant 15 : i32
        %get3A_1006 = arith.index_cast %get3A_1005 : i32 to index
        %get3A_1007 = arith.constant 64 : index
        %get3A_1008 = tpu.vector_load %arg7[%get3A_1006, %get3A_1007] {strides = array<i32>} : memref<32x128xf32, #tpu.memory_space<vmem>>, vector<16xf32>,
        %add3A_1009 = arith.addf %add3A_1004, %get3A_1008 : vector<16xf32>
        %get3A_1010 = arith.constant 16 : i32
        %get3A_1011 = arith.index_cast %get3A_1010 : i32 to index
        %get3A_1012 = arith.constant 64 : index
        %get3A_1013 = tpu.vector_load %arg7[%get3A_1011, %get3A_1012] {strides = array<i32>} : memref<32x128xf32, #tpu.memory_space<vmem>>, vector<16xf32>,
        %add3A_1014 = arith.addf %add3A_1009, %get3A_1013 : vector<16xf32>
        %get3A_1015 = arith.constant 17 : i32
        %get3A_1016 = arith.index_cast %get3A_1015 : i32 to index
        %get3A_1017 = arith.constant 64 : index
        %get3A_1018 = tpu.vector_load %arg7[%get3A_1016, %get3A_1017] {strides = array<i32>} : memref<32x128xf32, #tpu.memory_space<vmem>>, vector<16xf32>,
        %add3A_1019 = arith.addf %add3A_1014, %get3A_1018 : vector<16xf32>
        %get3A_1020 = arith.constant 18 : i32
        %get3A_1021 = arith.index_cast %get3A_1020 : i32 to index
        %get3A_1022 = arith.constant 64 : index
        %get3A_1023 = tpu.vector_load %arg7[%get3A_1021, %get3A_1022] {strides = array<i32>} : memref<32x128xf32, #tpu.memory_space<vmem>>, vector<16xf32>,
        %add3A_1024 = arith.addf %add3A_1019, %get3A_1023 : vector<16xf32>
        %get3A_1025 = arith.constant 19 : i32
        %get3A_1026 = arith.index_cast %get3A_1025 : i32 to index
        %get3A_1027 = arith.constant 64 : index
        %get3A_1028 = tpu.vector_load %arg7[%get3A_1026, %get3A_1027] {strides = array<i32>} : memref<32x128xf32, #tpu.memory_space<vmem>>, vector<16xf32>,
        %add3A_1029 = arith.addf %add3A_1024, %get3A_1028 : vector<16xf32>
        %get3A_1030 = arith.constant 20 : i32
        %get3A_1031 = arith.index_cast %get3A_1030 : i32 to index
        %get3A_1032 = arith.constant 64 : index
        %get3A_1033 = tpu.vector_load %arg7[%get3A_1031, %get3A_1032] {strides = array<i32>} : memref<32x128xf32, #tpu.memory_space<vmem>>, vector<16xf32>,
        %add3A_1034 = arith.addf %add3A_1029, %get3A_1033 : vector<16xf32>
        %get3A_1035 = arith.constant 21 : i32
        %get3A_1036 = arith.index_cast %get3A_1035 : i32 to index
        %get3A_1037 = arith.constant 64 : index
        %get3A_1038 = tpu.vector_load %arg7[%get3A_1036, %get3A_1037] {strides = array<i32>} : memref<32x128xf32, #tpu.memory_space<vmem>>, vector<16xf32>,
        %add3A_1039 = arith.addf %add3A_1034, %get3A_1038 : vector<16xf32>
        %get3A_1040 = arith.constant 22 : i32
        %get3A_1041 = arith.index_cast %get3A_1040 : i32 to index
        %get3A_1042 = arith.constant 64 : index
        %get3A_1043 = tpu.vector_load %arg7[%get3A_1041, %get3A_1042] {strides = array<i32>} : memref<32x128xf32, #tpu.memory_space<vmem>>, vector<16xf32>,
        %add3A_1044 = arith.addf %add3A_1039, %get3A_1043 : vector<16xf32>
        %get3A_1045 = arith.constant 23 : i32
        %get3A_1046 = arith.index_cast %get3A_1045 : i32 to index
        %get3A_1047 = arith.constant 64 : index
        %get3A_1048 = tpu.vector_load %arg7[%get3A_1046, %get3A_1047] {strides = array<i32>} : memref<32x128xf32, #tpu.memory_space<vmem>>, vector<16xf32>,
        %add3A_1049 = arith.addf %add3A_1044, %get3A_1048 : vector<16xf32>
        %get3A_1050 = arith.constant 24 : i32
        %get3A_1051 = arith.index_cast %get3A_1050 : i32 to index
        %get3A_1052 = arith.constant 64 : index
        %get3A_1053 = tpu.vector_load %arg7[%get3A_1051, %get3A_1052] {strides = array<i32>} : memref<32x128xf32, #tpu.memory_space<vmem>>, vector<16xf32>,
        %add3A_1054 = arith.addf %add3A_1049, %get3A_1053 : vector<16xf32>
        %get3A_1055 = arith.constant 25 : i32
        %get3A_1056 = arith.index_cast %get3A_1055 : i32 to index
        %get3A_1057 = arith.constant 64 : index
        %get3A_1058 = tpu.vector_load %arg7[%get3A_1056, %get3A_1057] {strides = array<i32>} : memref<32x128xf32, #tpu.memory_space<vmem>>, vector<16xf32>,
        %add3A_1059 = arith.addf %add3A_1054, %get3A_1058 : vector<16xf32>
        %get3A_1060 = arith.constant 26 : i32
        %get3A_1061 = arith.index_cast %get3A_1060 : i32 to index
        %get3A_1062 = arith.constant 64 : index
        %get3A_1063 = tpu.vector_load %arg7[%get3A_1061, %get3A_1062] {strides = array<i32>} : memref<32x128xf32, #tpu.memory_space<vmem>>, vector<16xf32>,
        %add3A_1064 = arith.addf %add3A_1059, %get3A_1063 : vector<16xf32>
        %get3A_1065 = arith.constant 27 : i32
        %get3A_1066 = arith.index_cast %get3A_1065 : i32 to index
        %get3A_1067 = arith.constant 64 : index
        %get3A_1068 = tpu.vector_load %arg7[%get3A_1066, %get3A_1067] {strides = array<i32>} : memref<32x128xf32, #tpu.memory_space<vmem>>, vector<16xf32>,
        %add3A_1069 = arith.addf %add3A_1064, %get3A_1068 : vector<16xf32>
        %get3A_1070 = arith.constant 28 : i32
        %get3A_1071 = arith.index_cast %get3A_1070 : i32 to index
        %get3A_1072 = arith.constant 64 : index
        %get3A_1073 = tpu.vector_load %arg7[%get3A_1071, %get3A_1072] {strides = array<i32>} : memref<32x128xf32, #tpu.memory_space<vmem>>, vector<16xf32>,
        %add3A_1074 = arith.addf %add3A_1069, %get3A_1073 : vector<16xf32>
        %get3A_1075 = arith.constant 29 : i32
        %get3A_1076 = arith.index_cast %get3A_1075 : i32 to index
        %get3A_1077 = arith.constant 64 : index
        %get3A_1078 = tpu.vector_load %arg7[%get3A_1076, %get3A_1077] {strides = array<i32>} : memref<32x128xf32, #tpu.memory_space<vmem>>, vector<16xf32>,
        %add3A_1079 = arith.addf %add3A_1074, %get3A_1078 : vector<16xf32>
        %get3A_1080 = arith.constant 30 : i32
        %get3A_1081 = arith.index_cast %get3A_1080 : i32 to index
        %get3A_1082 = arith.constant 64 : index
        %get3A_1083 = tpu.vector_load %arg7[%get3A_1081, %get3A_1082] {strides = array<i32>} : memref<32x128xf32, #tpu.memory_space<vmem>>, vector<16xf32>,
        %add3A_1084 = arith.addf %add3A_1079, %get3A_1083 : vector<16xf32>
        %get3A_1085 = arith.constant 31 : i32
        %get3A_1086 = arith.index_cast %get3A_1085 : i32 to index
        %get3A_1087 = arith.constant 64 : index
        %get3A_1088 = tpu.vector_load %arg7[%get3A_1086, %get3A_1087] {strides = array<i32>} : memref<32x128xf32, #tpu.memory_space<vmem>>, vector<16xf32>,
        %add3A_1089 = arith.addf %add3A_1084, %get3A_1088 : vector<16xf32>
        %swap3A_1090 = arith.constant 64 : index
        %swap3A_1091 = tpu.vector_load %arg8[%swap3A_1090] {strides = array<i32>} : memref<128xf32, #tpu.memory_space<vmem>>, vector<16xf32>,
        tpu.vector_store %arg8[%swap3A_1090], %add3A_1089 {strides = array<i32>} : memref<128xf32, #tpu.memory_space<vmem>>, vector<16xf32>,
        %get3A_1092 = arith.constant 80 : index
        %get3A_1093 = tpu.vector_load %arg8[%get3A_1092] {strides = array<i32>} : memref<128xf32, #tpu.memory_space<vmem>>, vector<16xf32>,
        %get3A_1094 = arith.constant 0 : i32
        %get3A_1095 = arith.index_cast %get3A_1094 : i32 to index
        %get3A_1096 = arith.constant 80 : index
        %get3A_1097 = tpu.vector_load %arg7[%get3A_1095, %get3A_1096] {strides = array<i32>} : memref<32x128xf32, #tpu.memory_space<vmem>>, vector<16xf32>,
        %add3A_1098 = arith.addf %get3A_1093, %get3A_1097 : vector<16xf32>
        %get3A_1099 = arith.constant 1 : i32
        %get3A_1100 = arith.index_cast %get3A_1099 : i32 to index
        %get3A_1101 = arith.constant 80 : index
        %get3A_1102 = tpu.vector_load %arg7[%get3A_1100, %get3A_1101] {strides = array<i32>} : memref<32x128xf32, #tpu.memory_space<vmem>>, vector<16xf32>,
        %add3A_1103 = arith.addf %add3A_1098, %get3A_1102 : vector<16xf32>
        %get3A_1104 = arith.constant 2 : i32
        %get3A_1105 = arith.index_cast %get3A_1104 : i32 to index
        %get3A_1106 = arith.constant 80 : index
        %get3A_1107 = tpu.vector_load %arg7[%get3A_1105, %get3A_1106] {strides = array<i32>} : memref<32x128xf32, #tpu.memory_space<vmem>>, vector<16xf32>,
        %add3A_1108 = arith.addf %add3A_1103, %get3A_1107 : vector<16xf32>
        %get3A_1109 = arith.constant 3 : i32
        %get3A_1110 = arith.index_cast %get3A_1109 : i32 to index
        %get3A_1111 = arith.constant 80 : index
        %get3A_1112 = tpu.vector_load %arg7[%get3A_1110, %get3A_1111] {strides = array<i32>} : memref<32x128xf32, #tpu.memory_space<vmem>>, vector<16xf32>,
        %add3A_1113 = arith.addf %add3A_1108, %get3A_1112 : vector<16xf32>
        %get3A_1114 = arith.constant 4 : i32
        %get3A_1115 = arith.index_cast %get3A_1114 : i32 to index
        %get3A_1116 = arith.constant 80 : index
        %get3A_1117 = tpu.vector_load %arg7[%get3A_1115, %get3A_1116] {strides = array<i32>} : memref<32x128xf32, #tpu.memory_space<vmem>>, vector<16xf32>,
        %add3A_1118 = arith.addf %add3A_1113, %get3A_1117 : vector<16xf32>
        %get3A_1119 = arith.constant 5 : i32
        %get3A_1120 = arith.index_cast %get3A_1119 : i32 to index
        %get3A_1121 = arith.constant 80 : index
        %get3A_1122 = tpu.vector_load %arg7[%get3A_1120, %get3A_1121] {strides = array<i32>} : memref<32x128xf32, #tpu.memory_space<vmem>>, vector<16xf32>,
        %add3A_1123 = arith.addf %add3A_1118, %get3A_1122 : vector<16xf32>
        %get3A_1124 = arith.constant 6 : i32
        %get3A_1125 = arith.index_cast %get3A_1124 : i32 to index
        %get3A_1126 = arith.constant 80 : index
        %get3A_1127 = tpu.vector_load %arg7[%get3A_1125, %get3A_1126] {strides = array<i32>} : memref<32x128xf32, #tpu.memory_space<vmem>>, vector<16xf32>,
        %add3A_1128 = arith.addf %add3A_1123, %get3A_1127 : vector<16xf32>
        %get3A_1129 = arith.constant 7 : i32
        %get3A_1130 = arith.index_cast %get3A_1129 : i32 to index
        %get3A_1131 = arith.constant 80 : index
        %get3A_1132 = tpu.vector_load %arg7[%get3A_1130, %get3A_1131] {strides = array<i32>} : memref<32x128xf32, #tpu.memory_space<vmem>>, vector<16xf32>,
        %add3A_1133 = arith.addf %add3A_1128, %get3A_1132 : vector<16xf32>
        %get3A_1134 = arith.constant 8 : i32
        %get3A_1135 = arith.index_cast %get3A_1134 : i32 to index
        %get3A_1136 = arith.constant 80 : index
        %get3A_1137 = tpu.vector_load %arg7[%get3A_1135, %get3A_1136] {strides = array<i32>} : memref<32x128xf32, #tpu.memory_space<vmem>>, vector<16xf32>,
        %add3A_1138 = arith.addf %add3A_1133, %get3A_1137 : vector<16xf32>
        %get3A_1139 = arith.constant 9 : i32
        %get3A_1140 = arith.index_cast %get3A_1139 : i32 to index
        %get3A_1141 = arith.constant 80 : index
        %get3A_1142 = tpu.vector_load %arg7[%get3A_1140, %get3A_1141] {strides = array<i32>} : memref<32x128xf32, #tpu.memory_space<vmem>>, vector<16xf32>,
        %add3A_1143 = arith.addf %add3A_1138, %get3A_1142 : vector<16xf32>
        %get3A_1144 = arith.constant 10 : i32
        %get3A_1145 = arith.index_cast %get3A_1144 : i32 to index
        %get3A_1146 = arith.constant 80 : index
        %get3A_1147 = tpu.vector_load %arg7[%get3A_1145, %get3A_1146] {strides = array<i32>} : memref<32x128xf32, #tpu.memory_space<vmem>>, vector<16xf32>,
        %add3A_1148 = arith.addf %add3A_1143, %get3A_1147 : vector<16xf32>
        %get3A_1149 = arith.constant 11 : i32
        %get3A_1150 = arith.index_cast %get3A_1149 : i32 to index
        %get3A_1151 = arith.constant 80 : index
        %get3A_1152 = tpu.vector_load %arg7[%get3A_1150, %get3A_1151] {strides = array<i32>} : memref<32x128xf32, #tpu.memory_space<vmem>>, vector<16xf32>,
        %add3A_1153 = arith.addf %add3A_1148, %get3A_1152 : vector<16xf32>
        %get3A_1154 = arith.constant 12 : i32
        %get3A_1155 = arith.index_cast %get3A_1154 : i32 to index
        %get3A_1156 = arith.constant 80 : index
        %get3A_1157 = tpu.vector_load %arg7[%get3A_1155, %get3A_1156] {strides = array<i32>} : memref<32x128xf32, #tpu.memory_space<vmem>>, vector<16xf32>,
        %add3A_1158 = arith.addf %add3A_1153, %get3A_1157 : vector<16xf32>
        %get3A_1159 = arith.constant 13 : i32
        %get3A_1160 = arith.index_cast %get3A_1159 : i32 to index
        %get3A_1161 = arith.constant 80 : index
        %get3A_1162 = tpu.vector_load %arg7[%get3A_1160, %get3A_1161] {strides = array<i32>} : memref<32x128xf32, #tpu.memory_space<vmem>>, vector<16xf32>,
        %add3A_1163 = arith.addf %add3A_1158, %get3A_1162 : vector<16xf32>
        %get3A_1164 = arith.constant 14 : i32
        %get3A_1165 = arith.index_cast %get3A_1164 : i32 to index
        %get3A_1166 = arith.constant 80 : index
        %get3A_1167 = tpu.vector_load %arg7[%get3A_1165, %get3A_1166] {strides = array<i32>} : memref<32x128xf32, #tpu.memory_space<vmem>>, vector<16xf32>,
        %add3A_1168 = arith.addf %add3A_1163, %get3A_1167 : vector<16xf32>
        %get3A_1169 = arith.constant 15 : i32
        %get3A_1170 = arith.index_cast %get3A_1169 : i32 to index
        %get3A_1171 = arith.constant 80 : index
        %get3A_1172 = tpu.vector_load %arg7[%get3A_1170, %get3A_1171] {strides = array<i32>} : memref<32x128xf32, #tpu.memory_space<vmem>>, vector<16xf32>,
        %add3A_1173 = arith.addf %add3A_1168, %get3A_1172 : vector<16xf32>
        %get3A_1174 = arith.constant 16 : i32
        %get3A_1175 = arith.index_cast %get3A_1174 : i32 to index
        %get3A_1176 = arith.constant 80 : index
        %get3A_1177 = tpu.vector_load %arg7[%get3A_1175, %get3A_1176] {strides = array<i32>} : memref<32x128xf32, #tpu.memory_space<vmem>>, vector<16xf32>,
        %add3A_1178 = arith.addf %add3A_1173, %get3A_1177 : vector<16xf32>
        %get3A_1179 = arith.constant 17 : i32
        %get3A_1180 = arith.index_cast %get3A_1179 : i32 to index
        %get3A_1181 = arith.constant 80 : index
        %get3A_1182 = tpu.vector_load %arg7[%get3A_1180, %get3A_1181] {strides = array<i32>} : memref<32x128xf32, #tpu.memory_space<vmem>>, vector<16xf32>,
        %add3A_1183 = arith.addf %add3A_1178, %get3A_1182 : vector<16xf32>
        %get3A_1184 = arith.constant 18 : i32
        %get3A_1185 = arith.index_cast %get3A_1184 : i32 to index
        %get3A_1186 = arith.constant 80 : index
        %get3A_1187 = tpu.vector_load %arg7[%get3A_1185, %get3A_1186] {strides = array<i32>} : memref<32x128xf32, #tpu.memory_space<vmem>>, vector<16xf32>,
        %add3A_1188 = arith.addf %add3A_1183, %get3A_1187 : vector<16xf32>
        %get3A_1189 = arith.constant 19 : i32
        %get3A_1190 = arith.index_cast %get3A_1189 : i32 to index
        %get3A_1191 = arith.constant 80 : index
        %get3A_1192 = tpu.vector_load %arg7[%get3A_1190, %get3A_1191] {strides = array<i32>} : memref<32x128xf32, #tpu.memory_space<vmem>>, vector<16xf32>,
        %add3A_1193 = arith.addf %add3A_1188, %get3A_1192 : vector<16xf32>
        %get3A_1194 = arith.constant 20 : i32
        %get3A_1195 = arith.index_cast %get3A_1194 : i32 to index
        %get3A_1196 = arith.constant 80 : index
        %get3A_1197 = tpu.vector_load %arg7[%get3A_1195, %get3A_1196] {strides = array<i32>} : memref<32x128xf32, #tpu.memory_space<vmem>>, vector<16xf32>,
        %add3A_1198 = arith.addf %add3A_1193, %get3A_1197 : vector<16xf32>
        %get3A_1199 = arith.constant 21 : i32
        %get3A_1200 = arith.index_cast %get3A_1199 : i32 to index
        %get3A_1201 = arith.constant 80 : index
        %get3A_1202 = tpu.vector_load %arg7[%get3A_1200, %get3A_1201] {strides = array<i32>} : memref<32x128xf32, #tpu.memory_space<vmem>>, vector<16xf32>,
        %add3A_1203 = arith.addf %add3A_1198, %get3A_1202 : vector<16xf32>
        %get3A_1204 = arith.constant 22 : i32
        %get3A_1205 = arith.index_cast %get3A_1204 : i32 to index
        %get3A_1206 = arith.constant 80 : index
        %get3A_1207 = tpu.vector_load %arg7[%get3A_1205, %get3A_1206] {strides = array<i32>} : memref<32x128xf32, #tpu.memory_space<vmem>>, vector<16xf32>,
        %add3A_1208 = arith.addf %add3A_1203, %get3A_1207 : vector<16xf32>
        %get3A_1209 = arith.constant 23 : i32
        %get3A_1210 = arith.index_cast %get3A_1209 : i32 to index
        %get3A_1211 = arith.constant 80 : index
        %get3A_1212 = tpu.vector_load %arg7[%get3A_1210, %get3A_1211] {strides = array<i32>} : memref<32x128xf32, #tpu.memory_space<vmem>>, vector<16xf32>,
        %add3A_1213 = arith.addf %add3A_1208, %get3A_1212 : vector<16xf32>
        %get3A_1214 = arith.constant 24 : i32
        %get3A_1215 = arith.index_cast %get3A_1214 : i32 to index
        %get3A_1216 = arith.constant 80 : index
        %get3A_1217 = tpu.vector_load %arg7[%get3A_1215, %get3A_1216] {strides = array<i32>} : memref<32x128xf32, #tpu.memory_space<vmem>>, vector<16xf32>,
        %add3A_1218 = arith.addf %add3A_1213, %get3A_1217 : vector<16xf32>
        %get3A_1219 = arith.constant 25 : i32
        %get3A_1220 = arith.index_cast %get3A_1219 : i32 to index
        %get3A_1221 = arith.constant 80 : index
        %get3A_1222 = tpu.vector_load %arg7[%get3A_1220, %get3A_1221] {strides = array<i32>} : memref<32x128xf32, #tpu.memory_space<vmem>>, vector<16xf32>,
        %add3A_1223 = arith.addf %add3A_1218, %get3A_1222 : vector<16xf32>
        %get3A_1224 = arith.constant 26 : i32
        %get3A_1225 = arith.index_cast %get3A_1224 : i32 to index
        %get3A_1226 = arith.constant 80 : index
        %get3A_1227 = tpu.vector_load %arg7[%get3A_1225, %get3A_1226] {strides = array<i32>} : memref<32x128xf32, #tpu.memory_space<vmem>>, vector<16xf32>,
        %add3A_1228 = arith.addf %add3A_1223, %get3A_1227 : vector<16xf32>
        %get3A_1229 = arith.constant 27 : i32
        %get3A_1230 = arith.index_cast %get3A_1229 : i32 to index
        %get3A_1231 = arith.constant 80 : index
        %get3A_1232 = tpu.vector_load %arg7[%get3A_1230, %get3A_1231] {strides = array<i32>} : memref<32x128xf32, #tpu.memory_space<vmem>>, vector<16xf32>,
        %add3A_1233 = arith.addf %add3A_1228, %get3A_1232 : vector<16xf32>
        %get3A_1234 = arith.constant 28 : i32
        %get3A_1235 = arith.index_cast %get3A_1234 : i32 to index
        %get3A_1236 = arith.constant 80 : index
        %get3A_1237 = tpu.vector_load %arg7[%get3A_1235, %get3A_1236] {strides = array<i32>} : memref<32x128xf32, #tpu.memory_space<vmem>>, vector<16xf32>,
        %add3A_1238 = arith.addf %add3A_1233, %get3A_1237 : vector<16xf32>
        %get3A_1239 = arith.constant 29 : i32
        %get3A_1240 = arith.index_cast %get3A_1239 : i32 to index
        %get3A_1241 = arith.constant 80 : index
        %get3A_1242 = tpu.vector_load %arg7[%get3A_1240, %get3A_1241] {strides = array<i32>} : memref<32x128xf32, #tpu.memory_space<vmem>>, vector<16xf32>,
        %add3A_1243 = arith.addf %add3A_1238, %get3A_1242 : vector<16xf32>
        %get3A_1244 = arith.constant 30 : i32
        %get3A_1245 = arith.index_cast %get3A_1244 : i32 to index
        %get3A_1246 = arith.constant 80 : index
        %get3A_1247 = tpu.vector_load %arg7[%get3A_1245, %get3A_1246] {strides = array<i32>} : memref<32x128xf32, #tpu.memory_space<vmem>>, vector<16xf32>,
        %add3A_1248 = arith.addf %add3A_1243, %get3A_1247 : vector<16xf32>
        %get3A_1249 = arith.constant 31 : i32
        %get3A_1250 = arith.index_cast %get3A_1249 : i32 to index
        %get3A_1251 = arith.constant 80 : index
        %get3A_1252 = tpu.vector_load %arg7[%get3A_1250, %get3A_1251] {strides = array<i32>} : memref<32x128xf32, #tpu.memory_space<vmem>>, vector<16xf32>,
        %add3A_1253 = arith.addf %add3A_1248, %get3A_1252 : vector<16xf32>
        %swap3A_1254 = arith.constant 80 : index
        %swap3A_1255 = tpu.vector_load %arg8[%swap3A_1254] {strides = array<i32>} : memref<128xf32, #tpu.memory_space<vmem>>, vector<16xf32>,
        tpu.vector_store %arg8[%swap3A_1254], %add3A_1253 {strides = array<i32>} : memref<128xf32, #tpu.memory_space<vmem>>, vector<16xf32>,
        %get3A_1256 = arith.constant 96 : index
        %get3A_1257 = tpu.vector_load %arg8[%get3A_1256] {strides = array<i32>} : memref<128xf32, #tpu.memory_space<vmem>>, vector<16xf32>,
        %get3A_1258 = arith.constant 0 : i32
        %get3A_1259 = arith.index_cast %get3A_1258 : i32 to index
        %get3A_1260 = arith.constant 96 : index
        %get3A_1261 = tpu.vector_load %arg7[%get3A_1259, %get3A_1260] {strides = array<i32>} : memref<32x128xf32, #tpu.memory_space<vmem>>, vector<16xf32>,
        %add3A_1262 = arith.addf %get3A_1257, %get3A_1261 : vector<16xf32>
        %get3A_1263 = arith.constant 1 : i32
        %get3A_1264 = arith.index_cast %get3A_1263 : i32 to index
        %get3A_1265 = arith.constant 96 : index
        %get3A_1266 = tpu.vector_load %arg7[%get3A_1264, %get3A_1265] {strides = array<i32>} : memref<32x128xf32, #tpu.memory_space<vmem>>, vector<16xf32>,
        %add3A_1267 = arith.addf %add3A_1262, %get3A_1266 : vector<16xf32>
        %get3A_1268 = arith.constant 2 : i32
        %get3A_1269 = arith.index_cast %get3A_1268 : i32 to index
        %get3A_1270 = arith.constant 96 : index
        %get3A_1271 = tpu.vector_load %arg7[%get3A_1269, %get3A_1270] {strides = array<i32>} : memref<32x128xf32, #tpu.memory_space<vmem>>, vector<16xf32>,
        %add3A_1272 = arith.addf %add3A_1267, %get3A_1271 : vector<16xf32>
        %get3A_1273 = arith.constant 3 : i32
        %get3A_1274 = arith.index_cast %get3A_1273 : i32 to index
        %get3A_1275 = arith.constant 96 : index
        %get3A_1276 = tpu.vector_load %arg7[%get3A_1274, %get3A_1275] {strides = array<i32>} : memref<32x128xf32, #tpu.memory_space<vmem>>, vector<16xf32>,
        %add3A_1277 = arith.addf %add3A_1272, %get3A_1276 : vector<16xf32>
        %get3A_1278 = arith.constant 4 : i32
        %get3A_1279 = arith.index_cast %get3A_1278 : i32 to index
        %get3A_1280 = arith.constant 96 : index
        %get3A_1281 = tpu.vector_load %arg7[%get3A_1279, %get3A_1280] {strides = array<i32>} : memref<32x128xf32, #tpu.memory_space<vmem>>, vector<16xf32>,
        %add3A_1282 = arith.addf %add3A_1277, %get3A_1281 : vector<16xf32>
        %get3A_1283 = arith.constant 5 : i32
        %get3A_1284 = arith.index_cast %get3A_1283 : i32 to index
        %get3A_1285 = arith.constant 96 : index
        %get3A_1286 = tpu.vector_load %arg7[%get3A_1284, %get3A_1285] {strides = array<i32>} : memref<32x128xf32, #tpu.memory_space<vmem>>, vector<16xf32>,
        %add3A_1287 = arith.addf %add3A_1282, %get3A_1286 : vector<16xf32>
        %get3A_1288 = arith.constant 6 : i32
        %get3A_1289 = arith.index_cast %get3A_1288 : i32 to index
        %get3A_1290 = arith.constant 96 : index
        %get3A_1291 = tpu.vector_load %arg7[%get3A_1289, %get3A_1290] {strides = array<i32>} : memref<32x128xf32, #tpu.memory_space<vmem>>, vector<16xf32>,
        %add3A_1292 = arith.addf %add3A_1287, %get3A_1291 : vector<16xf32>
        %get3A_1293 = arith.constant 7 : i32
        %get3A_1294 = arith.index_cast %get3A_1293 : i32 to index
        %get3A_1295 = arith.constant 96 : index
        %get3A_1296 = tpu.vector_load %arg7[%get3A_1294, %get3A_1295] {strides = array<i32>} : memref<32x128xf32, #tpu.memory_space<vmem>>, vector<16xf32>,
        %add3A_1297 = arith.addf %add3A_1292, %get3A_1296 : vector<16xf32>
        %get3A_1298 = arith.constant 8 : i32
        %get3A_1299 = arith.index_cast %get3A_1298 : i32 to index
        %get3A_1300 = arith.constant 96 : index
        %get3A_1301 = tpu.vector_load %arg7[%get3A_1299, %get3A_1300] {strides = array<i32>} : memref<32x128xf32, #tpu.memory_space<vmem>>, vector<16xf32>,
        %add3A_1302 = arith.addf %add3A_1297, %get3A_1301 : vector<16xf32>
        %get3A_1303 = arith.constant 9 : i32
        %get3A_1304 = arith.index_cast %get3A_1303 : i32 to index
        %get3A_1305 = arith.constant 96 : index
        %get3A_1306 = tpu.vector_load %arg7[%get3A_1304, %get3A_1305] {strides = array<i32>} : memref<32x128xf32, #tpu.memory_space<vmem>>, vector<16xf32>,
        %add3A_1307 = arith.addf %add3A_1302, %get3A_1306 : vector<16xf32>
        %get3A_1308 = arith.constant 10 : i32
        %get3A_1309 = arith.index_cast %get3A_1308 : i32 to index
        %get3A_1310 = arith.constant 96 : index
        %get3A_1311 = tpu.vector_load %arg7[%get3A_1309, %get3A_1310] {strides = array<i32>} : memref<32x128xf32, #tpu.memory_space<vmem>>, vector<16xf32>,
        %add3A_1312 = arith.addf %add3A_1307, %get3A_1311 : vector<16xf32>
        %get3A_1313 = arith.constant 11 : i32
        %get3A_1314 = arith.index_cast %get3A_1313 : i32 to index
        %get3A_1315 = arith.constant 96 : index
        %get3A_1316 = tpu.vector_load %arg7[%get3A_1314, %get3A_1315] {strides = array<i32>} : memref<32x128xf32, #tpu.memory_space<vmem>>, vector<16xf32>,
        %add3A_1317 = arith.addf %add3A_1312, %get3A_1316 : vector<16xf32>
        %get3A_1318 = arith.constant 12 : i32
        %get3A_1319 = arith.index_cast %get3A_1318 : i32 to index
        %get3A_1320 = arith.constant 96 : index
        %get3A_1321 = tpu.vector_load %arg7[%get3A_1319, %get3A_1320] {strides = array<i32>} : memref<32x128xf32, #tpu.memory_space<vmem>>, vector<16xf32>,
        %add3A_1322 = arith.addf %add3A_1317, %get3A_1321 : vector<16xf32>
        %get3A_1323 = arith.constant 13 : i32
        %get3A_1324 = arith.index_cast %get3A_1323 : i32 to index
        %get3A_1325 = arith.constant 96 : index
        %get3A_1326 = tpu.vector_load %arg7[%get3A_1324, %get3A_1325] {strides = array<i32>} : memref<32x128xf32, #tpu.memory_space<vmem>>, vector<16xf32>,
        %add3A_1327 = arith.addf %add3A_1322, %get3A_1326 : vector<16xf32>
        %get3A_1328 = arith.constant 14 : i32
        %get3A_1329 = arith.index_cast %get3A_1328 : i32 to index
        %get3A_1330 = arith.constant 96 : index
        %get3A_1331 = tpu.vector_load %arg7[%get3A_1329, %get3A_1330] {strides = array<i32>} : memref<32x128xf32, #tpu.memory_space<vmem>>, vector<16xf32>,
        %add3A_1332 = arith.addf %add3A_1327, %get3A_1331 : vector<16xf32>
        %get3A_1333 = arith.constant 15 : i32
        %get3A_1334 = arith.index_cast %get3A_1333 : i32 to index
        %get3A_1335 = arith.constant 96 : index
        %get3A_1336 = tpu.vector_load %arg7[%get3A_1334, %get3A_1335] {strides = array<i32>} : memref<32x128xf32, #tpu.memory_space<vmem>>, vector<16xf32>,
        %add3A_1337 = arith.addf %add3A_1332, %get3A_1336 : vector<16xf32>
        %get3A_1338 = arith.constant 16 : i32
        %get3A_1339 = arith.index_cast %get3A_1338 : i32 to index
        %get3A_1340 = arith.constant 96 : index
        %get3A_1341 = tpu.vector_load %arg7[%get3A_1339, %get3A_1340] {strides = array<i32>} : memref<32x128xf32, #tpu.memory_space<vmem>>, vector<16xf32>,
        %add3A_1342 = arith.addf %add3A_1337, %get3A_1341 : vector<16xf32>
        %get3A_1343 = arith.constant 17 : i32
        %get3A_1344 = arith.index_cast %get3A_1343 : i32 to index
        %get3A_1345 = arith.constant 96 : index
        %get3A_1346 = tpu.vector_load %arg7[%get3A_1344, %get3A_1345] {strides = array<i32>} : memref<32x128xf32, #tpu.memory_space<vmem>>, vector<16xf32>,
        %add3A_1347 = arith.addf %add3A_1342, %get3A_1346 : vector<16xf32>
        %get3A_1348 = arith.constant 18 : i32
        %get3A_1349 = arith.index_cast %get3A_1348 : i32 to index
        %get3A_1350 = arith.constant 96 : index
        %get3A_1351 = tpu.vector_load %arg7[%get3A_1349, %get3A_1350] {strides = array<i32>} : memref<32x128xf32, #tpu.memory_space<vmem>>, vector<16xf32>,
        %add3A_1352 = arith.addf %add3A_1347, %get3A_1351 : vector<16xf32>
        %get3A_1353 = arith.constant 19 : i32
        %get3A_1354 = arith.index_cast %get3A_1353 : i32 to index
        %get3A_1355 = arith.constant 96 : index
        %get3A_1356 = tpu.vector_load %arg7[%get3A_1354, %get3A_1355] {strides = array<i32>} : memref<32x128xf32, #tpu.memory_space<vmem>>, vector<16xf32>,
        %add3A_1357 = arith.addf %add3A_1352, %get3A_1356 : vector<16xf32>
        %get3A_1358 = arith.constant 20 : i32
        %get3A_1359 = arith.index_cast %get3A_1358 : i32 to index
        %get3A_1360 = arith.constant 96 : index
        %get3A_1361 = tpu.vector_load %arg7[%get3A_1359, %get3A_1360] {strides = array<i32>} : memref<32x128xf32, #tpu.memory_space<vmem>>, vector<16xf32>,
        %add3A_1362 = arith.addf %add3A_1357, %get3A_1361 : vector<16xf32>
        %get3A_1363 = arith.constant 21 : i32
        %get3A_1364 = arith.index_cast %get3A_1363 : i32 to index
        %get3A_1365 = arith.constant 96 : index
        %get3A_1366 = tpu.vector_load %arg7[%get3A_1364, %get3A_1365] {strides = array<i32>} : memref<32x128xf32, #tpu.memory_space<vmem>>, vector<16xf32>,
        %add3A_1367 = arith.addf %add3A_1362, %get3A_1366 : vector<16xf32>
        %get3A_1368 = arith.constant 22 : i32
        %get3A_1369 = arith.index_cast %get3A_1368 : i32 to index
        %get3A_1370 = arith.constant 96 : index
        %get3A_1371 = tpu.vector_load %arg7[%get3A_1369, %get3A_1370] {strides = array<i32>} : memref<32x128xf32, #tpu.memory_space<vmem>>, vector<16xf32>,
        %add3A_1372 = arith.addf %add3A_1367, %get3A_1371 : vector<16xf32>
        %get3A_1373 = arith.constant 23 : i32
        %get3A_1374 = arith.index_cast %get3A_1373 : i32 to index
        %get3A_1375 = arith.constant 96 : index
        %get3A_1376 = tpu.vector_load %arg7[%get3A_1374, %get3A_1375] {strides = array<i32>} : memref<32x128xf32, #tpu.memory_space<vmem>>, vector<16xf32>,
        %add3A_1377 = arith.addf %add3A_1372, %get3A_1376 : vector<16xf32>
        %get3A_1378 = arith.constant 24 : i32
        %get3A_1379 = arith.index_cast %get3A_1378 : i32 to index
        %get3A_1380 = arith.constant 96 : index
        %get3A_1381 = tpu.vector_load %arg7[%get3A_1379, %get3A_1380] {strides = array<i32>} : memref<32x128xf32, #tpu.memory_space<vmem>>, vector<16xf32>,
        %add3A_1382 = arith.addf %add3A_1377, %get3A_1381 : vector<16xf32>
        %get3A_1383 = arith.constant 25 : i32
        %get3A_1384 = arith.index_cast %get3A_1383 : i32 to index
        %get3A_1385 = arith.constant 96 : index
        %get3A_1386 = tpu.vector_load %arg7[%get3A_1384, %get3A_1385] {strides = array<i32>} : memref<32x128xf32, #tpu.memory_space<vmem>>, vector<16xf32>,
        %add3A_1387 = arith.addf %add3A_1382, %get3A_1386 : vector<16xf32>
        %get3A_1388 = arith.constant 26 : i32
        %get3A_1389 = arith.index_cast %get3A_1388 : i32 to index
        %get3A_1390 = arith.constant 96 : index
        %get3A_1391 = tpu.vector_load %arg7[%get3A_1389, %get3A_1390] {strides = array<i32>} : memref<32x128xf32, #tpu.memory_space<vmem>>, vector<16xf32>,
        %add3A_1392 = arith.addf %add3A_1387, %get3A_1391 : vector<16xf32>
        %get3A_1393 = arith.constant 27 : i32
        %get3A_1394 = arith.index_cast %get3A_1393 : i32 to index
        %get3A_1395 = arith.constant 96 : index
        %get3A_1396 = tpu.vector_load %arg7[%get3A_1394, %get3A_1395] {strides = array<i32>} : memref<32x128xf32, #tpu.memory_space<vmem>>, vector<16xf32>,
        %add3A_1397 = arith.addf %add3A_1392, %get3A_1396 : vector<16xf32>
        %get3A_1398 = arith.constant 28 : i32
        %get3A_1399 = arith.index_cast %get3A_1398 : i32 to index
        %get3A_1400 = arith.constant 96 : index
        %get3A_1401 = tpu.vector_load %arg7[%get3A_1399, %get3A_1400] {strides = array<i32>} : memref<32x128xf32, #tpu.memory_space<vmem>>, vector<16xf32>,
        %add3A_1402 = arith.addf %add3A_1397, %get3A_1401 : vector<16xf32>
        %get3A_1403 = arith.constant 29 : i32
        %get3A_1404 = arith.index_cast %get3A_1403 : i32 to index
        %get3A_1405 = arith.constant 96 : index
        %get3A_1406 = tpu.vector_load %arg7[%get3A_1404, %get3A_1405] {strides = array<i32>} : memref<32x128xf32, #tpu.memory_space<vmem>>, vector<16xf32>,
        %add3A_1407 = arith.addf %add3A_1402, %get3A_1406 : vector<16xf32>
        %get3A_1408 = arith.constant 30 : i32
        %get3A_1409 = arith.index_cast %get3A_1408 : i32 to index
        %get3A_1410 = arith.constant 96 : index
        %get3A_1411 = tpu.vector_load %arg7[%get3A_1409, %get3A_1410] {strides = array<i32>} : memref<32x128xf32, #tpu.memory_space<vmem>>, vector<16xf32>,
        %add3A_1412 = arith.addf %add3A_1407, %get3A_1411 : vector<16xf32>
        %get3A_1413 = arith.constant 31 : i32
        %get3A_1414 = arith.index_cast %get3A_1413 : i32 to index
        %get3A_1415 = arith.constant 96 : index
        %get3A_1416 = tpu.vector_load %arg7[%get3A_1414, %get3A_1415] {strides = array<i32>} : memref<32x128xf32, #tpu.memory_space<vmem>>, vector<16xf32>,
        %add3A_1417 = arith.addf %add3A_1412, %get3A_1416 : vector<16xf32>
        %swap3A_1418 = arith.constant 96 : index
        %swap3A_1419 = tpu.vector_load %arg8[%swap3A_1418] {strides = array<i32>} : memref<128xf32, #tpu.memory_space<vmem>>, vector<16xf32>,
        tpu.vector_store %arg8[%swap3A_1418], %add3A_1417 {strides = array<i32>} : memref<128xf32, #tpu.memory_space<vmem>>, vector<16xf32>,
        %get3A_1420 = arith.constant 112 : index
        %get3A_1421 = tpu.vector_load %arg8[%get3A_1420] {strides = array<i32>} : memref<128xf32, #tpu.memory_space<vmem>>, vector<16xf32>,
        %get3A_1422 = arith.constant 0 : i32
        %get3A_1423 = arith.index_cast %get3A_1422 : i32 to index
        %get3A_1424 = arith.constant 112 : index
        %get3A_1425 = tpu.vector_load %arg7[%get3A_1423, %get3A_1424] {strides = array<i32>} : memref<32x128xf32, #tpu.memory_space<vmem>>, vector<16xf32>,
        %add3A_1426 = arith.addf %get3A_1421, %get3A_1425 : vector<16xf32>
        %get3A_1427 = arith.constant 1 : i32
        %get3A_1428 = arith.index_cast %get3A_1427 : i32 to index
        %get3A_1429 = arith.constant 112 : index
        %get3A_1430 = tpu.vector_load %arg7[%get3A_1428, %get3A_1429] {strides = array<i32>} : memref<32x128xf32, #tpu.memory_space<vmem>>, vector<16xf32>,
        %add3A_1431 = arith.addf %add3A_1426, %get3A_1430 : vector<16xf32>
        %get3A_1432 = arith.constant 2 : i32
        %get3A_1433 = arith.index_cast %get3A_1432 : i32 to index
        %get3A_1434 = arith.constant 112 : index
        %get3A_1435 = tpu.vector_load %arg7[%get3A_1433, %get3A_1434] {strides = array<i32>} : memref<32x128xf32, #tpu.memory_space<vmem>>, vector<16xf32>,
        %add3A_1436 = arith.addf %add3A_1431, %get3A_1435 : vector<16xf32>
        %get3A_1437 = arith.constant 3 : i32
        %get3A_1438 = arith.index_cast %get3A_1437 : i32 to index
        %get3A_1439 = arith.constant 112 : index
        %get3A_1440 = tpu.vector_load %arg7[%get3A_1438, %get3A_1439] {strides = array<i32>} : memref<32x128xf32, #tpu.memory_space<vmem>>, vector<16xf32>,
        %add3A_1441 = arith.addf %add3A_1436, %get3A_1440 : vector<16xf32>
        %get3A_1442 = arith.constant 4 : i32
        %get3A_1443 = arith.index_cast %get3A_1442 : i32 to index
        %get3A_1444 = arith.constant 112 : index
        %get3A_1445 = tpu.vector_load %arg7[%get3A_1443, %get3A_1444] {strides = array<i32>} : memref<32x128xf32, #tpu.memory_space<vmem>>, vector<16xf32>,
        %add3A_1446 = arith.addf %add3A_1441, %get3A_1445 : vector<16xf32>
        %get3A_1447 = arith.constant 5 : i32
        %get3A_1448 = arith.index_cast %get3A_1447 : i32 to index
        %get3A_1449 = arith.constant 112 : index
        %get3A_1450 = tpu.vector_load %arg7[%get3A_1448, %get3A_1449] {strides = array<i32>} : memref<32x128xf32, #tpu.memory_space<vmem>>, vector<16xf32>,
        %add3A_1451 = arith.addf %add3A_1446, %get3A_1450 : vector<16xf32>
        %get3A_1452 = arith.constant 6 : i32
        %get3A_1453 = arith.index_cast %get3A_1452 : i32 to index
        %get3A_1454 = arith.constant 112 : index
        %get3A_1455 = tpu.vector_load %arg7[%get3A_1453, %get3A_1454] {strides = array<i32>} : memref<32x128xf32, #tpu.memory_space<vmem>>, vector<16xf32>,
        %add3A_1456 = arith.addf %add3A_1451, %get3A_1455 : vector<16xf32>
        %get3A_1457 = arith.constant 7 : i32
        %get3A_1458 = arith.index_cast %get3A_1457 : i32 to index
        %get3A_1459 = arith.constant 112 : index
        %get3A_1460 = tpu.vector_load %arg7[%get3A_1458, %get3A_1459] {strides = array<i32>} : memref<32x128xf32, #tpu.memory_space<vmem>>, vector<16xf32>,
        %add3A_1461 = arith.addf %add3A_1456, %get3A_1460 : vector<16xf32>
        %get3A_1462 = arith.constant 8 : i32
        %get3A_1463 = arith.index_cast %get3A_1462 : i32 to index
        %get3A_1464 = arith.constant 112 : index
        %get3A_1465 = tpu.vector_load %arg7[%get3A_1463, %get3A_1464] {strides = array<i32>} : memref<32x128xf32, #tpu.memory_space<vmem>>, vector<16xf32>,
        %add3A_1466 = arith.addf %add3A_1461, %get3A_1465 : vector<16xf32>
        %get3A_1467 = arith.constant 9 : i32
        %get3A_1468 = arith.index_cast %get3A_1467 : i32 to index
        %get3A_1469 = arith.constant 112 : index
        %get3A_1470 = tpu.vector_load %arg7[%get3A_1468, %get3A_1469] {strides = array<i32>} : memref<32x128xf32, #tpu.memory_space<vmem>>, vector<16xf32>,
        %add3A_1471 = arith.addf %add3A_1466, %get3A_1470 : vector<16xf32>
        %get3A_1472 = arith.constant 10 : i32
        %get3A_1473 = arith.index_cast %get3A_1472 : i32 to index
        %get3A_1474 = arith.constant 112 : index
        %get3A_1475 = tpu.vector_load %arg7[%get3A_1473, %get3A_1474] {strides = array<i32>} : memref<32x128xf32, #tpu.memory_space<vmem>>, vector<16xf32>,
        %add3A_1476 = arith.addf %add3A_1471, %get3A_1475 : vector<16xf32>
        %get3A_1477 = arith.constant 11 : i32
        %get3A_1478 = arith.index_cast %get3A_1477 : i32 to index
        %get3A_1479 = arith.constant 112 : index
        %get3A_1480 = tpu.vector_load %arg7[%get3A_1478, %get3A_1479] {strides = array<i32>} : memref<32x128xf32, #tpu.memory_space<vmem>>, vector<16xf32>,
        %add3A_1481 = arith.addf %add3A_1476, %get3A_1480 : vector<16xf32>
        %get3A_1482 = arith.constant 12 : i32
        %get3A_1483 = arith.index_cast %get3A_1482 : i32 to index
        %get3A_1484 = arith.constant 112 : index
        %get3A_1485 = tpu.vector_load %arg7[%get3A_1483, %get3A_1484] {strides = array<i32>} : memref<32x128xf32, #tpu.memory_space<vmem>>, vector<16xf32>,
        %add3A_1486 = arith.addf %add3A_1481, %get3A_1485 : vector<16xf32>
        %get3A_1487 = arith.constant 13 : i32
        %get3A_1488 = arith.index_cast %get3A_1487 : i32 to index
        %get3A_1489 = arith.constant 112 : index
        %get3A_1490 = tpu.vector_load %arg7[%get3A_1488, %get3A_1489] {strides = array<i32>} : memref<32x128xf32, #tpu.memory_space<vmem>>, vector<16xf32>,
        %add3A_1491 = arith.addf %add3A_1486, %get3A_1490 : vector<16xf32>
        %get3A_1492 = arith.constant 14 : i32
        %get3A_1493 = arith.index_cast %get3A_1492 : i32 to index
        %get3A_1494 = arith.constant 112 : index
        %get3A_1495 = tpu.vector_load %arg7[%get3A_1493, %get3A_1494] {strides = array<i32>} : memref<32x128xf32, #tpu.memory_space<vmem>>, vector<16xf32>,
        %add3A_1496 = arith.addf %add3A_1491, %get3A_1495 : vector<16xf32>
        %get3A_1497 = arith.constant 15 : i32
        %get3A_1498 = arith.index_cast %get3A_1497 : i32 to index
        %get3A_1499 = arith.constant 112 : index
        %get3A_1500 = tpu.vector_load %arg7[%get3A_1498, %get3A_1499] {strides = array<i32>} : memref<32x128xf32, #tpu.memory_space<vmem>>, vector<16xf32>,
        %add3A_1501 = arith.addf %add3A_1496, %get3A_1500 : vector<16xf32>
        %get3A_1502 = arith.constant 16 : i32
        %get3A_1503 = arith.index_cast %get3A_1502 : i32 to index
        %get3A_1504 = arith.constant 112 : index
        %get3A_1505 = tpu.vector_load %arg7[%get3A_1503, %get3A_1504] {strides = array<i32>} : memref<32x128xf32, #tpu.memory_space<vmem>>, vector<16xf32>,
        %add3A_1506 = arith.addf %add3A_1501, %get3A_1505 : vector<16xf32>
        %get3A_1507 = arith.constant 17 : i32
        %get3A_1508 = arith.index_cast %get3A_1507 : i32 to index
        %get3A_1509 = arith.constant 112 : index
        %get3A_1510 = tpu.vector_load %arg7[%get3A_1508, %get3A_1509] {strides = array<i32>} : memref<32x128xf32, #tpu.memory_space<vmem>>, vector<16xf32>,
        %add3A_1511 = arith.addf %add3A_1506, %get3A_1510 : vector<16xf32>
        %get3A_1512 = arith.constant 18 : i32
        %get3A_1513 = arith.index_cast %get3A_1512 : i32 to index
        %get3A_1514 = arith.constant 112 : index
        %get3A_1515 = tpu.vector_load %arg7[%get3A_1513, %get3A_1514] {strides = array<i32>} : memref<32x128xf32, #tpu.memory_space<vmem>>, vector<16xf32>,
        %add3A_1516 = arith.addf %add3A_1511, %get3A_1515 : vector<16xf32>
        %get3A_1517 = arith.constant 19 : i32
        %get3A_1518 = arith.index_cast %get3A_1517 : i32 to index
        %get3A_1519 = arith.constant 112 : index
        %get3A_1520 = tpu.vector_load %arg7[%get3A_1518, %get3A_1519] {strides = array<i32>} : memref<32x128xf32, #tpu.memory_space<vmem>>, vector<16xf32>,
        %add3A_1521 = arith.addf %add3A_1516, %get3A_1520 : vector<16xf32>
        %get3A_1522 = arith.constant 20 : i32
        %get3A_1523 = arith.index_cast %get3A_1522 : i32 to index
        %get3A_1524 = arith.constant 112 : index
        %get3A_1525 = tpu.vector_load %arg7[%get3A_1523, %get3A_1524] {strides = array<i32>} : memref<32x128xf32, #tpu.memory_space<vmem>>, vector<16xf32>,
        %add3A_1526 = arith.addf %add3A_1521, %get3A_1525 : vector<16xf32>
        %get3A_1527 = arith.constant 21 : i32
        %get3A_1528 = arith.index_cast %get3A_1527 : i32 to index
        %get3A_1529 = arith.constant 112 : index
        %get3A_1530 = tpu.vector_load %arg7[%get3A_1528, %get3A_1529] {strides = array<i32>} : memref<32x128xf32, #tpu.memory_space<vmem>>, vector<16xf32>,
        %add3A_1531 = arith.addf %add3A_1526, %get3A_1530 : vector<16xf32>
        %get3A_1532 = arith.constant 22 : i32
        %get3A_1533 = arith.index_cast %get3A_1532 : i32 to index
        %get3A_1534 = arith.constant 112 : index
        %get3A_1535 = tpu.vector_load %arg7[%get3A_1533, %get3A_1534] {strides = array<i32>} : memref<32x128xf32, #tpu.memory_space<vmem>>, vector<16xf32>,
        %add3A_1536 = arith.addf %add3A_1531, %get3A_1535 : vector<16xf32>
        %get3A_1537 = arith.constant 23 : i32
        %get3A_1538 = arith.index_cast %get3A_1537 : i32 to index
        %get3A_1539 = arith.constant 112 : index
        %get3A_1540 = tpu.vector_load %arg7[%get3A_1538, %get3A_1539] {strides = array<i32>} : memref<32x128xf32, #tpu.memory_space<vmem>>, vector<16xf32>,
        %add3A_1541 = arith.addf %add3A_1536, %get3A_1540 : vector<16xf32>
        %get3A_1542 = arith.constant 24 : i32
        %get3A_1543 = arith.index_cast %get3A_1542 : i32 to index
        %get3A_1544 = arith.constant 112 : index
        %get3A_1545 = tpu.vector_load %arg7[%get3A_1543, %get3A_1544] {strides = array<i32>} : memref<32x128xf32, #tpu.memory_space<vmem>>, vector<16xf32>,
        %add3A_1546 = arith.addf %add3A_1541, %get3A_1545 : vector<16xf32>
        %get3A_1547 = arith.constant 25 : i32
        %get3A_1548 = arith.index_cast %get3A_1547 : i32 to index
        %get3A_1549 = arith.constant 112 : index
        %get3A_1550 = tpu.vector_load %arg7[%get3A_1548, %get3A_1549] {strides = array<i32>} : memref<32x128xf32, #tpu.memory_space<vmem>>, vector<16xf32>,
        %add3A_1551 = arith.addf %add3A_1546, %get3A_1550 : vector<16xf32>
        %get3A_1552 = arith.constant 26 : i32
        %get3A_1553 = arith.index_cast %get3A_1552 : i32 to index
        %get3A_1554 = arith.constant 112 : index
        %get3A_1555 = tpu.vector_load %arg7[%get3A_1553, %get3A_1554] {strides = array<i32>} : memref<32x128xf32, #tpu.memory_space<vmem>>, vector<16xf32>,
        %add3A_1556 = arith.addf %add3A_1551, %get3A_1555 : vector<16xf32>
        %get3A_1557 = arith.constant 27 : i32
        %get3A_1558 = arith.index_cast %get3A_1557 : i32 to index
        %get3A_1559 = arith.constant 112 : index
        %get3A_1560 = tpu.vector_load %arg7[%get3A_1558, %get3A_1559] {strides = array<i32>} : memref<32x128xf32, #tpu.memory_space<vmem>>, vector<16xf32>,
        %add3A_1561 = arith.addf %add3A_1556, %get3A_1560 : vector<16xf32>
        %get3A_1562 = arith.constant 28 : i32
        %get3A_1563 = arith.index_cast %get3A_1562 : i32 to index
        %get3A_1564 = arith.constant 112 : index
        %get3A_1565 = tpu.vector_load %arg7[%get3A_1563, %get3A_1564] {strides = array<i32>} : memref<32x128xf32, #tpu.memory_space<vmem>>, vector<16xf32>,
        %add3A_1566 = arith.addf %add3A_1561, %get3A_1565 : vector<16xf32>
        %get3A_1567 = arith.constant 29 : i32
        %get3A_1568 = arith.index_cast %get3A_1567 : i32 to index
        %get3A_1569 = arith.constant 112 : index
        %get3A_1570 = tpu.vector_load %arg7[%get3A_1568, %get3A_1569] {strides = array<i32>} : memref<32x128xf32, #tpu.memory_space<vmem>>, vector<16xf32>,
        %add3A_1571 = arith.addf %add3A_1566, %get3A_1570 : vector<16xf32>
        %get3A_1572 = arith.constant 30 : i32
        %get3A_1573 = arith.index_cast %get3A_1572 : i32 to index
        %get3A_1574 = arith.constant 112 : index
        %get3A_1575 = tpu.vector_load %arg7[%get3A_1573, %get3A_1574] {strides = array<i32>} : memref<32x128xf32, #tpu.memory_space<vmem>>, vector<16xf32>,
        %add3A_1576 = arith.addf %add3A_1571, %get3A_1575 : vector<16xf32>
        %get3A_1577 = arith.constant 31 : i32
        %get3A_1578 = arith.index_cast %get3A_1577 : i32 to index
        %get3A_1579 = arith.constant 112 : index
        %get3A_1580 = tpu.vector_load %arg7[%get3A_1578, %get3A_1579] {strides = array<i32>} : memref<32x128xf32, #tpu.memory_space<vmem>>, vector<16xf32>,
        %add3A_1581 = arith.addf %add3A_1576, %get3A_1580 : vector<16xf32>
        %swap3A_1582 = arith.constant 112 : index
        %swap3A_1583 = tpu.vector_load %arg8[%swap3A_1582] {strides = array<i32>} : memref<128xf32, #tpu.memory_space<vmem>>, vector<16xf32>,
        tpu.vector_store %arg8[%swap3A_1582], %add3A_1581 {strides = array<i32>} : memref<128xf32, #tpu.memory_space<vmem>>, vector<16xf32>,
        %while3A_1584 = arith.constant 0 : i32
        scf.yield %while3A_1584 : i32
      }
      %while3A_155 = arith.constant 1 : i32
      %while3A_156 = scf.for %while3A_236 = %while3A_152 to %while3A_148 step %while3A_155 iter_args(%while3A_237 = %while3A_154) -> (i32)  : i32 {
        %mul3A_238 = arith.constant 32 : i32
        %mul3A_239 = arith.muli %mul3A_238, %while3A_236 : i32
        %get3A_240 = arith.index_cast %mul3A_239 : i32 to index
        %get3A_241 = tpu.vector_load %arg6[%get3A_240] {strides = array<i32>} : memref<10064xi32, #tpu.memory_space<vmem>>, vector<16xi32>,
        %mul3A_242 = arith.constant 32 : i32
        %mul3A_243 = arith.muli %mul3A_242, %while3A_236 : i32
        %add3A_244 = arith.constant 16 : i32
        %add3A_245 = arith.addi %mul3A_243, %add3A_244 : i32
        %get3A_246 = arith.index_cast %add3A_245 : i32 to index
        %get3A_247 = tpu.vector_load %arg6[%get3A_246] {strides = array<i32>} : memref<10064xi32, #tpu.memory_space<vmem>>, vector<16xi32>,
        %dma_start3A_248 = arith.constant 0 : i32
        %dma_start3A_249 = arith.constant 0 : i32
        %dma_start3A_250 = tpu.memref_slice %arg7[%dma_start3A_248, %dma_start3A_249] : memref<32x128xf32, #tpu.memory_space<vmem>> -> memref<16x128xf32, #tpu.memory_space<vmem>>
        %dma_start3A_251 = arith.constant 0 : i32
        %dma_start3A_252 = arith.constant 0 : i32
        %dma_start3A_253 = tpu.memref_slice %arg2[%dma_start3A_251, %dma_start3A_252] : memref<10016x128xf32, #tpu.memory_space<hbm>> -> memref<10016x128xf32, #tpu.memory_space<hbm>>
        tpu.enqueue_indirect_dma source(%dma_start3A_253 : memref<10016x128xf32, #tpu.memory_space<hbm>>) target(%dma_start3A_250 : memref<16x128xf32, #tpu.memory_space<vmem>>) offsets(%get3A_241 : vector<16xi32>) semaphore(%arg11 : memref<!tpu.dma_semaphore, #tpu.memory_space<semaphore_mem>>)
        %dma_start3A_254 = arith.constant 16 : i32
        %dma_start3A_255 = arith.constant 0 : i32
        %dma_start3A_256 = tpu.memref_slice %arg7[%dma_start3A_254, %dma_start3A_255] : memref<32x128xf32, #tpu.memory_space<vmem>> -> memref<16x128xf32, #tpu.memory_space<vmem>>
        %dma_start3A_257 = arith.constant 0 : i32
        %dma_start3A_258 = arith.constant 0 : i32
        %dma_start3A_259 = tpu.memref_slice %arg2[%dma_start3A_257, %dma_start3A_258] : memref<10016x128xf32, #tpu.memory_space<hbm>> -> memref<10016x128xf32, #tpu.memory_space<hbm>>
        tpu.enqueue_indirect_dma source(%dma_start3A_259 : memref<10016x128xf32, #tpu.memory_space<hbm>>) target(%dma_start3A_256 : memref<16x128xf32, #tpu.memory_space<vmem>>) offsets(%get3A_247 : vector<16xi32>) semaphore(%arg11 : memref<!tpu.dma_semaphore, #tpu.memory_space<semaphore_mem>>)
        %dma_wait3A_260 = arith.constant 0 : i32
        %dma_wait3A_261 = arith.constant 0 : i32
        %dma_wait3A_262 = tpu.memref_slice %arg7[%dma_wait3A_260, %dma_wait3A_261] : memref<32x128xf32, #tpu.memory_space<vmem>> -> memref<16x128xf32, #tpu.memory_space<vmem>>
        %dma_wait3A_263 = arith.constant 0 : i32
        %dma_wait3A_264 = arith.constant 0 : i32
        %dma_wait3A_265 = tpu.memref_slice %arg2[%dma_wait3A_263, %dma_wait3A_264] : memref<10016x128xf32, #tpu.memory_space<hbm>> -> memref<10016x128xf32, #tpu.memory_space<hbm>>
        tpu.wait_indirect_dma semaphore(%arg11 : memref<!tpu.dma_semaphore, #tpu.memory_space<semaphore_mem>>) src(%dma_wait3A_265 : memref<10016x128xf32, #tpu.memory_space<hbm>>) dst(%dma_wait3A_262 : memref<16x128xf32, #tpu.memory_space<vmem>>)
        %dma_wait3A_266 = arith.constant 16 : i32
        %dma_wait3A_267 = arith.constant 0 : i32
        %dma_wait3A_268 = tpu.memref_slice %arg7[%dma_wait3A_266, %dma_wait3A_267] : memref<32x128xf32, #tpu.memory_space<vmem>> -> memref<16x128xf32, #tpu.memory_space<vmem>>
        %dma_wait3A_269 = arith.constant 0 : i32
        %dma_wait3A_270 = arith.constant 0 : i32
        %dma_wait3A_271 = tpu.memref_slice %arg2[%dma_wait3A_269, %dma_wait3A_270] : memref<10016x128xf32, #tpu.memory_space<hbm>> -> memref<10016x128xf32, #tpu.memory_space<hbm>>
        tpu.wait_indirect_dma semaphore(%arg11 : memref<!tpu.dma_semaphore, #tpu.memory_space<semaphore_mem>>) src(%dma_wait3A_271 : memref<10016x128xf32, #tpu.memory_space<hbm>>) dst(%dma_wait3A_268 : memref<16x128xf32, #tpu.memory_space<vmem>>)
        %get3A_272 = arith.constant 0 : index
        %get3A_273 = tpu.vector_load %arg8[%get3A_272] {strides = array<i32>} : memref<128xf32, #tpu.memory_space<vmem>>, vector<16xf32>,
        %get3A_274 = arith.constant 0 : i32
        %get3A_275 = arith.index_cast %get3A_274 : i32 to index
        %get3A_276 = arith.constant 0 : index
        %get3A_277 = tpu.vector_load %arg7[%get3A_275, %get3A_276] {strides = array<i32>} : memref<32x128xf32, #tpu.memory_space<vmem>>, vector<16xf32>,
        %add3A_278 = arith.addf %get3A_273, %get3A_277 : vector<16xf32>
        %get3A_279 = arith.constant 1 : i32
        %get3A_280 = arith.index_cast %get3A_279 : i32 to index
        %get3A_281 = arith.constant 0 : index
        %get3A_282 = tpu.vector_load %arg7[%get3A_280, %get3A_281] {strides = array<i32>} : memref<32x128xf32, #tpu.memory_space<vmem>>, vector<16xf32>,
        %add3A_283 = arith.addf %add3A_278, %get3A_282 : vector<16xf32>
        %get3A_284 = arith.constant 2 : i32
        %get3A_285 = arith.index_cast %get3A_284 : i32 to index
        %get3A_286 = arith.constant 0 : index
        %get3A_287 = tpu.vector_load %arg7[%get3A_285, %get3A_286] {strides = array<i32>} : memref<32x128xf32, #tpu.memory_space<vmem>>, vector<16xf32>,
        %add3A_288 = arith.addf %add3A_283, %get3A_287 : vector<16xf32>
        %get3A_289 = arith.constant 3 : i32
        %get3A_290 = arith.index_cast %get3A_289 : i32 to index
        %get3A_291 = arith.constant 0 : index
        %get3A_292 = tpu.vector_load %arg7[%get3A_290, %get3A_291] {strides = array<i32>} : memref<32x128xf32, #tpu.memory_space<vmem>>, vector<16xf32>,
        %add3A_293 = arith.addf %add3A_288, %get3A_292 : vector<16xf32>
        %get3A_294 = arith.constant 4 : i32
        %get3A_295 = arith.index_cast %get3A_294 : i32 to index
        %get3A_296 = arith.constant 0 : index
        %get3A_297 = tpu.vector_load %arg7[%get3A_295, %get3A_296] {strides = array<i32>} : memref<32x128xf32, #tpu.memory_space<vmem>>, vector<16xf32>,
        %add3A_298 = arith.addf %add3A_293, %get3A_297 : vector<16xf32>
        %get3A_299 = arith.constant 5 : i32
        %get3A_300 = arith.index_cast %get3A_299 : i32 to index
        %get3A_301 = arith.constant 0 : index
        %get3A_302 = tpu.vector_load %arg7[%get3A_300, %get3A_301] {strides = array<i32>} : memref<32x128xf32, #tpu.memory_space<vmem>>, vector<16xf32>,
        %add3A_303 = arith.addf %add3A_298, %get3A_302 : vector<16xf32>
        %get3A_304 = arith.constant 6 : i32
        %get3A_305 = arith.index_cast %get3A_304 : i32 to index
        %get3A_306 = arith.constant 0 : index
        %get3A_307 = tpu.vector_load %arg7[%get3A_305, %get3A_306] {strides = array<i32>} : memref<32x128xf32, #tpu.memory_space<vmem>>, vector<16xf32>,
        %add3A_308 = arith.addf %add3A_303, %get3A_307 : vector<16xf32>
        %get3A_309 = arith.constant 7 : i32
        %get3A_310 = arith.index_cast %get3A_309 : i32 to index
        %get3A_311 = arith.constant 0 : index
        %get3A_312 = tpu.vector_load %arg7[%get3A_310, %get3A_311] {strides = array<i32>} : memref<32x128xf32, #tpu.memory_space<vmem>>, vector<16xf32>,
        %add3A_313 = arith.addf %add3A_308, %get3A_312 : vector<16xf32>
        %get3A_314 = arith.constant 8 : i32
        %get3A_315 = arith.index_cast %get3A_314 : i32 to index
        %get3A_316 = arith.constant 0 : index
        %get3A_317 = tpu.vector_load %arg7[%get3A_315, %get3A_316] {strides = array<i32>} : memref<32x128xf32, #tpu.memory_space<vmem>>, vector<16xf32>,
        %add3A_318 = arith.addf %add3A_313, %get3A_317 : vector<16xf32>
        %get3A_319 = arith.constant 9 : i32
        %get3A_320 = arith.index_cast %get3A_319 : i32 to index
        %get3A_321 = arith.constant 0 : index
        %get3A_322 = tpu.vector_load %arg7[%get3A_320, %get3A_321] {strides = array<i32>} : memref<32x128xf32, #tpu.memory_space<vmem>>, vector<16xf32>,
        %add3A_323 = arith.addf %add3A_318, %get3A_322 : vector<16xf32>
        %get3A_324 = arith.constant 10 : i32
        %get3A_325 = arith.index_cast %get3A_324 : i32 to index
        %get3A_326 = arith.constant 0 : index
        %get3A_327 = tpu.vector_load %arg7[%get3A_325, %get3A_326] {strides = array<i32>} : memref<32x128xf32, #tpu.memory_space<vmem>>, vector<16xf32>,
        %add3A_328 = arith.addf %add3A_323, %get3A_327 : vector<16xf32>
        %get3A_329 = arith.constant 11 : i32
        %get3A_330 = arith.index_cast %get3A_329 : i32 to index
        %get3A_331 = arith.constant 0 : index
        %get3A_332 = tpu.vector_load %arg7[%get3A_330, %get3A_331] {strides = array<i32>} : memref<32x128xf32, #tpu.memory_space<vmem>>, vector<16xf32>,
        %add3A_333 = arith.addf %add3A_328, %get3A_332 : vector<16xf32>
        %get3A_334 = arith.constant 12 : i32
        %get3A_335 = arith.index_cast %get3A_334 : i32 to index
        %get3A_336 = arith.constant 0 : index
        %get3A_337 = tpu.vector_load %arg7[%get3A_335, %get3A_336] {strides = array<i32>} : memref<32x128xf32, #tpu.memory_space<vmem>>, vector<16xf32>,
        %add3A_338 = arith.addf %add3A_333, %get3A_337 : vector<16xf32>
        %get3A_339 = arith.constant 13 : i32
        %get3A_340 = arith.index_cast %get3A_339 : i32 to index
        %get3A_341 = arith.constant 0 : index
        %get3A_342 = tpu.vector_load %arg7[%get3A_340, %get3A_341] {strides = array<i32>} : memref<32x128xf32, #tpu.memory_space<vmem>>, vector<16xf32>,
        %add3A_343 = arith.addf %add3A_338, %get3A_342 : vector<16xf32>
        %get3A_344 = arith.constant 14 : i32
        %get3A_345 = arith.index_cast %get3A_344 : i32 to index
        %get3A_346 = arith.constant 0 : index
        %get3A_347 = tpu.vector_load %arg7[%get3A_345, %get3A_346] {strides = array<i32>} : memref<32x128xf32, #tpu.memory_space<vmem>>, vector<16xf32>,
        %add3A_348 = arith.addf %add3A_343, %get3A_347 : vector<16xf32>
        %get3A_349 = arith.constant 15 : i32
        %get3A_350 = arith.index_cast %get3A_349 : i32 to index
        %get3A_351 = arith.constant 0 : index
        %get3A_352 = tpu.vector_load %arg7[%get3A_350, %get3A_351] {strides = array<i32>} : memref<32x128xf32, #tpu.memory_space<vmem>>, vector<16xf32>,
        %add3A_353 = arith.addf %add3A_348, %get3A_352 : vector<16xf32>
        %get3A_354 = arith.constant 16 : i32
        %get3A_355 = arith.index_cast %get3A_354 : i32 to index
        %get3A_356 = arith.constant 0 : index
        %get3A_357 = tpu.vector_load %arg7[%get3A_355, %get3A_356] {strides = array<i32>} : memref<32x128xf32, #tpu.memory_space<vmem>>, vector<16xf32>,
        %add3A_358 = arith.addf %add3A_353, %get3A_357 : vector<16xf32>
        %get3A_359 = arith.constant 17 : i32
        %get3A_360 = arith.index_cast %get3A_359 : i32 to index
        %get3A_361 = arith.constant 0 : index
        %get3A_362 = tpu.vector_load %arg7[%get3A_360, %get3A_361] {strides = array<i32>} : memref<32x128xf32, #tpu.memory_space<vmem>>, vector<16xf32>,
        %add3A_363 = arith.addf %add3A_358, %get3A_362 : vector<16xf32>
        %get3A_364 = arith.constant 18 : i32
        %get3A_365 = arith.index_cast %get3A_364 : i32 to index
        %get3A_366 = arith.constant 0 : index
        %get3A_367 = tpu.vector_load %arg7[%get3A_365, %get3A_366] {strides = array<i32>} : memref<32x128xf32, #tpu.memory_space<vmem>>, vector<16xf32>,
        %add3A_368 = arith.addf %add3A_363, %get3A_367 : vector<16xf32>
        %get3A_369 = arith.constant 19 : i32
        %get3A_370 = arith.index_cast %get3A_369 : i32 to index
        %get3A_371 = arith.constant 0 : index
        %get3A_372 = tpu.vector_load %arg7[%get3A_370, %get3A_371] {strides = array<i32>} : memref<32x128xf32, #tpu.memory_space<vmem>>, vector<16xf32>,
        %add3A_373 = arith.addf %add3A_368, %get3A_372 : vector<16xf32>
        %get3A_374 = arith.constant 20 : i32
        %get3A_375 = arith.index_cast %get3A_374 : i32 to index
        %get3A_376 = arith.constant 0 : index
        %get3A_377 = tpu.vector_load %arg7[%get3A_375, %get3A_376] {strides = array<i32>} : memref<32x128xf32, #tpu.memory_space<vmem>>, vector<16xf32>,
        %add3A_378 = arith.addf %add3A_373, %get3A_377 : vector<16xf32>
        %get3A_379 = arith.constant 21 : i32
        %get3A_380 = arith.index_cast %get3A_379 : i32 to index
        %get3A_381 = arith.constant 0 : index
        %get3A_382 = tpu.vector_load %arg7[%get3A_380, %get3A_381] {strides = array<i32>} : memref<32x128xf32, #tpu.memory_space<vmem>>, vector<16xf32>,
        %add3A_383 = arith.addf %add3A_378, %get3A_382 : vector<16xf32>
        %get3A_384 = arith.constant 22 : i32
        %get3A_385 = arith.index_cast %get3A_384 : i32 to index
        %get3A_386 = arith.constant 0 : index
        %get3A_387 = tpu.vector_load %arg7[%get3A_385, %get3A_386] {strides = array<i32>} : memref<32x128xf32, #tpu.memory_space<vmem>>, vector<16xf32>,
        %add3A_388 = arith.addf %add3A_383, %get3A_387 : vector<16xf32>
        %get3A_389 = arith.constant 23 : i32
        %get3A_390 = arith.index_cast %get3A_389 : i32 to index
        %get3A_391 = arith.constant 0 : index
        %get3A_392 = tpu.vector_load %arg7[%get3A_390, %get3A_391] {strides = array<i32>} : memref<32x128xf32, #tpu.memory_space<vmem>>, vector<16xf32>,
        %add3A_393 = arith.addf %add3A_388, %get3A_392 : vector<16xf32>
        %get3A_394 = arith.constant 24 : i32
        %get3A_395 = arith.index_cast %get3A_394 : i32 to index
        %get3A_396 = arith.constant 0 : index
        %get3A_397 = tpu.vector_load %arg7[%get3A_395, %get3A_396] {strides = array<i32>} : memref<32x128xf32, #tpu.memory_space<vmem>>, vector<16xf32>,
        %add3A_398 = arith.addf %add3A_393, %get3A_397 : vector<16xf32>
        %get3A_399 = arith.constant 25 : i32
        %get3A_400 = arith.index_cast %get3A_399 : i32 to index
        %get3A_401 = arith.constant 0 : index
        %get3A_402 = tpu.vector_load %arg7[%get3A_400, %get3A_401] {strides = array<i32>} : memref<32x128xf32, #tpu.memory_space<vmem>>, vector<16xf32>,
        %add3A_403 = arith.addf %add3A_398, %get3A_402 : vector<16xf32>
        %get3A_404 = arith.constant 26 : i32
        %get3A_405 = arith.index_cast %get3A_404 : i32 to index
        %get3A_406 = arith.constant 0 : index
        %get3A_407 = tpu.vector_load %arg7[%get3A_405, %get3A_406] {strides = array<i32>} : memref<32x128xf32, #tpu.memory_space<vmem>>, vector<16xf32>,
        %add3A_408 = arith.addf %add3A_403, %get3A_407 : vector<16xf32>
        %get3A_409 = arith.constant 27 : i32
        %get3A_410 = arith.index_cast %get3A_409 : i32 to index
        %get3A_411 = arith.constant 0 : index
        %get3A_412 = tpu.vector_load %arg7[%get3A_410, %get3A_411] {strides = array<i32>} : memref<32x128xf32, #tpu.memory_space<vmem>>, vector<16xf32>,
        %add3A_413 = arith.addf %add3A_408, %get3A_412 : vector<16xf32>
        %get3A_414 = arith.constant 28 : i32
        %get3A_415 = arith.index_cast %get3A_414 : i32 to index
        %get3A_416 = arith.constant 0 : index
        %get3A_417 = tpu.vector_load %arg7[%get3A_415, %get3A_416] {strides = array<i32>} : memref<32x128xf32, #tpu.memory_space<vmem>>, vector<16xf32>,
        %add3A_418 = arith.addf %add3A_413, %get3A_417 : vector<16xf32>
        %get3A_419 = arith.constant 29 : i32
        %get3A_420 = arith.index_cast %get3A_419 : i32 to index
        %get3A_421 = arith.constant 0 : index
        %get3A_422 = tpu.vector_load %arg7[%get3A_420, %get3A_421] {strides = array<i32>} : memref<32x128xf32, #tpu.memory_space<vmem>>, vector<16xf32>,
        %add3A_423 = arith.addf %add3A_418, %get3A_422 : vector<16xf32>
        %get3A_424 = arith.constant 30 : i32
        %get3A_425 = arith.index_cast %get3A_424 : i32 to index
        %get3A_426 = arith.constant 0 : index
        %get3A_427 = tpu.vector_load %arg7[%get3A_425, %get3A_426] {strides = array<i32>} : memref<32x128xf32, #tpu.memory_space<vmem>>, vector<16xf32>,
        %add3A_428 = arith.addf %add3A_423, %get3A_427 : vector<16xf32>
        %get3A_429 = arith.constant 31 : i32
        %get3A_430 = arith.index_cast %get3A_429 : i32 to index
        %get3A_431 = arith.constant 0 : index
        %get3A_432 = tpu.vector_load %arg7[%get3A_430, %get3A_431] {strides = array<i32>} : memref<32x128xf32, #tpu.memory_space<vmem>>, vector<16xf32>,
        %add3A_433 = arith.addf %add3A_428, %get3A_432 : vector<16xf32>
        %swap3A_434 = arith.constant 0 : index
        %swap3A_435 = tpu.vector_load %arg8[%swap3A_434] {strides = array<i32>} : memref<128xf32, #tpu.memory_space<vmem>>, vector<16xf32>,
        tpu.vector_store %arg8[%swap3A_434], %add3A_433 {strides = array<i32>} : memref<128xf32, #tpu.memory_space<vmem>>, vector<16xf32>,
        %get3A_436 = arith.constant 16 : index
        %get3A_437 = tpu.vector_load %arg8[%get3A_436] {strides = array<i32>} : memref<128xf32, #tpu.memory_space<vmem>>, vector<16xf32>,
        %get3A_438 = arith.constant 0 : i32
        %get3A_439 = arith.index_cast %get3A_438 : i32 to index
        %get3A_440 = arith.constant 16 : index
        %get3A_441 = tpu.vector_load %arg7[%get3A_439, %get3A_440] {strides = array<i32>} : memref<32x128xf32, #tpu.memory_space<vmem>>, vector<16xf32>,
        %add3A_442 = arith.addf %get3A_437, %get3A_441 : vector<16xf32>
        %get3A_443 = arith.constant 1 : i32
        %get3A_444 = arith.index_cast %get3A_443 : i32 to index
        %get3A_445 = arith.constant 16 : index
        %get3A_446 = tpu.vector_load %arg7[%get3A_444, %get3A_445] {strides = array<i32>} : memref<32x128xf32, #tpu.memory_space<vmem>>, vector<16xf32>,
        %add3A_447 = arith.addf %add3A_442, %get3A_446 : vector<16xf32>
        %get3A_448 = arith.constant 2 : i32
        %get3A_449 = arith.index_cast %get3A_448 : i32 to index
        %get3A_450 = arith.constant 16 : index
        %get3A_451 = tpu.vector_load %arg7[%get3A_449, %get3A_450] {strides = array<i32>} : memref<32x128xf32, #tpu.memory_space<vmem>>, vector<16xf32>,
        %add3A_452 = arith.addf %add3A_447, %get3A_451 : vector<16xf32>
        %get3A_453 = arith.constant 3 : i32
        %get3A_454 = arith.index_cast %get3A_453 : i32 to index
        %get3A_455 = arith.constant 16 : index
        %get3A_456 = tpu.vector_load %arg7[%get3A_454, %get3A_455] {strides = array<i32>} : memref<32x128xf32, #tpu.memory_space<vmem>>, vector<16xf32>,
        %add3A_457 = arith.addf %add3A_452, %get3A_456 : vector<16xf32>
        %get3A_458 = arith.constant 4 : i32
        %get3A_459 = arith.index_cast %get3A_458 : i32 to index
        %get3A_460 = arith.constant 16 : index
        %get3A_461 = tpu.vector_load %arg7[%get3A_459, %get3A_460] {strides = array<i32>} : memref<32x128xf32, #tpu.memory_space<vmem>>, vector<16xf32>,
        %add3A_462 = arith.addf %add3A_457, %get3A_461 : vector<16xf32>
        %get3A_463 = arith.constant 5 : i32
        %get3A_464 = arith.index_cast %get3A_463 : i32 to index
        %get3A_465 = arith.constant 16 : index
        %get3A_466 = tpu.vector_load %arg7[%get3A_464, %get3A_465] {strides = array<i32>} : memref<32x128xf32, #tpu.memory_space<vmem>>, vector<16xf32>,
        %add3A_467 = arith.addf %add3A_462, %get3A_466 : vector<16xf32>
        %get3A_468 = arith.constant 6 : i32
        %get3A_469 = arith.index_cast %get3A_468 : i32 to index
        %get3A_470 = arith.constant 16 : index
        %get3A_471 = tpu.vector_load %arg7[%get3A_469, %get3A_470] {strides = array<i32>} : memref<32x128xf32, #tpu.memory_space<vmem>>, vector<16xf32>,
        %add3A_472 = arith.addf %add3A_467, %get3A_471 : vector<16xf32>
        %get3A_473 = arith.constant 7 : i32
        %get3A_474 = arith.index_cast %get3A_473 : i32 to index
        %get3A_475 = arith.constant 16 : index
        %get3A_476 = tpu.vector_load %arg7[%get3A_474, %get3A_475] {strides = array<i32>} : memref<32x128xf32, #tpu.memory_space<vmem>>, vector<16xf32>,
        %add3A_477 = arith.addf %add3A_472, %get3A_476 : vector<16xf32>
        %get3A_478 = arith.constant 8 : i32
        %get3A_479 = arith.index_cast %get3A_478 : i32 to index
        %get3A_480 = arith.constant 16 : index
        %get3A_481 = tpu.vector_load %arg7[%get3A_479, %get3A_480] {strides = array<i32>} : memref<32x128xf32, #tpu.memory_space<vmem>>, vector<16xf32>,
        %add3A_482 = arith.addf %add3A_477, %get3A_481 : vector<16xf32>
        %get3A_483 = arith.constant 9 : i32
        %get3A_484 = arith.index_cast %get3A_483 : i32 to index
        %get3A_485 = arith.constant 16 : index
        %get3A_486 = tpu.vector_load %arg7[%get3A_484, %get3A_485] {strides = array<i32>} : memref<32x128xf32, #tpu.memory_space<vmem>>, vector<16xf32>,
        %add3A_487 = arith.addf %add3A_482, %get3A_486 : vector<16xf32>
        %get3A_488 = arith.constant 10 : i32
        %get3A_489 = arith.index_cast %get3A_488 : i32 to index
        %get3A_490 = arith.constant 16 : index
        %get3A_491 = tpu.vector_load %arg7[%get3A_489, %get3A_490] {strides = array<i32>} : memref<32x128xf32, #tpu.memory_space<vmem>>, vector<16xf32>,
        %add3A_492 = arith.addf %add3A_487, %get3A_491 : vector<16xf32>
        %get3A_493 = arith.constant 11 : i32
        %get3A_494 = arith.index_cast %get3A_493 : i32 to index
        %get3A_495 = arith.constant 16 : index
        %get3A_496 = tpu.vector_load %arg7[%get3A_494, %get3A_495] {strides = array<i32>} : memref<32x128xf32, #tpu.memory_space<vmem>>, vector<16xf32>,
        %add3A_497 = arith.addf %add3A_492, %get3A_496 : vector<16xf32>
        %get3A_498 = arith.constant 12 : i32
        %get3A_499 = arith.index_cast %get3A_498 : i32 to index
        %get3A_500 = arith.constant 16 : index
        %get3A_501 = tpu.vector_load %arg7[%get3A_499, %get3A_500] {strides = array<i32>} : memref<32x128xf32, #tpu.memory_space<vmem>>, vector<16xf32>,
        %add3A_502 = arith.addf %add3A_497, %get3A_501 : vector<16xf32>
        %get3A_503 = arith.constant 13 : i32
        %get3A_504 = arith.index_cast %get3A_503 : i32 to index
        %get3A_505 = arith.constant 16 : index
        %get3A_506 = tpu.vector_load %arg7[%get3A_504, %get3A_505] {strides = array<i32>} : memref<32x128xf32, #tpu.memory_space<vmem>>, vector<16xf32>,
        %add3A_507 = arith.addf %add3A_502, %get3A_506 : vector<16xf32>
        %get3A_508 = arith.constant 14 : i32
        %get3A_509 = arith.index_cast %get3A_508 : i32 to index
        %get3A_510 = arith.constant 16 : index
        %get3A_511 = tpu.vector_load %arg7[%get3A_509, %get3A_510] {strides = array<i32>} : memref<32x128xf32, #tpu.memory_space<vmem>>, vector<16xf32>,
        %add3A_512 = arith.addf %add3A_507, %get3A_511 : vector<16xf32>
        %get3A_513 = arith.constant 15 : i32
        %get3A_514 = arith.index_cast %get3A_513 : i32 to index
        %get3A_515 = arith.constant 16 : index
        %get3A_516 = tpu.vector_load %arg7[%get3A_514, %get3A_515] {strides = array<i32>} : memref<32x128xf32, #tpu.memory_space<vmem>>, vector<16xf32>,
        %add3A_517 = arith.addf %add3A_512, %get3A_516 : vector<16xf32>
        %get3A_518 = arith.constant 16 : i32
        %get3A_519 = arith.index_cast %get3A_518 : i32 to index
        %get3A_520 = arith.constant 16 : index
        %get3A_521 = tpu.vector_load %arg7[%get3A_519, %get3A_520] {strides = array<i32>} : memref<32x128xf32, #tpu.memory_space<vmem>>, vector<16xf32>,
        %add3A_522 = arith.addf %add3A_517, %get3A_521 : vector<16xf32>
        %get3A_523 = arith.constant 17 : i32
        %get3A_524 = arith.index_cast %get3A_523 : i32 to index
        %get3A_525 = arith.constant 16 : index
        %get3A_526 = tpu.vector_load %arg7[%get3A_524, %get3A_525] {strides = array<i32>} : memref<32x128xf32, #tpu.memory_space<vmem>>, vector<16xf32>,
        %add3A_527 = arith.addf %add3A_522, %get3A_526 : vector<16xf32>
        %get3A_528 = arith.constant 18 : i32
        %get3A_529 = arith.index_cast %get3A_528 : i32 to index
        %get3A_530 = arith.constant 16 : index
        %get3A_531 = tpu.vector_load %arg7[%get3A_529, %get3A_530] {strides = array<i32>} : memref<32x128xf32, #tpu.memory_space<vmem>>, vector<16xf32>,
        %add3A_532 = arith.addf %add3A_527, %get3A_531 : vector<16xf32>
        %get3A_533 = arith.constant 19 : i32
        %get3A_534 = arith.index_cast %get3A_533 : i32 to index
        %get3A_535 = arith.constant 16 : index
        %get3A_536 = tpu.vector_load %arg7[%get3A_534, %get3A_535] {strides = array<i32>} : memref<32x128xf32, #tpu.memory_space<vmem>>, vector<16xf32>,
        %add3A_537 = arith.addf %add3A_532, %get3A_536 : vector<16xf32>
        %get3A_538 = arith.constant 20 : i32
        %get3A_539 = arith.index_cast %get3A_538 : i32 to index
        %get3A_540 = arith.constant 16 : index
        %get3A_541 = tpu.vector_load %arg7[%get3A_539, %get3A_540] {strides = array<i32>} : memref<32x128xf32, #tpu.memory_space<vmem>>, vector<16xf32>,
        %add3A_542 = arith.addf %add3A_537, %get3A_541 : vector<16xf32>
        %get3A_543 = arith.constant 21 : i32
        %get3A_544 = arith.index_cast %get3A_543 : i32 to index
        %get3A_545 = arith.constant 16 : index
        %get3A_546 = tpu.vector_load %arg7[%get3A_544, %get3A_545] {strides = array<i32>} : memref<32x128xf32, #tpu.memory_space<vmem>>, vector<16xf32>,
        %add3A_547 = arith.addf %add3A_542, %get3A_546 : vector<16xf32>
        %get3A_548 = arith.constant 22 : i32
        %get3A_549 = arith.index_cast %get3A_548 : i32 to index
        %get3A_550 = arith.constant 16 : index
        %get3A_551 = tpu.vector_load %arg7[%get3A_549, %get3A_550] {strides = array<i32>} : memref<32x128xf32, #tpu.memory_space<vmem>>, vector<16xf32>,
        %add3A_552 = arith.addf %add3A_547, %get3A_551 : vector<16xf32>
        %get3A_553 = arith.constant 23 : i32
        %get3A_554 = arith.index_cast %get3A_553 : i32 to index
        %get3A_555 = arith.constant 16 : index
        %get3A_556 = tpu.vector_load %arg7[%get3A_554, %get3A_555] {strides = array<i32>} : memref<32x128xf32, #tpu.memory_space<vmem>>, vector<16xf32>,
        %add3A_557 = arith.addf %add3A_552, %get3A_556 : vector<16xf32>
        %get3A_558 = arith.constant 24 : i32
        %get3A_559 = arith.index_cast %get3A_558 : i32 to index
        %get3A_560 = arith.constant 16 : index
        %get3A_561 = tpu.vector_load %arg7[%get3A_559, %get3A_560] {strides = array<i32>} : memref<32x128xf32, #tpu.memory_space<vmem>>, vector<16xf32>,
        %add3A_562 = arith.addf %add3A_557, %get3A_561 : vector<16xf32>
        %get3A_563 = arith.constant 25 : i32
        %get3A_564 = arith.index_cast %get3A_563 : i32 to index
        %get3A_565 = arith.constant 16 : index
        %get3A_566 = tpu.vector_load %arg7[%get3A_564, %get3A_565] {strides = array<i32>} : memref<32x128xf32, #tpu.memory_space<vmem>>, vector<16xf32>,
        %add3A_567 = arith.addf %add3A_562, %get3A_566 : vector<16xf32>
        %get3A_568 = arith.constant 26 : i32
        %get3A_569 = arith.index_cast %get3A_568 : i32 to index
        %get3A_570 = arith.constant 16 : index
        %get3A_571 = tpu.vector_load %arg7[%get3A_569, %get3A_570] {strides = array<i32>} : memref<32x128xf32, #tpu.memory_space<vmem>>, vector<16xf32>,
        %add3A_572 = arith.addf %add3A_567, %get3A_571 : vector<16xf32>
        %get3A_573 = arith.constant 27 : i32
        %get3A_574 = arith.index_cast %get3A_573 : i32 to index
        %get3A_575 = arith.constant 16 : index
        %get3A_576 = tpu.vector_load %arg7[%get3A_574, %get3A_575] {strides = array<i32>} : memref<32x128xf32, #tpu.memory_space<vmem>>, vector<16xf32>,
        %add3A_577 = arith.addf %add3A_572, %get3A_576 : vector<16xf32>
        %get3A_578 = arith.constant 28 : i32
        %get3A_579 = arith.index_cast %get3A_578 : i32 to index
        %get3A_580 = arith.constant 16 : index
        %get3A_581 = tpu.vector_load %arg7[%get3A_579, %get3A_580] {strides = array<i32>} : memref<32x128xf32, #tpu.memory_space<vmem>>, vector<16xf32>,
        %add3A_582 = arith.addf %add3A_577, %get3A_581 : vector<16xf32>
        %get3A_583 = arith.constant 29 : i32
        %get3A_584 = arith.index_cast %get3A_583 : i32 to index
        %get3A_585 = arith.constant 16 : index
        %get3A_586 = tpu.vector_load %arg7[%get3A_584, %get3A_585] {strides = array<i32>} : memref<32x128xf32, #tpu.memory_space<vmem>>, vector<16xf32>,
        %add3A_587 = arith.addf %add3A_582, %get3A_586 : vector<16xf32>
        %get3A_588 = arith.constant 30 : i32
        %get3A_589 = arith.index_cast %get3A_588 : i32 to index
        %get3A_590 = arith.constant 16 : index
        %get3A_591 = tpu.vector_load %arg7[%get3A_589, %get3A_590] {strides = array<i32>} : memref<32x128xf32, #tpu.memory_space<vmem>>, vector<16xf32>,
        %add3A_592 = arith.addf %add3A_587, %get3A_591 : vector<16xf32>
        %get3A_593 = arith.constant 31 : i32
        %get3A_594 = arith.index_cast %get3A_593 : i32 to index
        %get3A_595 = arith.constant 16 : index
        %get3A_596 = tpu.vector_load %arg7[%get3A_594, %get3A_595] {strides = array<i32>} : memref<32x128xf32, #tpu.memory_space<vmem>>, vector<16xf32>,
        %add3A_597 = arith.addf %add3A_592, %get3A_596 : vector<16xf32>
        %swap3A_598 = arith.constant 16 : index
        %swap3A_599 = tpu.vector_load %arg8[%swap3A_598] {strides = array<i32>} : memref<128xf32, #tpu.memory_space<vmem>>, vector<16xf32>,
        tpu.vector_store %arg8[%swap3A_598], %add3A_597 {strides = array<i32>} : memref<128xf32, #tpu.memory_space<vmem>>, vector<16xf32>,
        %get3A_600 = arith.constant 32 : index
        %get3A_601 = tpu.vector_load %arg8[%get3A_600] {strides = array<i32>} : memref<128xf32, #tpu.memory_space<vmem>>, vector<16xf32>,
        %get3A_602 = arith.constant 0 : i32
        %get3A_603 = arith.index_cast %get3A_602 : i32 to index
        %get3A_604 = arith.constant 32 : index
        %get3A_605 = tpu.vector_load %arg7[%get3A_603, %get3A_604] {strides = array<i32>} : memref<32x128xf32, #tpu.memory_space<vmem>>, vector<16xf32>,
        %add3A_606 = arith.addf %get3A_601, %get3A_605 : vector<16xf32>
        %get3A_607 = arith.constant 1 : i32
        %get3A_608 = arith.index_cast %get3A_607 : i32 to index
        %get3A_609 = arith.constant 32 : index
        %get3A_610 = tpu.vector_load %arg7[%get3A_608, %get3A_609] {strides = array<i32>} : memref<32x128xf32, #tpu.memory_space<vmem>>, vector<16xf32>,
        %add3A_611 = arith.addf %add3A_606, %get3A_610 : vector<16xf32>
        %get3A_612 = arith.constant 2 : i32
        %get3A_613 = arith.index_cast %get3A_612 : i32 to index
        %get3A_614 = arith.constant 32 : index
        %get3A_615 = tpu.vector_load %arg7[%get3A_613, %get3A_614] {strides = array<i32>} : memref<32x128xf32, #tpu.memory_space<vmem>>, vector<16xf32>,
        %add3A_616 = arith.addf %add3A_611, %get3A_615 : vector<16xf32>
        %get3A_617 = arith.constant 3 : i32
        %get3A_618 = arith.index_cast %get3A_617 : i32 to index
        %get3A_619 = arith.constant 32 : index
        %get3A_620 = tpu.vector_load %arg7[%get3A_618, %get3A_619] {strides = array<i32>} : memref<32x128xf32, #tpu.memory_space<vmem>>, vector<16xf32>,
        %add3A_621 = arith.addf %add3A_616, %get3A_620 : vector<16xf32>
        %get3A_622 = arith.constant 4 : i32
        %get3A_623 = arith.index_cast %get3A_622 : i32 to index
        %get3A_624 = arith.constant 32 : index
        %get3A_625 = tpu.vector_load %arg7[%get3A_623, %get3A_624] {strides = array<i32>} : memref<32x128xf32, #tpu.memory_space<vmem>>, vector<16xf32>,
        %add3A_626 = arith.addf %add3A_621, %get3A_625 : vector<16xf32>
        %get3A_627 = arith.constant 5 : i32
        %get3A_628 = arith.index_cast %get3A_627 : i32 to index
        %get3A_629 = arith.constant 32 : index
        %get3A_630 = tpu.vector_load %arg7[%get3A_628, %get3A_629] {strides = array<i32>} : memref<32x128xf32, #tpu.memory_space<vmem>>, vector<16xf32>,
        %add3A_631 = arith.addf %add3A_626, %get3A_630 : vector<16xf32>
        %get3A_632 = arith.constant 6 : i32
        %get3A_633 = arith.index_cast %get3A_632 : i32 to index
        %get3A_634 = arith.constant 32 : index
        %get3A_635 = tpu.vector_load %arg7[%get3A_633, %get3A_634] {strides = array<i32>} : memref<32x128xf32, #tpu.memory_space<vmem>>, vector<16xf32>,
        %add3A_636 = arith.addf %add3A_631, %get3A_635 : vector<16xf32>
        %get3A_637 = arith.constant 7 : i32
        %get3A_638 = arith.index_cast %get3A_637 : i32 to index
        %get3A_639 = arith.constant 32 : index
        %get3A_640 = tpu.vector_load %arg7[%get3A_638, %get3A_639] {strides = array<i32>} : memref<32x128xf32, #tpu.memory_space<vmem>>, vector<16xf32>,
        %add3A_641 = arith.addf %add3A_636, %get3A_640 : vector<16xf32>
        %get3A_642 = arith.constant 8 : i32
        %get3A_643 = arith.index_cast %get3A_642 : i32 to index
        %get3A_644 = arith.constant 32 : index
        %get3A_645 = tpu.vector_load %arg7[%get3A_643, %get3A_644] {strides = array<i32>} : memref<32x128xf32, #tpu.memory_space<vmem>>, vector<16xf32>,
        %add3A_646 = arith.addf %add3A_641, %get3A_645 : vector<16xf32>
        %get3A_647 = arith.constant 9 : i32
        %get3A_648 = arith.index_cast %get3A_647 : i32 to index
        %get3A_649 = arith.constant 32 : index
        %get3A_650 = tpu.vector_load %arg7[%get3A_648, %get3A_649] {strides = array<i32>} : memref<32x128xf32, #tpu.memory_space<vmem>>, vector<16xf32>,
        %add3A_651 = arith.addf %add3A_646, %get3A_650 : vector<16xf32>
        %get3A_652 = arith.constant 10 : i32
        %get3A_653 = arith.index_cast %get3A_652 : i32 to index
        %get3A_654 = arith.constant 32 : index
        %get3A_655 = tpu.vector_load %arg7[%get3A_653, %get3A_654] {strides = array<i32>} : memref<32x128xf32, #tpu.memory_space<vmem>>, vector<16xf32>,
        %add3A_656 = arith.addf %add3A_651, %get3A_655 : vector<16xf32>
        %get3A_657 = arith.constant 11 : i32
        %get3A_658 = arith.index_cast %get3A_657 : i32 to index
        %get3A_659 = arith.constant 32 : index
        %get3A_660 = tpu.vector_load %arg7[%get3A_658, %get3A_659] {strides = array<i32>} : memref<32x128xf32, #tpu.memory_space<vmem>>, vector<16xf32>,
        %add3A_661 = arith.addf %add3A_656, %get3A_660 : vector<16xf32>
        %get3A_662 = arith.constant 12 : i32
        %get3A_663 = arith.index_cast %get3A_662 : i32 to index
        %get3A_664 = arith.constant 32 : index
        %get3A_665 = tpu.vector_load %arg7[%get3A_663, %get3A_664] {strides = array<i32>} : memref<32x128xf32, #tpu.memory_space<vmem>>, vector<16xf32>,
        %add3A_666 = arith.addf %add3A_661, %get3A_665 : vector<16xf32>
        %get3A_667 = arith.constant 13 : i32
        %get3A_668 = arith.index_cast %get3A_667 : i32 to index
        %get3A_669 = arith.constant 32 : index
        %get3A_670 = tpu.vector_load %arg7[%get3A_668, %get3A_669] {strides = array<i32>} : memref<32x128xf32, #tpu.memory_space<vmem>>, vector<16xf32>,
        %add3A_671 = arith.addf %add3A_666, %get3A_670 : vector<16xf32>
        %get3A_672 = arith.constant 14 : i32
        %get3A_673 = arith.index_cast %get3A_672 : i32 to index
        %get3A_674 = arith.constant 32 : index
        %get3A_675 = tpu.vector_load %arg7[%get3A_673, %get3A_674] {strides = array<i32>} : memref<32x128xf32, #tpu.memory_space<vmem>>, vector<16xf32>,
        %add3A_676 = arith.addf %add3A_671, %get3A_675 : vector<16xf32>
        %get3A_677 = arith.constant 15 : i32
        %get3A_678 = arith.index_cast %get3A_677 : i32 to index
        %get3A_679 = arith.constant 32 : index
        %get3A_680 = tpu.vector_load %arg7[%get3A_678, %get3A_679] {strides = array<i32>} : memref<32x128xf32, #tpu.memory_space<vmem>>, vector<16xf32>,
        %add3A_681 = arith.addf %add3A_676, %get3A_680 : vector<16xf32>
        %get3A_682 = arith.constant 16 : i32
        %get3A_683 = arith.index_cast %get3A_682 : i32 to index
        %get3A_684 = arith.constant 32 : index
        %get3A_685 = tpu.vector_load %arg7[%get3A_683, %get3A_684] {strides = array<i32>} : memref<32x128xf32, #tpu.memory_space<vmem>>, vector<16xf32>,
        %add3A_686 = arith.addf %add3A_681, %get3A_685 : vector<16xf32>
        %get3A_687 = arith.constant 17 : i32
        %get3A_688 = arith.index_cast %get3A_687 : i32 to index
        %get3A_689 = arith.constant 32 : index
        %get3A_690 = tpu.vector_load %arg7[%get3A_688, %get3A_689] {strides = array<i32>} : memref<32x128xf32, #tpu.memory_space<vmem>>, vector<16xf32>,
        %add3A_691 = arith.addf %add3A_686, %get3A_690 : vector<16xf32>
        %get3A_692 = arith.constant 18 : i32
        %get3A_693 = arith.index_cast %get3A_692 : i32 to index
        %get3A_694 = arith.constant 32 : index
        %get3A_695 = tpu.vector_load %arg7[%get3A_693, %get3A_694] {strides = array<i32>} : memref<32x128xf32, #tpu.memory_space<vmem>>, vector<16xf32>,
        %add3A_696 = arith.addf %add3A_691, %get3A_695 : vector<16xf32>
        %get3A_697 = arith.constant 19 : i32
        %get3A_698 = arith.index_cast %get3A_697 : i32 to index
        %get3A_699 = arith.constant 32 : index
        %get3A_700 = tpu.vector_load %arg7[%get3A_698, %get3A_699] {strides = array<i32>} : memref<32x128xf32, #tpu.memory_space<vmem>>, vector<16xf32>,
        %add3A_701 = arith.addf %add3A_696, %get3A_700 : vector<16xf32>
        %get3A_702 = arith.constant 20 : i32
        %get3A_703 = arith.index_cast %get3A_702 : i32 to index
        %get3A_704 = arith.constant 32 : index
        %get3A_705 = tpu.vector_load %arg7[%get3A_703, %get3A_704] {strides = array<i32>} : memref<32x128xf32, #tpu.memory_space<vmem>>, vector<16xf32>,
        %add3A_706 = arith.addf %add3A_701, %get3A_705 : vector<16xf32>
        %get3A_707 = arith.constant 21 : i32
        %get3A_708 = arith.index_cast %get3A_707 : i32 to index
        %get3A_709 = arith.constant 32 : index
        %get3A_710 = tpu.vector_load %arg7[%get3A_708, %get3A_709] {strides = array<i32>} : memref<32x128xf32, #tpu.memory_space<vmem>>, vector<16xf32>,
        %add3A_711 = arith.addf %add3A_706, %get3A_710 : vector<16xf32>
        %get3A_712 = arith.constant 22 : i32
        %get3A_713 = arith.index_cast %get3A_712 : i32 to index
        %get3A_714 = arith.constant 32 : index
        %get3A_715 = tpu.vector_load %arg7[%get3A_713, %get3A_714] {strides = array<i32>} : memref<32x128xf32, #tpu.memory_space<vmem>>, vector<16xf32>,
        %add3A_716 = arith.addf %add3A_711, %get3A_715 : vector<16xf32>
        %get3A_717 = arith.constant 23 : i32
        %get3A_718 = arith.index_cast %get3A_717 : i32 to index
        %get3A_719 = arith.constant 32 : index
        %get3A_720 = tpu.vector_load %arg7[%get3A_718, %get3A_719] {strides = array<i32>} : memref<32x128xf32, #tpu.memory_space<vmem>>, vector<16xf32>,
        %add3A_721 = arith.addf %add3A_716, %get3A_720 : vector<16xf32>
        %get3A_722 = arith.constant 24 : i32
        %get3A_723 = arith.index_cast %get3A_722 : i32 to index
        %get3A_724 = arith.constant 32 : index
        %get3A_725 = tpu.vector_load %arg7[%get3A_723, %get3A_724] {strides = array<i32>} : memref<32x128xf32, #tpu.memory_space<vmem>>, vector<16xf32>,
        %add3A_726 = arith.addf %add3A_721, %get3A_725 : vector<16xf32>
        %get3A_727 = arith.constant 25 : i32
        %get3A_728 = arith.index_cast %get3A_727 : i32 to index
        %get3A_729 = arith.constant 32 : index
        %get3A_730 = tpu.vector_load %arg7[%get3A_728, %get3A_729] {strides = array<i32>} : memref<32x128xf32, #tpu.memory_space<vmem>>, vector<16xf32>,
        %add3A_731 = arith.addf %add3A_726, %get3A_730 : vector<16xf32>
        %get3A_732 = arith.constant 26 : i32
        %get3A_733 = arith.index_cast %get3A_732 : i32 to index
        %get3A_734 = arith.constant 32 : index
        %get3A_735 = tpu.vector_load %arg7[%get3A_733, %get3A_734] {strides = array<i32>} : memref<32x128xf32, #tpu.memory_space<vmem>>, vector<16xf32>,
        %add3A_736 = arith.addf %add3A_731, %get3A_735 : vector<16xf32>
        %get3A_737 = arith.constant 27 : i32
        %get3A_738 = arith.index_cast %get3A_737 : i32 to index
        %get3A_739 = arith.constant 32 : index
        %get3A_740 = tpu.vector_load %arg7[%get3A_738, %get3A_739] {strides = array<i32>} : memref<32x128xf32, #tpu.memory_space<vmem>>, vector<16xf32>,
        %add3A_741 = arith.addf %add3A_736, %get3A_740 : vector<16xf32>
        %get3A_742 = arith.constant 28 : i32
        %get3A_743 = arith.index_cast %get3A_742 : i32 to index
        %get3A_744 = arith.constant 32 : index
        %get3A_745 = tpu.vector_load %arg7[%get3A_743, %get3A_744] {strides = array<i32>} : memref<32x128xf32, #tpu.memory_space<vmem>>, vector<16xf32>,
        %add3A_746 = arith.addf %add3A_741, %get3A_745 : vector<16xf32>
        %get3A_747 = arith.constant 29 : i32
        %get3A_748 = arith.index_cast %get3A_747 : i32 to index
        %get3A_749 = arith.constant 32 : index
        %get3A_750 = tpu.vector_load %arg7[%get3A_748, %get3A_749] {strides = array<i32>} : memref<32x128xf32, #tpu.memory_space<vmem>>, vector<16xf32>,
        %add3A_751 = arith.addf %add3A_746, %get3A_750 : vector<16xf32>
        %get3A_752 = arith.constant 30 : i32
        %get3A_753 = arith.index_cast %get3A_752 : i32 to index
        %get3A_754 = arith.constant 32 : index
        %get3A_755 = tpu.vector_load %arg7[%get3A_753, %get3A_754] {strides = array<i32>} : memref<32x128xf32, #tpu.memory_space<vmem>>, vector<16xf32>,
        %add3A_756 = arith.addf %add3A_751, %get3A_755 : vector<16xf32>
        %get3A_757 = arith.constant 31 : i32
        %get3A_758 = arith.index_cast %get3A_757 : i32 to index
        %get3A_759 = arith.constant 32 : index
        %get3A_760 = tpu.vector_load %arg7[%get3A_758, %get3A_759] {strides = array<i32>} : memref<32x128xf32, #tpu.memory_space<vmem>>, vector<16xf32>,
        %add3A_761 = arith.addf %add3A_756, %get3A_760 : vector<16xf32>
        %swap3A_762 = arith.constant 32 : index
        %swap3A_763 = tpu.vector_load %arg8[%swap3A_762] {strides = array<i32>} : memref<128xf32, #tpu.memory_space<vmem>>, vector<16xf32>,
        tpu.vector_store %arg8[%swap3A_762], %add3A_761 {strides = array<i32>} : memref<128xf32, #tpu.memory_space<vmem>>, vector<16xf32>,
        %get3A_764 = arith.constant 48 : index
        %get3A_765 = tpu.vector_load %arg8[%get3A_764] {strides = array<i32>} : memref<128xf32, #tpu.memory_space<vmem>>, vector<16xf32>,
        %get3A_766 = arith.constant 0 : i32
        %get3A_767 = arith.index_cast %get3A_766 : i32 to index
        %get3A_768 = arith.constant 48 : index
        %get3A_769 = tpu.vector_load %arg7[%get3A_767, %get3A_768] {strides = array<i32>} : memref<32x128xf32, #tpu.memory_space<vmem>>, vector<16xf32>,
        %add3A_770 = arith.addf %get3A_765, %get3A_769 : vector<16xf32>
        %get3A_771 = arith.constant 1 : i32
        %get3A_772 = arith.index_cast %get3A_771 : i32 to index
        %get3A_773 = arith.constant 48 : index
        %get3A_774 = tpu.vector_load %arg7[%get3A_772, %get3A_773] {strides = array<i32>} : memref<32x128xf32, #tpu.memory_space<vmem>>, vector<16xf32>,
        %add3A_775 = arith.addf %add3A_770, %get3A_774 : vector<16xf32>
        %get3A_776 = arith.constant 2 : i32
        %get3A_777 = arith.index_cast %get3A_776 : i32 to index
        %get3A_778 = arith.constant 48 : index
        %get3A_779 = tpu.vector_load %arg7[%get3A_777, %get3A_778] {strides = array<i32>} : memref<32x128xf32, #tpu.memory_space<vmem>>, vector<16xf32>,
        %add3A_780 = arith.addf %add3A_775, %get3A_779 : vector<16xf32>
        %get3A_781 = arith.constant 3 : i32
        %get3A_782 = arith.index_cast %get3A_781 : i32 to index
        %get3A_783 = arith.constant 48 : index
        %get3A_784 = tpu.vector_load %arg7[%get3A_782, %get3A_783] {strides = array<i32>} : memref<32x128xf32, #tpu.memory_space<vmem>>, vector<16xf32>,
        %add3A_785 = arith.addf %add3A_780, %get3A_784 : vector<16xf32>
        %get3A_786 = arith.constant 4 : i32
        %get3A_787 = arith.index_cast %get3A_786 : i32 to index
        %get3A_788 = arith.constant 48 : index
        %get3A_789 = tpu.vector_load %arg7[%get3A_787, %get3A_788] {strides = array<i32>} : memref<32x128xf32, #tpu.memory_space<vmem>>, vector<16xf32>,
        %add3A_790 = arith.addf %add3A_785, %get3A_789 : vector<16xf32>
        %get3A_791 = arith.constant 5 : i32
        %get3A_792 = arith.index_cast %get3A_791 : i32 to index
        %get3A_793 = arith.constant 48 : index
        %get3A_794 = tpu.vector_load %arg7[%get3A_792, %get3A_793] {strides = array<i32>} : memref<32x128xf32, #tpu.memory_space<vmem>>, vector<16xf32>,
        %add3A_795 = arith.addf %add3A_790, %get3A_794 : vector<16xf32>
        %get3A_796 = arith.constant 6 : i32
        %get3A_797 = arith.index_cast %get3A_796 : i32 to index
        %get3A_798 = arith.constant 48 : index
        %get3A_799 = tpu.vector_load %arg7[%get3A_797, %get3A_798] {strides = array<i32>} : memref<32x128xf32, #tpu.memory_space<vmem>>, vector<16xf32>,
        %add3A_800 = arith.addf %add3A_795, %get3A_799 : vector<16xf32>
        %get3A_801 = arith.constant 7 : i32
        %get3A_802 = arith.index_cast %get3A_801 : i32 to index
        %get3A_803 = arith.constant 48 : index
        %get3A_804 = tpu.vector_load %arg7[%get3A_802, %get3A_803] {strides = array<i32>} : memref<32x128xf32, #tpu.memory_space<vmem>>, vector<16xf32>,
        %add3A_805 = arith.addf %add3A_800, %get3A_804 : vector<16xf32>
        %get3A_806 = arith.constant 8 : i32
        %get3A_807 = arith.index_cast %get3A_806 : i32 to index
        %get3A_808 = arith.constant 48 : index
        %get3A_809 = tpu.vector_load %arg7[%get3A_807, %get3A_808] {strides = array<i32>} : memref<32x128xf32, #tpu.memory_space<vmem>>, vector<16xf32>,
        %add3A_810 = arith.addf %add3A_805, %get3A_809 : vector<16xf32>
        %get3A_811 = arith.constant 9 : i32
        %get3A_812 = arith.index_cast %get3A_811 : i32 to index
        %get3A_813 = arith.constant 48 : index
        %get3A_814 = tpu.vector_load %arg7[%get3A_812, %get3A_813] {strides = array<i32>} : memref<32x128xf32, #tpu.memory_space<vmem>>, vector<16xf32>,
        %add3A_815 = arith.addf %add3A_810, %get3A_814 : vector<16xf32>
        %get3A_816 = arith.constant 10 : i32
        %get3A_817 = arith.index_cast %get3A_816 : i32 to index
        %get3A_818 = arith.constant 48 : index
        %get3A_819 = tpu.vector_load %arg7[%get3A_817, %get3A_818] {strides = array<i32>} : memref<32x128xf32, #tpu.memory_space<vmem>>, vector<16xf32>,
        %add3A_820 = arith.addf %add3A_815, %get3A_819 : vector<16xf32>
        %get3A_821 = arith.constant 11 : i32
        %get3A_822 = arith.index_cast %get3A_821 : i32 to index
        %get3A_823 = arith.constant 48 : index
        %get3A_824 = tpu.vector_load %arg7[%get3A_822, %get3A_823] {strides = array<i32>} : memref<32x128xf32, #tpu.memory_space<vmem>>, vector<16xf32>,
        %add3A_825 = arith.addf %add3A_820, %get3A_824 : vector<16xf32>
        %get3A_826 = arith.constant 12 : i32
        %get3A_827 = arith.index_cast %get3A_826 : i32 to index
        %get3A_828 = arith.constant 48 : index
        %get3A_829 = tpu.vector_load %arg7[%get3A_827, %get3A_828] {strides = array<i32>} : memref<32x128xf32, #tpu.memory_space<vmem>>, vector<16xf32>,
        %add3A_830 = arith.addf %add3A_825, %get3A_829 : vector<16xf32>
        %get3A_831 = arith.constant 13 : i32
        %get3A_832 = arith.index_cast %get3A_831 : i32 to index
        %get3A_833 = arith.constant 48 : index
        %get3A_834 = tpu.vector_load %arg7[%get3A_832, %get3A_833] {strides = array<i32>} : memref<32x128xf32, #tpu.memory_space<vmem>>, vector<16xf32>,
        %add3A_835 = arith.addf %add3A_830, %get3A_834 : vector<16xf32>
        %get3A_836 = arith.constant 14 : i32
        %get3A_837 = arith.index_cast %get3A_836 : i32 to index
        %get3A_838 = arith.constant 48 : index
        %get3A_839 = tpu.vector_load %arg7[%get3A_837, %get3A_838] {strides = array<i32>} : memref<32x128xf32, #tpu.memory_space<vmem>>, vector<16xf32>,
        %add3A_840 = arith.addf %add3A_835, %get3A_839 : vector<16xf32>
        %get3A_841 = arith.constant 15 : i32
        %get3A_842 = arith.index_cast %get3A_841 : i32 to index
        %get3A_843 = arith.constant 48 : index
        %get3A_844 = tpu.vector_load %arg7[%get3A_842, %get3A_843] {strides = array<i32>} : memref<32x128xf32, #tpu.memory_space<vmem>>, vector<16xf32>,
        %add3A_845 = arith.addf %add3A_840, %get3A_844 : vector<16xf32>
        %get3A_846 = arith.constant 16 : i32
        %get3A_847 = arith.index_cast %get3A_846 : i32 to index
        %get3A_848 = arith.constant 48 : index
        %get3A_849 = tpu.vector_load %arg7[%get3A_847, %get3A_848] {strides = array<i32>} : memref<32x128xf32, #tpu.memory_space<vmem>>, vector<16xf32>,
        %add3A_850 = arith.addf %add3A_845, %get3A_849 : vector<16xf32>
        %get3A_851 = arith.constant 17 : i32
        %get3A_852 = arith.index_cast %get3A_851 : i32 to index
        %get3A_853 = arith.constant 48 : index
        %get3A_854 = tpu.vector_load %arg7[%get3A_852, %get3A_853] {strides = array<i32>} : memref<32x128xf32, #tpu.memory_space<vmem>>, vector<16xf32>,
        %add3A_855 = arith.addf %add3A_850, %get3A_854 : vector<16xf32>
        %get3A_856 = arith.constant 18 : i32
        %get3A_857 = arith.index_cast %get3A_856 : i32 to index
        %get3A_858 = arith.constant 48 : index
        %get3A_859 = tpu.vector_load %arg7[%get3A_857, %get3A_858] {strides = array<i32>} : memref<32x128xf32, #tpu.memory_space<vmem>>, vector<16xf32>,
        %add3A_860 = arith.addf %add3A_855, %get3A_859 : vector<16xf32>
        %get3A_861 = arith.constant 19 : i32
        %get3A_862 = arith.index_cast %get3A_861 : i32 to index
        %get3A_863 = arith.constant 48 : index
        %get3A_864 = tpu.vector_load %arg7[%get3A_862, %get3A_863] {strides = array<i32>} : memref<32x128xf32, #tpu.memory_space<vmem>>, vector<16xf32>,
        %add3A_865 = arith.addf %add3A_860, %get3A_864 : vector<16xf32>
        %get3A_866 = arith.constant 20 : i32
        %get3A_867 = arith.index_cast %get3A_866 : i32 to index
        %get3A_868 = arith.constant 48 : index
        %get3A_869 = tpu.vector_load %arg7[%get3A_867, %get3A_868] {strides = array<i32>} : memref<32x128xf32, #tpu.memory_space<vmem>>, vector<16xf32>,
        %add3A_870 = arith.addf %add3A_865, %get3A_869 : vector<16xf32>
        %get3A_871 = arith.constant 21 : i32
        %get3A_872 = arith.index_cast %get3A_871 : i32 to index
        %get3A_873 = arith.constant 48 : index
        %get3A_874 = tpu.vector_load %arg7[%get3A_872, %get3A_873] {strides = array<i32>} : memref<32x128xf32, #tpu.memory_space<vmem>>, vector<16xf32>,
        %add3A_875 = arith.addf %add3A_870, %get3A_874 : vector<16xf32>
        %get3A_876 = arith.constant 22 : i32
        %get3A_877 = arith.index_cast %get3A_876 : i32 to index
        %get3A_878 = arith.constant 48 : index
        %get3A_879 = tpu.vector_load %arg7[%get3A_877, %get3A_878] {strides = array<i32>} : memref<32x128xf32, #tpu.memory_space<vmem>>, vector<16xf32>,
        %add3A_880 = arith.addf %add3A_875, %get3A_879 : vector<16xf32>
        %get3A_881 = arith.constant 23 : i32
        %get3A_882 = arith.index_cast %get3A_881 : i32 to index
        %get3A_883 = arith.constant 48 : index
        %get3A_884 = tpu.vector_load %arg7[%get3A_882, %get3A_883] {strides = array<i32>} : memref<32x128xf32, #tpu.memory_space<vmem>>, vector<16xf32>,
        %add3A_885 = arith.addf %add3A_880, %get3A_884 : vector<16xf32>
        %get3A_886 = arith.constant 24 : i32
        %get3A_887 = arith.index_cast %get3A_886 : i32 to index
        %get3A_888 = arith.constant 48 : index
        %get3A_889 = tpu.vector_load %arg7[%get3A_887, %get3A_888] {strides = array<i32>} : memref<32x128xf32, #tpu.memory_space<vmem>>, vector<16xf32>,
        %add3A_890 = arith.addf %add3A_885, %get3A_889 : vector<16xf32>
        %get3A_891 = arith.constant 25 : i32
        %get3A_892 = arith.index_cast %get3A_891 : i32 to index
        %get3A_893 = arith.constant 48 : index
        %get3A_894 = tpu.vector_load %arg7[%get3A_892, %get3A_893] {strides = array<i32>} : memref<32x128xf32, #tpu.memory_space<vmem>>, vector<16xf32>,
        %add3A_895 = arith.addf %add3A_890, %get3A_894 : vector<16xf32>
        %get3A_896 = arith.constant 26 : i32
        %get3A_897 = arith.index_cast %get3A_896 : i32 to index
        %get3A_898 = arith.constant 48 : index
        %get3A_899 = tpu.vector_load %arg7[%get3A_897, %get3A_898] {strides = array<i32>} : memref<32x128xf32, #tpu.memory_space<vmem>>, vector<16xf32>,
        %add3A_900 = arith.addf %add3A_895, %get3A_899 : vector<16xf32>
        %get3A_901 = arith.constant 27 : i32
        %get3A_902 = arith.index_cast %get3A_901 : i32 to index
        %get3A_903 = arith.constant 48 : index
        %get3A_904 = tpu.vector_load %arg7[%get3A_902, %get3A_903] {strides = array<i32>} : memref<32x128xf32, #tpu.memory_space<vmem>>, vector<16xf32>,
        %add3A_905 = arith.addf %add3A_900, %get3A_904 : vector<16xf32>
        %get3A_906 = arith.constant 28 : i32
        %get3A_907 = arith.index_cast %get3A_906 : i32 to index
        %get3A_908 = arith.constant 48 : index
        %get3A_909 = tpu.vector_load %arg7[%get3A_907, %get3A_908] {strides = array<i32>} : memref<32x128xf32, #tpu.memory_space<vmem>>, vector<16xf32>,
        %add3A_910 = arith.addf %add3A_905, %get3A_909 : vector<16xf32>
        %get3A_911 = arith.constant 29 : i32
        %get3A_912 = arith.index_cast %get3A_911 : i32 to index
        %get3A_913 = arith.constant 48 : index
        %get3A_914 = tpu.vector_load %arg7[%get3A_912, %get3A_913] {strides = array<i32>} : memref<32x128xf32, #tpu.memory_space<vmem>>, vector<16xf32>,
        %add3A_915 = arith.addf %add3A_910, %get3A_914 : vector<16xf32>
        %get3A_916 = arith.constant 30 : i32
        %get3A_917 = arith.index_cast %get3A_916 : i32 to index
        %get3A_918 = arith.constant 48 : index
        %get3A_919 = tpu.vector_load %arg7[%get3A_917, %get3A_918] {strides = array<i32>} : memref<32x128xf32, #tpu.memory_space<vmem>>, vector<16xf32>,
        %add3A_920 = arith.addf %add3A_915, %get3A_919 : vector<16xf32>
        %get3A_921 = arith.constant 31 : i32
        %get3A_922 = arith.index_cast %get3A_921 : i32 to index
        %get3A_923 = arith.constant 48 : index
        %get3A_924 = tpu.vector_load %arg7[%get3A_922, %get3A_923] {strides = array<i32>} : memref<32x128xf32, #tpu.memory_space<vmem>>, vector<16xf32>,
        %add3A_925 = arith.addf %add3A_920, %get3A_924 : vector<16xf32>
        %swap3A_926 = arith.constant 48 : index
        %swap3A_927 = tpu.vector_load %arg8[%swap3A_926] {strides = array<i32>} : memref<128xf32, #tpu.memory_space<vmem>>, vector<16xf32>,
        tpu.vector_store %arg8[%swap3A_926], %add3A_925 {strides = array<i32>} : memref<128xf32, #tpu.memory_space<vmem>>, vector<16xf32>,
        %get3A_928 = arith.constant 64 : index
        %get3A_929 = tpu.vector_load %arg8[%get3A_928] {strides = array<i32>} : memref<128xf32, #tpu.memory_space<vmem>>, vector<16xf32>,
        %get3A_930 = arith.constant 0 : i32
        %get3A_931 = arith.index_cast %get3A_930 : i32 to index
        %get3A_932 = arith.constant 64 : index
        %get3A_933 = tpu.vector_load %arg7[%get3A_931, %get3A_932] {strides = array<i32>} : memref<32x128xf32, #tpu.memory_space<vmem>>, vector<16xf32>,
        %add3A_934 = arith.addf %get3A_929, %get3A_933 : vector<16xf32>
        %get3A_935 = arith.constant 1 : i32
        %get3A_936 = arith.index_cast %get3A_935 : i32 to index
        %get3A_937 = arith.constant 64 : index
        %get3A_938 = tpu.vector_load %arg7[%get3A_936, %get3A_937] {strides = array<i32>} : memref<32x128xf32, #tpu.memory_space<vmem>>, vector<16xf32>,
        %add3A_939 = arith.addf %add3A_934, %get3A_938 : vector<16xf32>
        %get3A_940 = arith.constant 2 : i32
        %get3A_941 = arith.index_cast %get3A_940 : i32 to index
        %get3A_942 = arith.constant 64 : index
        %get3A_943 = tpu.vector_load %arg7[%get3A_941, %get3A_942] {strides = array<i32>} : memref<32x128xf32, #tpu.memory_space<vmem>>, vector<16xf32>,
        %add3A_944 = arith.addf %add3A_939, %get3A_943 : vector<16xf32>
        %get3A_945 = arith.constant 3 : i32
        %get3A_946 = arith.index_cast %get3A_945 : i32 to index
        %get3A_947 = arith.constant 64 : index
        %get3A_948 = tpu.vector_load %arg7[%get3A_946, %get3A_947] {strides = array<i32>} : memref<32x128xf32, #tpu.memory_space<vmem>>, vector<16xf32>,
        %add3A_949 = arith.addf %add3A_944, %get3A_948 : vector<16xf32>
        %get3A_950 = arith.constant 4 : i32
        %get3A_951 = arith.index_cast %get3A_950 : i32 to index
        %get3A_952 = arith.constant 64 : index
        %get3A_953 = tpu.vector_load %arg7[%get3A_951, %get3A_952] {strides = array<i32>} : memref<32x128xf32, #tpu.memory_space<vmem>>, vector<16xf32>,
        %add3A_954 = arith.addf %add3A_949, %get3A_953 : vector<16xf32>
        %get3A_955 = arith.constant 5 : i32
        %get3A_956 = arith.index_cast %get3A_955 : i32 to index
        %get3A_957 = arith.constant 64 : index
        %get3A_958 = tpu.vector_load %arg7[%get3A_956, %get3A_957] {strides = array<i32>} : memref<32x128xf32, #tpu.memory_space<vmem>>, vector<16xf32>,
        %add3A_959 = arith.addf %add3A_954, %get3A_958 : vector<16xf32>
        %get3A_960 = arith.constant 6 : i32
        %get3A_961 = arith.index_cast %get3A_960 : i32 to index
        %get3A_962 = arith.constant 64 : index
        %get3A_963 = tpu.vector_load %arg7[%get3A_961, %get3A_962] {strides = array<i32>} : memref<32x128xf32, #tpu.memory_space<vmem>>, vector<16xf32>,
        %add3A_964 = arith.addf %add3A_959, %get3A_963 : vector<16xf32>
        %get3A_965 = arith.constant 7 : i32
        %get3A_966 = arith.index_cast %get3A_965 : i32 to index
        %get3A_967 = arith.constant 64 : index
        %get3A_968 = tpu.vector_load %arg7[%get3A_966, %get3A_967] {strides = array<i32>} : memref<32x128xf32, #tpu.memory_space<vmem>>, vector<16xf32>,
        %add3A_969 = arith.addf %add3A_964, %get3A_968 : vector<16xf32>
        %get3A_970 = arith.constant 8 : i32
        %get3A_971 = arith.index_cast %get3A_970 : i32 to index
        %get3A_972 = arith.constant 64 : index
        %get3A_973 = tpu.vector_load %arg7[%get3A_971, %get3A_972] {strides = array<i32>} : memref<32x128xf32, #tpu.memory_space<vmem>>, vector<16xf32>,
        %add3A_974 = arith.addf %add3A_969, %get3A_973 : vector<16xf32>
        %get3A_975 = arith.constant 9 : i32
        %get3A_976 = arith.index_cast %get3A_975 : i32 to index
        %get3A_977 = arith.constant 64 : index
        %get3A_978 = tpu.vector_load %arg7[%get3A_976, %get3A_977] {strides = array<i32>} : memref<32x128xf32, #tpu.memory_space<vmem>>, vector<16xf32>,
        %add3A_979 = arith.addf %add3A_974, %get3A_978 : vector<16xf32>
        %get3A_980 = arith.constant 10 : i32
        %get3A_981 = arith.index_cast %get3A_980 : i32 to index
        %get3A_982 = arith.constant 64 : index
        %get3A_983 = tpu.vector_load %arg7[%get3A_981, %get3A_982] {strides = array<i32>} : memref<32x128xf32, #tpu.memory_space<vmem>>, vector<16xf32>,
        %add3A_984 = arith.addf %add3A_979, %get3A_983 : vector<16xf32>
        %get3A_985 = arith.constant 11 : i32
        %get3A_986 = arith.index_cast %get3A_985 : i32 to index
        %get3A_987 = arith.constant 64 : index
        %get3A_988 = tpu.vector_load %arg7[%get3A_986, %get3A_987] {strides = array<i32>} : memref<32x128xf32, #tpu.memory_space<vmem>>, vector<16xf32>,
        %add3A_989 = arith.addf %add3A_984, %get3A_988 : vector<16xf32>
        %get3A_990 = arith.constant 12 : i32
        %get3A_991 = arith.index_cast %get3A_990 : i32 to index
        %get3A_992 = arith.constant 64 : index
        %get3A_993 = tpu.vector_load %arg7[%get3A_991, %get3A_992] {strides = array<i32>} : memref<32x128xf32, #tpu.memory_space<vmem>>, vector<16xf32>,
        %add3A_994 = arith.addf %add3A_989, %get3A_993 : vector<16xf32>
        %get3A_995 = arith.constant 13 : i32
        %get3A_996 = arith.index_cast %get3A_995 : i32 to index
        %get3A_997 = arith.constant 64 : index
        %get3A_998 = tpu.vector_load %arg7[%get3A_996, %get3A_997] {strides = array<i32>} : memref<32x128xf32, #tpu.memory_space<vmem>>, vector<16xf32>,
        %add3A_999 = arith.addf %add3A_994, %get3A_998 : vector<16xf32>
        %get3A_1000 = arith.constant 14 : i32
        %get3A_1001 = arith.index_cast %get3A_1000 : i32 to index
        %get3A_1002 = arith.constant 64 : index
        %get3A_1003 = tpu.vector_load %arg7[%get3A_1001, %get3A_1002] {strides = array<i32>} : memref<32x128xf32, #tpu.memory_space<vmem>>, vector<16xf32>,
        %add3A_1004 = arith.addf %add3A_999, %get3A_1003 : vector<16xf32>
        %get3A_1005 = arith.constant 15 : i32
        %get3A_1006 = arith.index_cast %get3A_1005 : i32 to index
        %get3A_1007 = arith.constant 64 : index
        %get3A_1008 = tpu.vector_load %arg7[%get3A_1006, %get3A_1007] {strides = array<i32>} : memref<32x128xf32, #tpu.memory_space<vmem>>, vector<16xf32>,
        %add3A_1009 = arith.addf %add3A_1004, %get3A_1008 : vector<16xf32>
        %get3A_1010 = arith.constant 16 : i32
        %get3A_1011 = arith.index_cast %get3A_1010 : i32 to index
        %get3A_1012 = arith.constant 64 : index
        %get3A_1013 = tpu.vector_load %arg7[%get3A_1011, %get3A_1012] {strides = array<i32>} : memref<32x128xf32, #tpu.memory_space<vmem>>, vector<16xf32>,
        %add3A_1014 = arith.addf %add3A_1009, %get3A_1013 : vector<16xf32>
        %get3A_1015 = arith.constant 17 : i32
        %get3A_1016 = arith.index_cast %get3A_1015 : i32 to index
        %get3A_1017 = arith.constant 64 : index
        %get3A_1018 = tpu.vector_load %arg7[%get3A_1016, %get3A_1017] {strides = array<i32>} : memref<32x128xf32, #tpu.memory_space<vmem>>, vector<16xf32>,
        %add3A_1019 = arith.addf %add3A_1014, %get3A_1018 : vector<16xf32>
        %get3A_1020 = arith.constant 18 : i32
        %get3A_1021 = arith.index_cast %get3A_1020 : i32 to index
        %get3A_1022 = arith.constant 64 : index
        %get3A_1023 = tpu.vector_load %arg7[%get3A_1021, %get3A_1022] {strides = array<i32>} : memref<32x128xf32, #tpu.memory_space<vmem>>, vector<16xf32>,
        %add3A_1024 = arith.addf %add3A_1019, %get3A_1023 : vector<16xf32>
        %get3A_1025 = arith.constant 19 : i32
        %get3A_1026 = arith.index_cast %get3A_1025 : i32 to index
        %get3A_1027 = arith.constant 64 : index
        %get3A_1028 = tpu.vector_load %arg7[%get3A_1026, %get3A_1027] {strides = array<i32>} : memref<32x128xf32, #tpu.memory_space<vmem>>, vector<16xf32>,
        %add3A_1029 = arith.addf %add3A_1024, %get3A_1028 : vector<16xf32>
        %get3A_1030 = arith.constant 20 : i32
        %get3A_1031 = arith.index_cast %get3A_1030 : i32 to index
        %get3A_1032 = arith.constant 64 : index
        %get3A_1033 = tpu.vector_load %arg7[%get3A_1031, %get3A_1032] {strides = array<i32>} : memref<32x128xf32, #tpu.memory_space<vmem>>, vector<16xf32>,
        %add3A_1034 = arith.addf %add3A_1029, %get3A_1033 : vector<16xf32>
        %get3A_1035 = arith.constant 21 : i32
        %get3A_1036 = arith.index_cast %get3A_1035 : i32 to index
        %get3A_1037 = arith.constant 64 : index
        %get3A_1038 = tpu.vector_load %arg7[%get3A_1036, %get3A_1037] {strides = array<i32>} : memref<32x128xf32, #tpu.memory_space<vmem>>, vector<16xf32>,
        %add3A_1039 = arith.addf %add3A_1034, %get3A_1038 : vector<16xf32>
        %get3A_1040 = arith.constant 22 : i32
        %get3A_1041 = arith.index_cast %get3A_1040 : i32 to index
        %get3A_1042 = arith.constant 64 : index
        %get3A_1043 = tpu.vector_load %arg7[%get3A_1041, %get3A_1042] {strides = array<i32>} : memref<32x128xf32, #tpu.memory_space<vmem>>, vector<16xf32>,
        %add3A_1044 = arith.addf %add3A_1039, %get3A_1043 : vector<16xf32>
        %get3A_1045 = arith.constant 23 : i32
        %get3A_1046 = arith.index_cast %get3A_1045 : i32 to index
        %get3A_1047 = arith.constant 64 : index
        %get3A_1048 = tpu.vector_load %arg7[%get3A_1046, %get3A_1047] {strides = array<i32>} : memref<32x128xf32, #tpu.memory_space<vmem>>, vector<16xf32>,
        %add3A_1049 = arith.addf %add3A_1044, %get3A_1048 : vector<16xf32>
        %get3A_1050 = arith.constant 24 : i32
        %get3A_1051 = arith.index_cast %get3A_1050 : i32 to index
        %get3A_1052 = arith.constant 64 : index
        %get3A_1053 = tpu.vector_load %arg7[%get3A_1051, %get3A_1052] {strides = array<i32>} : memref<32x128xf32, #tpu.memory_space<vmem>>, vector<16xf32>,
        %add3A_1054 = arith.addf %add3A_1049, %get3A_1053 : vector<16xf32>
        %get3A_1055 = arith.constant 25 : i32
        %get3A_1056 = arith.index_cast %get3A_1055 : i32 to index
        %get3A_1057 = arith.constant 64 : index
        %get3A_1058 = tpu.vector_load %arg7[%get3A_1056, %get3A_1057] {strides = array<i32>} : memref<32x128xf32, #tpu.memory_space<vmem>>, vector<16xf32>,
        %add3A_1059 = arith.addf %add3A_1054, %get3A_1058 : vector<16xf32>
        %get3A_1060 = arith.constant 26 : i32
        %get3A_1061 = arith.index_cast %get3A_1060 : i32 to index
        %get3A_1062 = arith.constant 64 : index
        %get3A_1063 = tpu.vector_load %arg7[%get3A_1061, %get3A_1062] {strides = array<i32>} : memref<32x128xf32, #tpu.memory_space<vmem>>, vector<16xf32>,
        %add3A_1064 = arith.addf %add3A_1059, %get3A_1063 : vector<16xf32>
        %get3A_1065 = arith.constant 27 : i32
        %get3A_1066 = arith.index_cast %get3A_1065 : i32 to index
        %get3A_1067 = arith.constant 64 : index
        %get3A_1068 = tpu.vector_load %arg7[%get3A_1066, %get3A_1067] {strides = array<i32>} : memref<32x128xf32, #tpu.memory_space<vmem>>, vector<16xf32>,
        %add3A_1069 = arith.addf %add3A_1064, %get3A_1068 : vector<16xf32>
        %get3A_1070 = arith.constant 28 : i32
        %get3A_1071 = arith.index_cast %get3A_1070 : i32 to index
        %get3A_1072 = arith.constant 64 : index
        %get3A_1073 = tpu.vector_load %arg7[%get3A_1071, %get3A_1072] {strides = array<i32>} : memref<32x128xf32, #tpu.memory_space<vmem>>, vector<16xf32>,
        %add3A_1074 = arith.addf %add3A_1069, %get3A_1073 : vector<16xf32>
        %get3A_1075 = arith.constant 29 : i32
        %get3A_1076 = arith.index_cast %get3A_1075 : i32 to index
        %get3A_1077 = arith.constant 64 : index
        %get3A_1078 = tpu.vector_load %arg7[%get3A_1076, %get3A_1077] {strides = array<i32>} : memref<32x128xf32, #tpu.memory_space<vmem>>, vector<16xf32>,
        %add3A_1079 = arith.addf %add3A_1074, %get3A_1078 : vector<16xf32>
        %get3A_1080 = arith.constant 30 : i32
        %get3A_1081 = arith.index_cast %get3A_1080 : i32 to index
        %get3A_1082 = arith.constant 64 : index
        %get3A_1083 = tpu.vector_load %arg7[%get3A_1081, %get3A_1082] {strides = array<i32>} : memref<32x128xf32, #tpu.memory_space<vmem>>, vector<16xf32>,
        %add3A_1084 = arith.addf %add3A_1079, %get3A_1083 : vector<16xf32>
        %get3A_1085 = arith.constant 31 : i32
        %get3A_1086 = arith.index_cast %get3A_1085 : i32 to index
        %get3A_1087 = arith.constant 64 : index
        %get3A_1088 = tpu.vector_load %arg7[%get3A_1086, %get3A_1087] {strides = array<i32>} : memref<32x128xf32, #tpu.memory_space<vmem>>, vector<16xf32>,
        %add3A_1089 = arith.addf %add3A_1084, %get3A_1088 : vector<16xf32>
        %swap3A_1090 = arith.constant 64 : index
        %swap3A_1091 = tpu.vector_load %arg8[%swap3A_1090] {strides = array<i32>} : memref<128xf32, #tpu.memory_space<vmem>>, vector<16xf32>,
        tpu.vector_store %arg8[%swap3A_1090], %add3A_1089 {strides = array<i32>} : memref<128xf32, #tpu.memory_space<vmem>>, vector<16xf32>,
        %get3A_1092 = arith.constant 80 : index
        %get3A_1093 = tpu.vector_load %arg8[%get3A_1092] {strides = array<i32>} : memref<128xf32, #tpu.memory_space<vmem>>, vector<16xf32>,
        %get3A_1094 = arith.constant 0 : i32
        %get3A_1095 = arith.index_cast %get3A_1094 : i32 to index
        %get3A_1096 = arith.constant 80 : index
        %get3A_1097 = tpu.vector_load %arg7[%get3A_1095, %get3A_1096] {strides = array<i32>} : memref<32x128xf32, #tpu.memory_space<vmem>>, vector<16xf32>,
        %add3A_1098 = arith.addf %get3A_1093, %get3A_1097 : vector<16xf32>
        %get3A_1099 = arith.constant 1 : i32
        %get3A_1100 = arith.index_cast %get3A_1099 : i32 to index
        %get3A_1101 = arith.constant 80 : index
        %get3A_1102 = tpu.vector_load %arg7[%get3A_1100, %get3A_1101] {strides = array<i32>} : memref<32x128xf32, #tpu.memory_space<vmem>>, vector<16xf32>,
        %add3A_1103 = arith.addf %add3A_1098, %get3A_1102 : vector<16xf32>
        %get3A_1104 = arith.constant 2 : i32
        %get3A_1105 = arith.index_cast %get3A_1104 : i32 to index
        %get3A_1106 = arith.constant 80 : index
        %get3A_1107 = tpu.vector_load %arg7[%get3A_1105, %get3A_1106] {strides = array<i32>} : memref<32x128xf32, #tpu.memory_space<vmem>>, vector<16xf32>,
        %add3A_1108 = arith.addf %add3A_1103, %get3A_1107 : vector<16xf32>
        %get3A_1109 = arith.constant 3 : i32
        %get3A_1110 = arith.index_cast %get3A_1109 : i32 to index
        %get3A_1111 = arith.constant 80 : index
        %get3A_1112 = tpu.vector_load %arg7[%get3A_1110, %get3A_1111] {strides = array<i32>} : memref<32x128xf32, #tpu.memory_space<vmem>>, vector<16xf32>,
        %add3A_1113 = arith.addf %add3A_1108, %get3A_1112 : vector<16xf32>
        %get3A_1114 = arith.constant 4 : i32
        %get3A_1115 = arith.index_cast %get3A_1114 : i32 to index
        %get3A_1116 = arith.constant 80 : index
        %get3A_1117 = tpu.vector_load %arg7[%get3A_1115, %get3A_1116] {strides = array<i32>} : memref<32x128xf32, #tpu.memory_space<vmem>>, vector<16xf32>,
        %add3A_1118 = arith.addf %add3A_1113, %get3A_1117 : vector<16xf32>
        %get3A_1119 = arith.constant 5 : i32
        %get3A_1120 = arith.index_cast %get3A_1119 : i32 to index
        %get3A_1121 = arith.constant 80 : index
        %get3A_1122 = tpu.vector_load %arg7[%get3A_1120, %get3A_1121] {strides = array<i32>} : memref<32x128xf32, #tpu.memory_space<vmem>>, vector<16xf32>,
        %add3A_1123 = arith.addf %add3A_1118, %get3A_1122 : vector<16xf32>
        %get3A_1124 = arith.constant 6 : i32
        %get3A_1125 = arith.index_cast %get3A_1124 : i32 to index
        %get3A_1126 = arith.constant 80 : index
        %get3A_1127 = tpu.vector_load %arg7[%get3A_1125, %get3A_1126] {strides = array<i32>} : memref<32x128xf32, #tpu.memory_space<vmem>>, vector<16xf32>,
        %add3A_1128 = arith.addf %add3A_1123, %get3A_1127 : vector<16xf32>
        %get3A_1129 = arith.constant 7 : i32
        %get3A_1130 = arith.index_cast %get3A_1129 : i32 to index
        %get3A_1131 = arith.constant 80 : index
        %get3A_1132 = tpu.vector_load %arg7[%get3A_1130, %get3A_1131] {strides = array<i32>} : memref<32x128xf32, #tpu.memory_space<vmem>>, vector<16xf32>,
        %add3A_1133 = arith.addf %add3A_1128, %get3A_1132 : vector<16xf32>
        %get3A_1134 = arith.constant 8 : i32
        %get3A_1135 = arith.index_cast %get3A_1134 : i32 to index
        %get3A_1136 = arith.constant 80 : index
        %get3A_1137 = tpu.vector_load %arg7[%get3A_1135, %get3A_1136] {strides = array<i32>} : memref<32x128xf32, #tpu.memory_space<vmem>>, vector<16xf32>,
        %add3A_1138 = arith.addf %add3A_1133, %get3A_1137 : vector<16xf32>
        %get3A_1139 = arith.constant 9 : i32
        %get3A_1140 = arith.index_cast %get3A_1139 : i32 to index
        %get3A_1141 = arith.constant 80 : index
        %get3A_1142 = tpu.vector_load %arg7[%get3A_1140, %get3A_1141] {strides = array<i32>} : memref<32x128xf32, #tpu.memory_space<vmem>>, vector<16xf32>,
        %add3A_1143 = arith.addf %add3A_1138, %get3A_1142 : vector<16xf32>
        %get3A_1144 = arith.constant 10 : i32
        %get3A_1145 = arith.index_cast %get3A_1144 : i32 to index
        %get3A_1146 = arith.constant 80 : index
        %get3A_1147 = tpu.vector_load %arg7[%get3A_1145, %get3A_1146] {strides = array<i32>} : memref<32x128xf32, #tpu.memory_space<vmem>>, vector<16xf32>,
        %add3A_1148 = arith.addf %add3A_1143, %get3A_1147 : vector<16xf32>
        %get3A_1149 = arith.constant 11 : i32
        %get3A_1150 = arith.index_cast %get3A_1149 : i32 to index
        %get3A_1151 = arith.constant 80 : index
        %get3A_1152 = tpu.vector_load %arg7[%get3A_1150, %get3A_1151] {strides = array<i32>} : memref<32x128xf32, #tpu.memory_space<vmem>>, vector<16xf32>,
        %add3A_1153 = arith.addf %add3A_1148, %get3A_1152 : vector<16xf32>
        %get3A_1154 = arith.constant 12 : i32
        %get3A_1155 = arith.index_cast %get3A_1154 : i32 to index
        %get3A_1156 = arith.constant 80 : index
        %get3A_1157 = tpu.vector_load %arg7[%get3A_1155, %get3A_1156] {strides = array<i32>} : memref<32x128xf32, #tpu.memory_space<vmem>>, vector<16xf32>,
        %add3A_1158 = arith.addf %add3A_1153, %get3A_1157 : vector<16xf32>
        %get3A_1159 = arith.constant 13 : i32
        %get3A_1160 = arith.index_cast %get3A_1159 : i32 to index
        %get3A_1161 = arith.constant 80 : index
        %get3A_1162 = tpu.vector_load %arg7[%get3A_1160, %get3A_1161] {strides = array<i32>} : memref<32x128xf32, #tpu.memory_space<vmem>>, vector<16xf32>,
        %add3A_1163 = arith.addf %add3A_1158, %get3A_1162 : vector<16xf32>
        %get3A_1164 = arith.constant 14 : i32
        %get3A_1165 = arith.index_cast %get3A_1164 : i32 to index
        %get3A_1166 = arith.constant 80 : index
        %get3A_1167 = tpu.vector_load %arg7[%get3A_1165, %get3A_1166] {strides = array<i32>} : memref<32x128xf32, #tpu.memory_space<vmem>>, vector<16xf32>,
        %add3A_1168 = arith.addf %add3A_1163, %get3A_1167 : vector<16xf32>
        %get3A_1169 = arith.constant 15 : i32
        %get3A_1170 = arith.index_cast %get3A_1169 : i32 to index
        %get3A_1171 = arith.constant 80 : index
        %get3A_1172 = tpu.vector_load %arg7[%get3A_1170, %get3A_1171] {strides = array<i32>} : memref<32x128xf32, #tpu.memory_space<vmem>>, vector<16xf32>,
        %add3A_1173 = arith.addf %add3A_1168, %get3A_1172 : vector<16xf32>
        %get3A_1174 = arith.constant 16 : i32
        %get3A_1175 = arith.index_cast %get3A_1174 : i32 to index
        %get3A_1176 = arith.constant 80 : index
        %get3A_1177 = tpu.vector_load %arg7[%get3A_1175, %get3A_1176] {strides = array<i32>} : memref<32x128xf32, #tpu.memory_space<vmem>>, vector<16xf32>,
        %add3A_1178 = arith.addf %add3A_1173, %get3A_1177 : vector<16xf32>
        %get3A_1179 = arith.constant 17 : i32
        %get3A_1180 = arith.index_cast %get3A_1179 : i32 to index
        %get3A_1181 = arith.constant 80 : index
        %get3A_1182 = tpu.vector_load %arg7[%get3A_1180, %get3A_1181] {strides = array<i32>} : memref<32x128xf32, #tpu.memory_space<vmem>>, vector<16xf32>,
        %add3A_1183 = arith.addf %add3A_1178, %get3A_1182 : vector<16xf32>
        %get3A_1184 = arith.constant 18 : i32
        %get3A_1185 = arith.index_cast %get3A_1184 : i32 to index
        %get3A_1186 = arith.constant 80 : index
        %get3A_1187 = tpu.vector_load %arg7[%get3A_1185, %get3A_1186] {strides = array<i32>} : memref<32x128xf32, #tpu.memory_space<vmem>>, vector<16xf32>,
        %add3A_1188 = arith.addf %add3A_1183, %get3A_1187 : vector<16xf32>
        %get3A_1189 = arith.constant 19 : i32
        %get3A_1190 = arith.index_cast %get3A_1189 : i32 to index
        %get3A_1191 = arith.constant 80 : index
        %get3A_1192 = tpu.vector_load %arg7[%get3A_1190, %get3A_1191] {strides = array<i32>} : memref<32x128xf32, #tpu.memory_space<vmem>>, vector<16xf32>,
        %add3A_1193 = arith.addf %add3A_1188, %get3A_1192 : vector<16xf32>
        %get3A_1194 = arith.constant 20 : i32
        %get3A_1195 = arith.index_cast %get3A_1194 : i32 to index
        %get3A_1196 = arith.constant 80 : index
        %get3A_1197 = tpu.vector_load %arg7[%get3A_1195, %get3A_1196] {strides = array<i32>} : memref<32x128xf32, #tpu.memory_space<vmem>>, vector<16xf32>,
        %add3A_1198 = arith.addf %add3A_1193, %get3A_1197 : vector<16xf32>
        %get3A_1199 = arith.constant 21 : i32
        %get3A_1200 = arith.index_cast %get3A_1199 : i32 to index
        %get3A_1201 = arith.constant 80 : index
        %get3A_1202 = tpu.vector_load %arg7[%get3A_1200, %get3A_1201] {strides = array<i32>} : memref<32x128xf32, #tpu.memory_space<vmem>>, vector<16xf32>,
        %add3A_1203 = arith.addf %add3A_1198, %get3A_1202 : vector<16xf32>
        %get3A_1204 = arith.constant 22 : i32
        %get3A_1205 = arith.index_cast %get3A_1204 : i32 to index
        %get3A_1206 = arith.constant 80 : index
        %get3A_1207 = tpu.vector_load %arg7[%get3A_1205, %get3A_1206] {strides = array<i32>} : memref<32x128xf32, #tpu.memory_space<vmem>>, vector<16xf32>,
        %add3A_1208 = arith.addf %add3A_1203, %get3A_1207 : vector<16xf32>
        %get3A_1209 = arith.constant 23 : i32
        %get3A_1210 = arith.index_cast %get3A_1209 : i32 to index
        %get3A_1211 = arith.constant 80 : index
        %get3A_1212 = tpu.vector_load %arg7[%get3A_1210, %get3A_1211] {strides = array<i32>} : memref<32x128xf32, #tpu.memory_space<vmem>>, vector<16xf32>,
        %add3A_1213 = arith.addf %add3A_1208, %get3A_1212 : vector<16xf32>
        %get3A_1214 = arith.constant 24 : i32
        %get3A_1215 = arith.index_cast %get3A_1214 : i32 to index
        %get3A_1216 = arith.constant 80 : index
        %get3A_1217 = tpu.vector_load %arg7[%get3A_1215, %get3A_1216] {strides = array<i32>} : memref<32x128xf32, #tpu.memory_space<vmem>>, vector<16xf32>,
        %add3A_1218 = arith.addf %add3A_1213, %get3A_1217 : vector<16xf32>
        %get3A_1219 = arith.constant 25 : i32
        %get3A_1220 = arith.index_cast %get3A_1219 : i32 to index
        %get3A_1221 = arith.constant 80 : index
        %get3A_1222 = tpu.vector_load %arg7[%get3A_1220, %get3A_1221] {strides = array<i32>} : memref<32x128xf32, #tpu.memory_space<vmem>>, vector<16xf32>,
        %add3A_1223 = arith.addf %add3A_1218, %get3A_1222 : vector<16xf32>
        %get3A_1224 = arith.constant 26 : i32
        %get3A_1225 = arith.index_cast %get3A_1224 : i32 to index
        %get3A_1226 = arith.constant 80 : index
        %get3A_1227 = tpu.vector_load %arg7[%get3A_1225, %get3A_1226] {strides = array<i32>} : memref<32x128xf32, #tpu.memory_space<vmem>>, vector<16xf32>,
        %add3A_1228 = arith.addf %add3A_1223, %get3A_1227 : vector<16xf32>
        %get3A_1229 = arith.constant 27 : i32
        %get3A_1230 = arith.index_cast %get3A_1229 : i32 to index
        %get3A_1231 = arith.constant 80 : index
        %get3A_1232 = tpu.vector_load %arg7[%get3A_1230, %get3A_1231] {strides = array<i32>} : memref<32x128xf32, #tpu.memory_space<vmem>>, vector<16xf32>,
        %add3A_1233 = arith.addf %add3A_1228, %get3A_1232 : vector<16xf32>
        %get3A_1234 = arith.constant 28 : i32
        %get3A_1235 = arith.index_cast %get3A_1234 : i32 to index
        %get3A_1236 = arith.constant 80 : index
        %get3A_1237 = tpu.vector_load %arg7[%get3A_1235, %get3A_1236] {strides = array<i32>} : memref<32x128xf32, #tpu.memory_space<vmem>>, vector<16xf32>,
        %add3A_1238 = arith.addf %add3A_1233, %get3A_1237 : vector<16xf32>
        %get3A_1239 = arith.constant 29 : i32
        %get3A_1240 = arith.index_cast %get3A_1239 : i32 to index
        %get3A_1241 = arith.constant 80 : index
        %get3A_1242 = tpu.vector_load %arg7[%get3A_1240, %get3A_1241] {strides = array<i32>} : memref<32x128xf32, #tpu.memory_space<vmem>>, vector<16xf32>,
        %add3A_1243 = arith.addf %add3A_1238, %get3A_1242 : vector<16xf32>
        %get3A_1244 = arith.constant 30 : i32
        %get3A_1245 = arith.index_cast %get3A_1244 : i32 to index
        %get3A_1246 = arith.constant 80 : index
        %get3A_1247 = tpu.vector_load %arg7[%get3A_1245, %get3A_1246] {strides = array<i32>} : memref<32x128xf32, #tpu.memory_space<vmem>>, vector<16xf32>,
        %add3A_1248 = arith.addf %add3A_1243, %get3A_1247 : vector<16xf32>
        %get3A_1249 = arith.constant 31 : i32
        %get3A_1250 = arith.index_cast %get3A_1249 : i32 to index
        %get3A_1251 = arith.constant 80 : index
        %get3A_1252 = tpu.vector_load %arg7[%get3A_1250, %get3A_1251] {strides = array<i32>} : memref<32x128xf32, #tpu.memory_space<vmem>>, vector<16xf32>,
        %add3A_1253 = arith.addf %add3A_1248, %get3A_1252 : vector<16xf32>
        %swap3A_1254 = arith.constant 80 : index
        %swap3A_1255 = tpu.vector_load %arg8[%swap3A_1254] {strides = array<i32>} : memref<128xf32, #tpu.memory_space<vmem>>, vector<16xf32>,
        tpu.vector_store %arg8[%swap3A_1254], %add3A_1253 {strides = array<i32>} : memref<128xf32, #tpu.memory_space<vmem>>, vector<16xf32>,
        %get3A_1256 = arith.constant 96 : index
        %get3A_1257 = tpu.vector_load %arg8[%get3A_1256] {strides = array<i32>} : memref<128xf32, #tpu.memory_space<vmem>>, vector<16xf32>,
        %get3A_1258 = arith.constant 0 : i32
        %get3A_1259 = arith.index_cast %get3A_1258 : i32 to index
        %get3A_1260 = arith.constant 96 : index
        %get3A_1261 = tpu.vector_load %arg7[%get3A_1259, %get3A_1260] {strides = array<i32>} : memref<32x128xf32, #tpu.memory_space<vmem>>, vector<16xf32>,
        %add3A_1262 = arith.addf %get3A_1257, %get3A_1261 : vector<16xf32>
        %get3A_1263 = arith.constant 1 : i32
        %get3A_1264 = arith.index_cast %get3A_1263 : i32 to index
        %get3A_1265 = arith.constant 96 : index
        %get3A_1266 = tpu.vector_load %arg7[%get3A_1264, %get3A_1265] {strides = array<i32>} : memref<32x128xf32, #tpu.memory_space<vmem>>, vector<16xf32>,
        %add3A_1267 = arith.addf %add3A_1262, %get3A_1266 : vector<16xf32>
        %get3A_1268 = arith.constant 2 : i32
        %get3A_1269 = arith.index_cast %get3A_1268 : i32 to index
        %get3A_1270 = arith.constant 96 : index
        %get3A_1271 = tpu.vector_load %arg7[%get3A_1269, %get3A_1270] {strides = array<i32>} : memref<32x128xf32, #tpu.memory_space<vmem>>, vector<16xf32>,
        %add3A_1272 = arith.addf %add3A_1267, %get3A_1271 : vector<16xf32>
        %get3A_1273 = arith.constant 3 : i32
        %get3A_1274 = arith.index_cast %get3A_1273 : i32 to index
        %get3A_1275 = arith.constant 96 : index
        %get3A_1276 = tpu.vector_load %arg7[%get3A_1274, %get3A_1275] {strides = array<i32>} : memref<32x128xf32, #tpu.memory_space<vmem>>, vector<16xf32>,
        %add3A_1277 = arith.addf %add3A_1272, %get3A_1276 : vector<16xf32>
        %get3A_1278 = arith.constant 4 : i32
        %get3A_1279 = arith.index_cast %get3A_1278 : i32 to index
        %get3A_1280 = arith.constant 96 : index
        %get3A_1281 = tpu.vector_load %arg7[%get3A_1279, %get3A_1280] {strides = array<i32>} : memref<32x128xf32, #tpu.memory_space<vmem>>, vector<16xf32>,
        %add3A_1282 = arith.addf %add3A_1277, %get3A_1281 : vector<16xf32>
        %get3A_1283 = arith.constant 5 : i32
        %get3A_1284 = arith.index_cast %get3A_1283 : i32 to index
        %get3A_1285 = arith.constant 96 : index
        %get3A_1286 = tpu.vector_load %arg7[%get3A_1284, %get3A_1285] {strides = array<i32>} : memref<32x128xf32, #tpu.memory_space<vmem>>, vector<16xf32>,
        %add3A_1287 = arith.addf %add3A_1282, %get3A_1286 : vector<16xf32>
        %get3A_1288 = arith.constant 6 : i32
        %get3A_1289 = arith.index_cast %get3A_1288 : i32 to index
        %get3A_1290 = arith.constant 96 : index
        %get3A_1291 = tpu.vector_load %arg7[%get3A_1289, %get3A_1290] {strides = array<i32>} : memref<32x128xf32, #tpu.memory_space<vmem>>, vector<16xf32>,
        %add3A_1292 = arith.addf %add3A_1287, %get3A_1291 : vector<16xf32>
        %get3A_1293 = arith.constant 7 : i32
        %get3A_1294 = arith.index_cast %get3A_1293 : i32 to index
        %get3A_1295 = arith.constant 96 : index
        %get3A_1296 = tpu.vector_load %arg7[%get3A_1294, %get3A_1295] {strides = array<i32>} : memref<32x128xf32, #tpu.memory_space<vmem>>, vector<16xf32>,
        %add3A_1297 = arith.addf %add3A_1292, %get3A_1296 : vector<16xf32>
        %get3A_1298 = arith.constant 8 : i32
        %get3A_1299 = arith.index_cast %get3A_1298 : i32 to index
        %get3A_1300 = arith.constant 96 : index
        %get3A_1301 = tpu.vector_load %arg7[%get3A_1299, %get3A_1300] {strides = array<i32>} : memref<32x128xf32, #tpu.memory_space<vmem>>, vector<16xf32>,
        %add3A_1302 = arith.addf %add3A_1297, %get3A_1301 : vector<16xf32>
        %get3A_1303 = arith.constant 9 : i32
        %get3A_1304 = arith.index_cast %get3A_1303 : i32 to index
        %get3A_1305 = arith.constant 96 : index
        %get3A_1306 = tpu.vector_load %arg7[%get3A_1304, %get3A_1305] {strides = array<i32>} : memref<32x128xf32, #tpu.memory_space<vmem>>, vector<16xf32>,
        %add3A_1307 = arith.addf %add3A_1302, %get3A_1306 : vector<16xf32>
        %get3A_1308 = arith.constant 10 : i32
        %get3A_1309 = arith.index_cast %get3A_1308 : i32 to index
        %get3A_1310 = arith.constant 96 : index
        %get3A_1311 = tpu.vector_load %arg7[%get3A_1309, %get3A_1310] {strides = array<i32>} : memref<32x128xf32, #tpu.memory_space<vmem>>, vector<16xf32>,
        %add3A_1312 = arith.addf %add3A_1307, %get3A_1311 : vector<16xf32>
        %get3A_1313 = arith.constant 11 : i32
        %get3A_1314 = arith.index_cast %get3A_1313 : i32 to index
        %get3A_1315 = arith.constant 96 : index
        %get3A_1316 = tpu.vector_load %arg7[%get3A_1314, %get3A_1315] {strides = array<i32>} : memref<32x128xf32, #tpu.memory_space<vmem>>, vector<16xf32>,
        %add3A_1317 = arith.addf %add3A_1312, %get3A_1316 : vector<16xf32>
        %get3A_1318 = arith.constant 12 : i32
        %get3A_1319 = arith.index_cast %get3A_1318 : i32 to index
        %get3A_1320 = arith.constant 96 : index
        %get3A_1321 = tpu.vector_load %arg7[%get3A_1319, %get3A_1320] {strides = array<i32>} : memref<32x128xf32, #tpu.memory_space<vmem>>, vector<16xf32>,
        %add3A_1322 = arith.addf %add3A_1317, %get3A_1321 : vector<16xf32>
        %get3A_1323 = arith.constant 13 : i32
        %get3A_1324 = arith.index_cast %get3A_1323 : i32 to index
        %get3A_1325 = arith.constant 96 : index
        %get3A_1326 = tpu.vector_load %arg7[%get3A_1324, %get3A_1325] {strides = array<i32>} : memref<32x128xf32, #tpu.memory_space<vmem>>, vector<16xf32>,
        %add3A_1327 = arith.addf %add3A_1322, %get3A_1326 : vector<16xf32>
        %get3A_1328 = arith.constant 14 : i32
        %get3A_1329 = arith.index_cast %get3A_1328 : i32 to index
        %get3A_1330 = arith.constant 96 : index
        %get3A_1331 = tpu.vector_load %arg7[%get3A_1329, %get3A_1330] {strides = array<i32>} : memref<32x128xf32, #tpu.memory_space<vmem>>, vector<16xf32>,
        %add3A_1332 = arith.addf %add3A_1327, %get3A_1331 : vector<16xf32>
        %get3A_1333 = arith.constant 15 : i32
        %get3A_1334 = arith.index_cast %get3A_1333 : i32 to index
        %get3A_1335 = arith.constant 96 : index
        %get3A_1336 = tpu.vector_load %arg7[%get3A_1334, %get3A_1335] {strides = array<i32>} : memref<32x128xf32, #tpu.memory_space<vmem>>, vector<16xf32>,
        %add3A_1337 = arith.addf %add3A_1332, %get3A_1336 : vector<16xf32>
        %get3A_1338 = arith.constant 16 : i32
        %get3A_1339 = arith.index_cast %get3A_1338 : i32 to index
        %get3A_1340 = arith.constant 96 : index
        %get3A_1341 = tpu.vector_load %arg7[%get3A_1339, %get3A_1340] {strides = array<i32>} : memref<32x128xf32, #tpu.memory_space<vmem>>, vector<16xf32>,
        %add3A_1342 = arith.addf %add3A_1337, %get3A_1341 : vector<16xf32>
        %get3A_1343 = arith.constant 17 : i32
        %get3A_1344 = arith.index_cast %get3A_1343 : i32 to index
        %get3A_1345 = arith.constant 96 : index
        %get3A_1346 = tpu.vector_load %arg7[%get3A_1344, %get3A_1345] {strides = array<i32>} : memref<32x128xf32, #tpu.memory_space<vmem>>, vector<16xf32>,
        %add3A_1347 = arith.addf %add3A_1342, %get3A_1346 : vector<16xf32>
        %get3A_1348 = arith.constant 18 : i32
        %get3A_1349 = arith.index_cast %get3A_1348 : i32 to index
        %get3A_1350 = arith.constant 96 : index
        %get3A_1351 = tpu.vector_load %arg7[%get3A_1349, %get3A_1350] {strides = array<i32>} : memref<32x128xf32, #tpu.memory_space<vmem>>, vector<16xf32>,
        %add3A_1352 = arith.addf %add3A_1347, %get3A_1351 : vector<16xf32>
        %get3A_1353 = arith.constant 19 : i32
        %get3A_1354 = arith.index_cast %get3A_1353 : i32 to index
        %get3A_1355 = arith.constant 96 : index
        %get3A_1356 = tpu.vector_load %arg7[%get3A_1354, %get3A_1355] {strides = array<i32>} : memref<32x128xf32, #tpu.memory_space<vmem>>, vector<16xf32>,
        %add3A_1357 = arith.addf %add3A_1352, %get3A_1356 : vector<16xf32>
        %get3A_1358 = arith.constant 20 : i32
        %get3A_1359 = arith.index_cast %get3A_1358 : i32 to index
        %get3A_1360 = arith.constant 96 : index
        %get3A_1361 = tpu.vector_load %arg7[%get3A_1359, %get3A_1360] {strides = array<i32>} : memref<32x128xf32, #tpu.memory_space<vmem>>, vector<16xf32>,
        %add3A_1362 = arith.addf %add3A_1357, %get3A_1361 : vector<16xf32>
        %get3A_1363 = arith.constant 21 : i32
        %get3A_1364 = arith.index_cast %get3A_1363 : i32 to index
        %get3A_1365 = arith.constant 96 : index
        %get3A_1366 = tpu.vector_load %arg7[%get3A_1364, %get3A_1365] {strides = array<i32>} : memref<32x128xf32, #tpu.memory_space<vmem>>, vector<16xf32>,
        %add3A_1367 = arith.addf %add3A_1362, %get3A_1366 : vector<16xf32>
        %get3A_1368 = arith.constant 22 : i32
        %get3A_1369 = arith.index_cast %get3A_1368 : i32 to index
        %get3A_1370 = arith.constant 96 : index
        %get3A_1371 = tpu.vector_load %arg7[%get3A_1369, %get3A_1370] {strides = array<i32>} : memref<32x128xf32, #tpu.memory_space<vmem>>, vector<16xf32>,
        %add3A_1372 = arith.addf %add3A_1367, %get3A_1371 : vector<16xf32>
        %get3A_1373 = arith.constant 23 : i32
        %get3A_1374 = arith.index_cast %get3A_1373 : i32 to index
        %get3A_1375 = arith.constant 96 : index
        %get3A_1376 = tpu.vector_load %arg7[%get3A_1374, %get3A_1375] {strides = array<i32>} : memref<32x128xf32, #tpu.memory_space<vmem>>, vector<16xf32>,
        %add3A_1377 = arith.addf %add3A_1372, %get3A_1376 : vector<16xf32>
        %get3A_1378 = arith.constant 24 : i32
        %get3A_1379 = arith.index_cast %get3A_1378 : i32 to index
        %get3A_1380 = arith.constant 96 : index
        %get3A_1381 = tpu.vector_load %arg7[%get3A_1379, %get3A_1380] {strides = array<i32>} : memref<32x128xf32, #tpu.memory_space<vmem>>, vector<16xf32>,
        %add3A_1382 = arith.addf %add3A_1377, %get3A_1381 : vector<16xf32>
        %get3A_1383 = arith.constant 25 : i32
        %get3A_1384 = arith.index_cast %get3A_1383 : i32 to index
        %get3A_1385 = arith.constant 96 : index
        %get3A_1386 = tpu.vector_load %arg7[%get3A_1384, %get3A_1385] {strides = array<i32>} : memref<32x128xf32, #tpu.memory_space<vmem>>, vector<16xf32>,
        %add3A_1387 = arith.addf %add3A_1382, %get3A_1386 : vector<16xf32>
        %get3A_1388 = arith.constant 26 : i32
        %get3A_1389 = arith.index_cast %get3A_1388 : i32 to index
        %get3A_1390 = arith.constant 96 : index
        %get3A_1391 = tpu.vector_load %arg7[%get3A_1389, %get3A_1390] {strides = array<i32>} : memref<32x128xf32, #tpu.memory_space<vmem>>, vector<16xf32>,
        %add3A_1392 = arith.addf %add3A_1387, %get3A_1391 : vector<16xf32>
        %get3A_1393 = arith.constant 27 : i32
        %get3A_1394 = arith.index_cast %get3A_1393 : i32 to index
        %get3A_1395 = arith.constant 96 : index
        %get3A_1396 = tpu.vector_load %arg7[%get3A_1394, %get3A_1395] {strides = array<i32>} : memref<32x128xf32, #tpu.memory_space<vmem>>, vector<16xf32>,
        %add3A_1397 = arith.addf %add3A_1392, %get3A_1396 : vector<16xf32>
        %get3A_1398 = arith.constant 28 : i32
        %get3A_1399 = arith.index_cast %get3A_1398 : i32 to index
        %get3A_1400 = arith.constant 96 : index
        %get3A_1401 = tpu.vector_load %arg7[%get3A_1399, %get3A_1400] {strides = array<i32>} : memref<32x128xf32, #tpu.memory_space<vmem>>, vector<16xf32>,
        %add3A_1402 = arith.addf %add3A_1397, %get3A_1401 : vector<16xf32>
        %get3A_1403 = arith.constant 29 : i32
        %get3A_1404 = arith.index_cast %get3A_1403 : i32 to index
        %get3A_1405 = arith.constant 96 : index
        %get3A_1406 = tpu.vector_load %arg7[%get3A_1404, %get3A_1405] {strides = array<i32>} : memref<32x128xf32, #tpu.memory_space<vmem>>, vector<16xf32>,
        %add3A_1407 = arith.addf %add3A_1402, %get3A_1406 : vector<16xf32>
        %get3A_1408 = arith.constant 30 : i32
        %get3A_1409 = arith.index_cast %get3A_1408 : i32 to index
        %get3A_1410 = arith.constant 96 : index
        %get3A_1411 = tpu.vector_load %arg7[%get3A_1409, %get3A_1410] {strides = array<i32>} : memref<32x128xf32, #tpu.memory_space<vmem>>, vector<16xf32>,
        %add3A_1412 = arith.addf %add3A_1407, %get3A_1411 : vector<16xf32>
        %get3A_1413 = arith.constant 31 : i32
        %get3A_1414 = arith.index_cast %get3A_1413 : i32 to index
        %get3A_1415 = arith.constant 96 : index
        %get3A_1416 = tpu.vector_load %arg7[%get3A_1414, %get3A_1415] {strides = array<i32>} : memref<32x128xf32, #tpu.memory_space<vmem>>, vector<16xf32>,
        %add3A_1417 = arith.addf %add3A_1412, %get3A_1416 : vector<16xf32>
        %swap3A_1418 = arith.constant 96 : index
        %swap3A_1419 = tpu.vector_load %arg8[%swap3A_1418] {strides = array<i32>} : memref<128xf32, #tpu.memory_space<vmem>>, vector<16xf32>,
        tpu.vector_store %arg8[%swap3A_1418], %add3A_1417 {strides = array<i32>} : memref<128xf32, #tpu.memory_space<vmem>>, vector<16xf32>,
        %get3A_1420 = arith.constant 112 : index
        %get3A_1421 = tpu.vector_load %arg8[%get3A_1420] {strides = array<i32>} : memref<128xf32, #tpu.memory_space<vmem>>, vector<16xf32>,
        %get3A_1422 = arith.constant 0 : i32
        %get3A_1423 = arith.index_cast %get3A_1422 : i32 to index
        %get3A_1424 = arith.constant 112 : index
        %get3A_1425 = tpu.vector_load %arg7[%get3A_1423, %get3A_1424] {strides = array<i32>} : memref<32x128xf32, #tpu.memory_space<vmem>>, vector<16xf32>,
        %add3A_1426 = arith.addf %get3A_1421, %get3A_1425 : vector<16xf32>
        %get3A_1427 = arith.constant 1 : i32
        %get3A_1428 = arith.index_cast %get3A_1427 : i32 to index
        %get3A_1429 = arith.constant 112 : index
        %get3A_1430 = tpu.vector_load %arg7[%get3A_1428, %get3A_1429] {strides = array<i32>} : memref<32x128xf32, #tpu.memory_space<vmem>>, vector<16xf32>,
        %add3A_1431 = arith.addf %add3A_1426, %get3A_1430 : vector<16xf32>
        %get3A_1432 = arith.constant 2 : i32
        %get3A_1433 = arith.index_cast %get3A_1432 : i32 to index
        %get3A_1434 = arith.constant 112 : index
        %get3A_1435 = tpu.vector_load %arg7[%get3A_1433, %get3A_1434] {strides = array<i32>} : memref<32x128xf32, #tpu.memory_space<vmem>>, vector<16xf32>,
        %add3A_1436 = arith.addf %add3A_1431, %get3A_1435 : vector<16xf32>
        %get3A_1437 = arith.constant 3 : i32
        %get3A_1438 = arith.index_cast %get3A_1437 : i32 to index
        %get3A_1439 = arith.constant 112 : index
        %get3A_1440 = tpu.vector_load %arg7[%get3A_1438, %get3A_1439] {strides = array<i32>} : memref<32x128xf32, #tpu.memory_space<vmem>>, vector<16xf32>,
        %add3A_1441 = arith.addf %add3A_1436, %get3A_1440 : vector<16xf32>
        %get3A_1442 = arith.constant 4 : i32
        %get3A_1443 = arith.index_cast %get3A_1442 : i32 to index
        %get3A_1444 = arith.constant 112 : index
        %get3A_1445 = tpu.vector_load %arg7[%get3A_1443, %get3A_1444] {strides = array<i32>} : memref<32x128xf32, #tpu.memory_space<vmem>>, vector<16xf32>,
        %add3A_1446 = arith.addf %add3A_1441, %get3A_1445 : vector<16xf32>
        %get3A_1447 = arith.constant 5 : i32
        %get3A_1448 = arith.index_cast %get3A_1447 : i32 to index
        %get3A_1449 = arith.constant 112 : index
        %get3A_1450 = tpu.vector_load %arg7[%get3A_1448, %get3A_1449] {strides = array<i32>} : memref<32x128xf32, #tpu.memory_space<vmem>>, vector<16xf32>,
        %add3A_1451 = arith.addf %add3A_1446, %get3A_1450 : vector<16xf32>
        %get3A_1452 = arith.constant 6 : i32
        %get3A_1453 = arith.index_cast %get3A_1452 : i32 to index
        %get3A_1454 = arith.constant 112 : index
        %get3A_1455 = tpu.vector_load %arg7[%get3A_1453, %get3A_1454] {strides = array<i32>} : memref<32x128xf32, #tpu.memory_space<vmem>>, vector<16xf32>,
        %add3A_1456 = arith.addf %add3A_1451, %get3A_1455 : vector<16xf32>
        %get3A_1457 = arith.constant 7 : i32
        %get3A_1458 = arith.index_cast %get3A_1457 : i32 to index
        %get3A_1459 = arith.constant 112 : index
        %get3A_1460 = tpu.vector_load %arg7[%get3A_1458, %get3A_1459] {strides = array<i32>} : memref<32x128xf32, #tpu.memory_space<vmem>>, vector<16xf32>,
        %add3A_1461 = arith.addf %add3A_1456, %get3A_1460 : vector<16xf32>
        %get3A_1462 = arith.constant 8 : i32
        %get3A_1463 = arith.index_cast %get3A_1462 : i32 to index
        %get3A_1464 = arith.constant 112 : index
        %get3A_1465 = tpu.vector_load %arg7[%get3A_1463, %get3A_1464] {strides = array<i32>} : memref<32x128xf32, #tpu.memory_space<vmem>>, vector<16xf32>,
        %add3A_1466 = arith.addf %add3A_1461, %get3A_1465 : vector<16xf32>
        %get3A_1467 = arith.constant 9 : i32
        %get3A_1468 = arith.index_cast %get3A_1467 : i32 to index
        %get3A_1469 = arith.constant 112 : index
        %get3A_1470 = tpu.vector_load %arg7[%get3A_1468, %get3A_1469] {strides = array<i32>} : memref<32x128xf32, #tpu.memory_space<vmem>>, vector<16xf32>,
        %add3A_1471 = arith.addf %add3A_1466, %get3A_1470 : vector<16xf32>
        %get3A_1472 = arith.constant 10 : i32
        %get3A_1473 = arith.index_cast %get3A_1472 : i32 to index
        %get3A_1474 = arith.constant 112 : index
        %get3A_1475 = tpu.vector_load %arg7[%get3A_1473, %get3A_1474] {strides = array<i32>} : memref<32x128xf32, #tpu.memory_space<vmem>>, vector<16xf32>,
        %add3A_1476 = arith.addf %add3A_1471, %get3A_1475 : vector<16xf32>
        %get3A_1477 = arith.constant 11 : i32
        %get3A_1478 = arith.index_cast %get3A_1477 : i32 to index
        %get3A_1479 = arith.constant 112 : index
        %get3A_1480 = tpu.vector_load %arg7[%get3A_1478, %get3A_1479] {strides = array<i32>} : memref<32x128xf32, #tpu.memory_space<vmem>>, vector<16xf32>,
        %add3A_1481 = arith.addf %add3A_1476, %get3A_1480 : vector<16xf32>
        %get3A_1482 = arith.constant 12 : i32
        %get3A_1483 = arith.index_cast %get3A_1482 : i32 to index
        %get3A_1484 = arith.constant 112 : index
        %get3A_1485 = tpu.vector_load %arg7[%get3A_1483, %get3A_1484] {strides = array<i32>} : memref<32x128xf32, #tpu.memory_space<vmem>>, vector<16xf32>,
        %add3A_1486 = arith.addf %add3A_1481, %get3A_1485 : vector<16xf32>
        %get3A_1487 = arith.constant 13 : i32
        %get3A_1488 = arith.index_cast %get3A_1487 : i32 to index
        %get3A_1489 = arith.constant 112 : index
        %get3A_1490 = tpu.vector_load %arg7[%get3A_1488, %get3A_1489] {strides = array<i32>} : memref<32x128xf32, #tpu.memory_space<vmem>>, vector<16xf32>,
        %add3A_1491 = arith.addf %add3A_1486, %get3A_1490 : vector<16xf32>
        %get3A_1492 = arith.constant 14 : i32
        %get3A_1493 = arith.index_cast %get3A_1492 : i32 to index
        %get3A_1494 = arith.constant 112 : index
        %get3A_1495 = tpu.vector_load %arg7[%get3A_1493, %get3A_1494] {strides = array<i32>} : memref<32x128xf32, #tpu.memory_space<vmem>>, vector<16xf32>,
        %add3A_1496 = arith.addf %add3A_1491, %get3A_1495 : vector<16xf32>
        %get3A_1497 = arith.constant 15 : i32
        %get3A_1498 = arith.index_cast %get3A_1497 : i32 to index
        %get3A_1499 = arith.constant 112 : index
        %get3A_1500 = tpu.vector_load %arg7[%get3A_1498, %get3A_1499] {strides = array<i32>} : memref<32x128xf32, #tpu.memory_space<vmem>>, vector<16xf32>,
        %add3A_1501 = arith.addf %add3A_1496, %get3A_1500 : vector<16xf32>
        %get3A_1502 = arith.constant 16 : i32
        %get3A_1503 = arith.index_cast %get3A_1502 : i32 to index
        %get3A_1504 = arith.constant 112 : index
        %get3A_1505 = tpu.vector_load %arg7[%get3A_1503, %get3A_1504] {strides = array<i32>} : memref<32x128xf32, #tpu.memory_space<vmem>>, vector<16xf32>,
        %add3A_1506 = arith.addf %add3A_1501, %get3A_1505 : vector<16xf32>
        %get3A_1507 = arith.constant 17 : i32
        %get3A_1508 = arith.index_cast %get3A_1507 : i32 to index
        %get3A_1509 = arith.constant 112 : index
        %get3A_1510 = tpu.vector_load %arg7[%get3A_1508, %get3A_1509] {strides = array<i32>} : memref<32x128xf32, #tpu.memory_space<vmem>>, vector<16xf32>,
        %add3A_1511 = arith.addf %add3A_1506, %get3A_1510 : vector<16xf32>
        %get3A_1512 = arith.constant 18 : i32
        %get3A_1513 = arith.index_cast %get3A_1512 : i32 to index
        %get3A_1514 = arith.constant 112 : index
        %get3A_1515 = tpu.vector_load %arg7[%get3A_1513, %get3A_1514] {strides = array<i32>} : memref<32x128xf32, #tpu.memory_space<vmem>>, vector<16xf32>,
        %add3A_1516 = arith.addf %add3A_1511, %get3A_1515 : vector<16xf32>
        %get3A_1517 = arith.constant 19 : i32
        %get3A_1518 = arith.index_cast %get3A_1517 : i32 to index
        %get3A_1519 = arith.constant 112 : index
        %get3A_1520 = tpu.vector_load %arg7[%get3A_1518, %get3A_1519] {strides = array<i32>} : memref<32x128xf32, #tpu.memory_space<vmem>>, vector<16xf32>,
        %add3A_1521 = arith.addf %add3A_1516, %get3A_1520 : vector<16xf32>
        %get3A_1522 = arith.constant 20 : i32
        %get3A_1523 = arith.index_cast %get3A_1522 : i32 to index
        %get3A_1524 = arith.constant 112 : index
        %get3A_1525 = tpu.vector_load %arg7[%get3A_1523, %get3A_1524] {strides = array<i32>} : memref<32x128xf32, #tpu.memory_space<vmem>>, vector<16xf32>,
        %add3A_1526 = arith.addf %add3A_1521, %get3A_1525 : vector<16xf32>
        %get3A_1527 = arith.constant 21 : i32
        %get3A_1528 = arith.index_cast %get3A_1527 : i32 to index
        %get3A_1529 = arith.constant 112 : index
        %get3A_1530 = tpu.vector_load %arg7[%get3A_1528, %get3A_1529] {strides = array<i32>} : memref<32x128xf32, #tpu.memory_space<vmem>>, vector<16xf32>,
        %add3A_1531 = arith.addf %add3A_1526, %get3A_1530 : vector<16xf32>
        %get3A_1532 = arith.constant 22 : i32
        %get3A_1533 = arith.index_cast %get3A_1532 : i32 to index
        %get3A_1534 = arith.constant 112 : index
        %get3A_1535 = tpu.vector_load %arg7[%get3A_1533, %get3A_1534] {strides = array<i32>} : memref<32x128xf32, #tpu.memory_space<vmem>>, vector<16xf32>,
        %add3A_1536 = arith.addf %add3A_1531, %get3A_1535 : vector<16xf32>
        %get3A_1537 = arith.constant 23 : i32
        %get3A_1538 = arith.index_cast %get3A_1537 : i32 to index
        %get3A_1539 = arith.constant 112 : index
        %get3A_1540 = tpu.vector_load %arg7[%get3A_1538, %get3A_1539] {strides = array<i32>} : memref<32x128xf32, #tpu.memory_space<vmem>>, vector<16xf32>,
        %add3A_1541 = arith.addf %add3A_1536, %get3A_1540 : vector<16xf32>
        %get3A_1542 = arith.constant 24 : i32
        %get3A_1543 = arith.index_cast %get3A_1542 : i32 to index
        %get3A_1544 = arith.constant 112 : index
        %get3A_1545 = tpu.vector_load %arg7[%get3A_1543, %get3A_1544] {strides = array<i32>} : memref<32x128xf32, #tpu.memory_space<vmem>>, vector<16xf32>,
        %add3A_1546 = arith.addf %add3A_1541, %get3A_1545 : vector<16xf32>
        %get3A_1547 = arith.constant 25 : i32
        %get3A_1548 = arith.index_cast %get3A_1547 : i32 to index
        %get3A_1549 = arith.constant 112 : index
        %get3A_1550 = tpu.vector_load %arg7[%get3A_1548, %get3A_1549] {strides = array<i32>} : memref<32x128xf32, #tpu.memory_space<vmem>>, vector<16xf32>,
        %add3A_1551 = arith.addf %add3A_1546, %get3A_1550 : vector<16xf32>
        %get3A_1552 = arith.constant 26 : i32
        %get3A_1553 = arith.index_cast %get3A_1552 : i32 to index
        %get3A_1554 = arith.constant 112 : index
        %get3A_1555 = tpu.vector_load %arg7[%get3A_1553, %get3A_1554] {strides = array<i32>} : memref<32x128xf32, #tpu.memory_space<vmem>>, vector<16xf32>,
        %add3A_1556 = arith.addf %add3A_1551, %get3A_1555 : vector<16xf32>
        %get3A_1557 = arith.constant 27 : i32
        %get3A_1558 = arith.index_cast %get3A_1557 : i32 to index
        %get3A_1559 = arith.constant 112 : index
        %get3A_1560 = tpu.vector_load %arg7[%get3A_1558, %get3A_1559] {strides = array<i32>} : memref<32x128xf32, #tpu.memory_space<vmem>>, vector<16xf32>,
        %add3A_1561 = arith.addf %add3A_1556, %get3A_1560 : vector<16xf32>
        %get3A_1562 = arith.constant 28 : i32
        %get3A_1563 = arith.index_cast %get3A_1562 : i32 to index
        %get3A_1564 = arith.constant 112 : index
        %get3A_1565 = tpu.vector_load %arg7[%get3A_1563, %get3A_1564] {strides = array<i32>} : memref<32x128xf32, #tpu.memory_space<vmem>>, vector<16xf32>,
        %add3A_1566 = arith.addf %add3A_1561, %get3A_1565 : vector<16xf32>
        %get3A_1567 = arith.constant 29 : i32
        %get3A_1568 = arith.index_cast %get3A_1567 : i32 to index
        %get3A_1569 = arith.constant 112 : index
        %get3A_1570 = tpu.vector_load %arg7[%get3A_1568, %get3A_1569] {strides = array<i32>} : memref<32x128xf32, #tpu.memory_space<vmem>>, vector<16xf32>,
        %add3A_1571 = arith.addf %add3A_1566, %get3A_1570 : vector<16xf32>
        %get3A_1572 = arith.constant 30 : i32
        %get3A_1573 = arith.index_cast %get3A_1572 : i32 to index
        %get3A_1574 = arith.constant 112 : index
        %get3A_1575 = tpu.vector_load %arg7[%get3A_1573, %get3A_1574] {strides = array<i32>} : memref<32x128xf32, #tpu.memory_space<vmem>>, vector<16xf32>,
        %add3A_1576 = arith.addf %add3A_1571, %get3A_1575 : vector<16xf32>
        %get3A_1577 = arith.constant 31 : i32
        %get3A_1578 = arith.index_cast %get3A_1577 : i32 to index
        %get3A_1579 = arith.constant 112 : index
        %get3A_1580 = tpu.vector_load %arg7[%get3A_1578, %get3A_1579] {strides = array<i32>} : memref<32x128xf32, #tpu.memory_space<vmem>>, vector<16xf32>,
        %add3A_1581 = arith.addf %add3A_1576, %get3A_1580 : vector<16xf32>
        %swap3A_1582 = arith.constant 112 : index
        %swap3A_1583 = tpu.vector_load %arg8[%swap3A_1582] {strides = array<i32>} : memref<128xf32, #tpu.memory_space<vmem>>, vector<16xf32>,
        tpu.vector_store %arg8[%swap3A_1582], %add3A_1581 {strides = array<i32>} : memref<128xf32, #tpu.memory_space<vmem>>, vector<16xf32>,
        %while3A_1584 = arith.constant 0 : i32
        scf.yield %while3A_1584 : i32
      }
      %convert_element_type3A_157 = arith.sitofp %squeeze3A : i32 to f32
      %broadcast_in_dim3A_158 = vector.broadcast %convert_element_type3A_157 : f32 to vector<16xf32>
      %max3A = arith.constant 1.000000e+00 : f32
      %max3A_159 = vector.broadcast %max3A : f32 to vector<16xf32>
      %max3A_160 = arith.maximumf %broadcast_in_dim3A_158, %max3A_159 : vector<16xf32>
      %div3A_161 = arith.constant 1.000000e+00 : f32
      %div3A_162 = vector.broadcast %div3A_161 : f32 to vector<16xf32>
      %div3A_163 = arith.divf %div3A_162, %max3A_160 : vector<16xf32>
      %get3A = arith.constant 0 : index
      %get3A_164 = tpu.vector_load %arg8[%get3A] {strides = array<i32>} : memref<128xf32, #tpu.memory_space<vmem>>, vector<16xf32>,
      %mul3A_165 = arith.mulf %get3A_164, %div3A_163 : vector<16xf32>
      %mul3A_166 = arith.constant 128 : i32
      %mul3A_167 = arith.muli %scan3A_82, %mul3A_166 : i32
      %add3A_168 = arith.constant 0 : i32
      %add3A_169 = arith.addi %mul3A_167, %add3A_168 : i32
      %swap3A_170 = arith.index_cast %add3A_169 : i32 to index
      %swap3A_171 = tpu.vector_load %arg9[%swap3A_170] {strides = array<i32>} : memref<6400xf32, #tpu.memory_space<vmem>>, vector<16xf32>,
      tpu.vector_store %arg9[%swap3A_170], %mul3A_165 {strides = array<i32>} : memref<6400xf32, #tpu.memory_space<vmem>>, vector<16xf32>,
      %get3A_172 = arith.constant 16 : index
      %get3A_173 = tpu.vector_load %arg8[%get3A_172] {strides = array<i32>} : memref<128xf32, #tpu.memory_space<vmem>>, vector<16xf32>,
      %mul3A_174 = arith.mulf %get3A_173, %div3A_163 : vector<16xf32>
      %mul3A_175 = arith.constant 128 : i32
      %mul3A_176 = arith.muli %scan3A_82, %mul3A_175 : i32
      %add3A_177 = arith.constant 16 : i32
      %add3A_178 = arith.addi %mul3A_176, %add3A_177 : i32
      %swap3A_179 = arith.index_cast %add3A_178 : i32 to index
      %swap3A_180 = tpu.vector_load %arg9[%swap3A_179] {strides = array<i32>} : memref<6400xf32, #tpu.memory_space<vmem>>, vector<16xf32>,
      tpu.vector_store %arg9[%swap3A_179], %mul3A_174 {strides = array<i32>} : memref<6400xf32, #tpu.memory_space<vmem>>, vector<16xf32>,
      %get3A_181 = arith.constant 32 : index
      %get3A_182 = tpu.vector_load %arg8[%get3A_181] {strides = array<i32>} : memref<128xf32, #tpu.memory_space<vmem>>, vector<16xf32>,
      %mul3A_183 = arith.mulf %get3A_182, %div3A_163 : vector<16xf32>
      %mul3A_184 = arith.constant 128 : i32
      %mul3A_185 = arith.muli %scan3A_82, %mul3A_184 : i32
      %add3A_186 = arith.constant 32 : i32
      %add3A_187 = arith.addi %mul3A_185, %add3A_186 : i32
      %swap3A_188 = arith.index_cast %add3A_187 : i32 to index
      %swap3A_189 = tpu.vector_load %arg9[%swap3A_188] {strides = array<i32>} : memref<6400xf32, #tpu.memory_space<vmem>>, vector<16xf32>,
      tpu.vector_store %arg9[%swap3A_188], %mul3A_183 {strides = array<i32>} : memref<6400xf32, #tpu.memory_space<vmem>>, vector<16xf32>,
      %get3A_190 = arith.constant 48 : index
      %get3A_191 = tpu.vector_load %arg8[%get3A_190] {strides = array<i32>} : memref<128xf32, #tpu.memory_space<vmem>>, vector<16xf32>,
      %mul3A_192 = arith.mulf %get3A_191, %div3A_163 : vector<16xf32>
      %mul3A_193 = arith.constant 128 : i32
      %mul3A_194 = arith.muli %scan3A_82, %mul3A_193 : i32
      %add3A_195 = arith.constant 48 : i32
      %add3A_196 = arith.addi %mul3A_194, %add3A_195 : i32
      %swap3A_197 = arith.index_cast %add3A_196 : i32 to index
      %swap3A_198 = tpu.vector_load %arg9[%swap3A_197] {strides = array<i32>} : memref<6400xf32, #tpu.memory_space<vmem>>, vector<16xf32>,
      tpu.vector_store %arg9[%swap3A_197], %mul3A_192 {strides = array<i32>} : memref<6400xf32, #tpu.memory_space<vmem>>, vector<16xf32>,
      %get3A_199 = arith.constant 64 : index
      %get3A_200 = tpu.vector_load %arg8[%get3A_199] {strides = array<i32>} : memref<128xf32, #tpu.memory_space<vmem>>, vector<16xf32>,
      %mul3A_201 = arith.mulf %get3A_200, %div3A_163 : vector<16xf32>
      %mul3A_202 = arith.constant 128 : i32
      %mul3A_203 = arith.muli %scan3A_82, %mul3A_202 : i32
      %add3A_204 = arith.constant 64 : i32
      %add3A_205 = arith.addi %mul3A_203, %add3A_204 : i32
      %swap3A_206 = arith.index_cast %add3A_205 : i32 to index
      %swap3A_207 = tpu.vector_load %arg9[%swap3A_206] {strides = array<i32>} : memref<6400xf32, #tpu.memory_space<vmem>>, vector<16xf32>,
      tpu.vector_store %arg9[%swap3A_206], %mul3A_201 {strides = array<i32>} : memref<6400xf32, #tpu.memory_space<vmem>>, vector<16xf32>,
      %get3A_208 = arith.constant 80 : index
      %get3A_209 = tpu.vector_load %arg8[%get3A_208] {strides = array<i32>} : memref<128xf32, #tpu.memory_space<vmem>>, vector<16xf32>,
      %mul3A_210 = arith.mulf %get3A_209, %div3A_163 : vector<16xf32>
      %mul3A_211 = arith.constant 128 : i32
      %mul3A_212 = arith.muli %scan3A_82, %mul3A_211 : i32
      %add3A_213 = arith.constant 80 : i32
      %add3A_214 = arith.addi %mul3A_212, %add3A_213 : i32
      %swap3A_215 = arith.index_cast %add3A_214 : i32 to index
      %swap3A_216 = tpu.vector_load %arg9[%swap3A_215] {strides = array<i32>} : memref<6400xf32, #tpu.memory_space<vmem>>, vector<16xf32>,
      tpu.vector_store %arg9[%swap3A_215], %mul3A_210 {strides = array<i32>} : memref<6400xf32, #tpu.memory_space<vmem>>, vector<16xf32>,
      %get3A_217 = arith.constant 96 : index
      %get3A_218 = tpu.vector_load %arg8[%get3A_217] {strides = array<i32>} : memref<128xf32, #tpu.memory_space<vmem>>, vector<16xf32>,
      %mul3A_219 = arith.mulf %get3A_218, %div3A_163 : vector<16xf32>
      %mul3A_220 = arith.constant 128 : i32
      %mul3A_221 = arith.muli %scan3A_82, %mul3A_220 : i32
      %add3A_222 = arith.constant 96 : i32
      %add3A_223 = arith.addi %mul3A_221, %add3A_222 : i32
      %swap3A_224 = arith.index_cast %add3A_223 : i32 to index
      %swap3A_225 = tpu.vector_load %arg9[%swap3A_224] {strides = array<i32>} : memref<6400xf32, #tpu.memory_space<vmem>>, vector<16xf32>,
      tpu.vector_store %arg9[%swap3A_224], %mul3A_219 {strides = array<i32>} : memref<6400xf32, #tpu.memory_space<vmem>>, vector<16xf32>,
      %get3A_226 = arith.constant 112 : index
      %get3A_227 = tpu.vector_load %arg8[%get3A_226] {strides = array<i32>} : memref<128xf32, #tpu.memory_space<vmem>>, vector<16xf32>,
      %mul3A_228 = arith.mulf %get3A_227, %div3A_163 : vector<16xf32>
      %mul3A_229 = arith.constant 128 : i32
      %mul3A_230 = arith.muli %scan3A_82, %mul3A_229 : i32
      %add3A_231 = arith.constant 112 : i32
      %add3A_232 = arith.addi %mul3A_230, %add3A_231 : i32
      %swap3A_233 = arith.index_cast %add3A_232 : i32 to index
      %swap3A_234 = tpu.vector_load %arg9[%swap3A_233] {strides = array<i32>} : memref<6400xf32, #tpu.memory_space<vmem>>, vector<16xf32>,
      tpu.vector_store %arg9[%swap3A_233], %mul3A_228 {strides = array<i32>} : memref<6400xf32, #tpu.memory_space<vmem>>, vector<16xf32>,
      %scan3A_235 = arith.constant 0 : i32
      scf.yield %scan3A_235 : i32
    }
    %scan3A_79 = arith.constant 50 : i32
    %mul3A_80 = arith.constant 128 : i32
    %mul3A_81 = arith.muli %mul3A_2, %mul3A_80 : i32
    "tpu.region"() ({
      %run_scoped3A = tpu.sem_alloc : memref<!tpu.dma_semaphore, #tpu.memory_space<semaphore_mem>>
      %dma_start3A_82 = tpu.memref_slice %arg4[%mul3A_81] : memref<204800xf32, #tpu.memory_space<hbm>> -> memref<6400xf32, #tpu.memory_space<hbm>>
      %dma_start3A_83 = tpu.memref_slice %arg4[%mul3A_81] : memref<204800xf32, #tpu.memory_space<hbm>> -> memref<6400xf32, #tpu.memory_space<hbm>>
      tpu.enqueue_dma source(%arg9 : memref<6400xf32, #tpu.memory_space<vmem>>) target(%dma_start3A_83 : memref<6400xf32, #tpu.memory_space<hbm>>) target_semaphore(%run_scoped3A : memref<!tpu.dma_semaphore, #tpu.memory_space<semaphore_mem>>)
      %dma_wait3A = tpu.memref_slice %arg4[%mul3A_81] : memref<204800xf32, #tpu.memory_space<hbm>> -> memref<6400xf32, #tpu.memory_space<hbm>>
      %dma_wait3A_84 = tpu.memref_slice %arg4[%mul3A_81] : memref<204800xf32, #tpu.memory_space<hbm>> -> memref<6400xf32, #tpu.memory_space<hbm>>
      tpu.wait_dma2 semaphore(%run_scoped3A : memref<!tpu.dma_semaphore, #tpu.memory_space<semaphore_mem>>) src(%arg9 : memref<6400xf32, #tpu.memory_space<vmem>>) dst(%dma_wait3A_84 : memref<6400xf32, #tpu.memory_space<hbm>>)
      tpu.yield
    }) : () -> ()
    return
  }
}

module attributes {stable_mosaic.version = 14 : i64} {
  func.func @_agg_body(%arg0: i32, %arg1: memref<10016x128xf32, #tpu.memory_space<vmem>>, %arg2: memref<400x10000xf32, #tpu.memory_space<vmem>>, %arg3: memref<400x128xf32, #tpu.memory_space<vmem>>) attributes {dimension_semantics = [#tpu.dimension_semantics<arbitrary>], iteration_bounds = array<i64: 21>, scalar_prefetch = 0 : i64, scratch_operands = 0 : i64, tpu.core_type = #tpu.core_type<tc>, window_params = [{pipeline_mode = #tpu.pipeline_mode<synchronous>, transform_indices = @transform_0, window_bounds = array<i64: 10016, 128>}, {transform_indices = @transform_1, window_bounds = array<i64: 400, 10000>}, {transform_indices = @transform_2, window_bounds = array<i64: 400, 128>}]} {
    %get3A = arith.constant 0 : index
    %get3A_0 = arith.constant 0 : index
    %get3A_1 = vector.load %arg2[%get3A, %get3A_0] : memref<400x10000xf32, #tpu.memory_space<vmem>>, vector<400x10000xf32>
    %get3A_2 = arith.constant 0 : index
    %get3A_3 = arith.constant 0 : index
    %get3A_4 = vector.load %arg1[%get3A_2, %get3A_3] : memref<10016x128xf32, #tpu.memory_space<vmem>>, vector<10000x128xf32>
    %dot_general3A = arith.constant dense<0.000000e+00> : vector<400x128xf32>
    %dot_general3A_5 = tpu.matmul %get3A_1, %get3A_4, %dot_general3A {dimension_numbers = #tpu.dot_dimension_numbers<[1], [0], [0], [1], [0, 0, 1, 1], [], []>, transpose_lhs_hint = false} : vector<400x10000xf32>, vector<10000x128xf32>, vector<400x128xf32> -> vector<400x128xf32>
    %mul3A = arith.mulf %dot_general3A_5, %dot_general3A_5 : vector<400x128xf32>
    %reduce_sum3A = arith.constant dense<0.000000e+00> : vector<400xf32>
    %reduce_sum3A_6 = vector.multi_reduction <add>, %mul3A, %reduce_sum3A [1] : vector<400x128xf32> to vector<400xf32>
    %broadcast_in_dim3A = vector.shape_cast %reduce_sum3A_6 : vector<400xf32> to vector<400x1xf32>
    %sqrt3A = math.sqrt %broadcast_in_dim3A : vector<400x1xf32>
    %max3A = arith.constant 1.000000e-15 : f32
    %max3A_7 = vector.broadcast %max3A : f32 to vector<400x1xf32>
    %max3A_8 = arith.maximumf %sqrt3A, %max3A_7 : vector<400x1xf32>
    %tanh3A = math.tanh %max3A_8 : vector<400x1xf32>
    %mul3A_9 = vector.broadcast %tanh3A : vector<400x1xf32> to vector<400x128xf32>
    %mul3A_10 = arith.mulf %mul3A_9, %dot_general3A_5 : vector<400x128xf32>
    %div3A = vector.broadcast %max3A_8 : vector<400x1xf32> to vector<400x128xf32>
    %div3A_11 = arith.divf %mul3A_10, %div3A : vector<400x128xf32>
    %mul3A_12 = arith.mulf %div3A_11, %div3A_11 : vector<400x128xf32>
    %reduce_sum3A_13 = arith.constant dense<0.000000e+00> : vector<400xf32>
    %reduce_sum3A_14 = vector.multi_reduction <add>, %mul3A_12, %reduce_sum3A_13 [1] : vector<400x128xf32> to vector<400xf32>
    %broadcast_in_dim3A_15 = vector.shape_cast %reduce_sum3A_14 : vector<400xf32> to vector<400x1xf32>
    %sqrt3A_16 = math.sqrt %broadcast_in_dim3A_15 : vector<400x1xf32>
    %max3A_17 = arith.constant 1.000000e-15 : f32
    %max3A_18 = vector.broadcast %max3A_17 : f32 to vector<400x1xf32>
    %max3A_19 = arith.maximumf %sqrt3A_16, %max3A_18 : vector<400x1xf32>
    %gt3A = arith.constant 0.995999991 : f32
    %gt3A_20 = vector.broadcast %gt3A : f32 to vector<400x1xf32>
    %gt3A_21 = arith.cmpf ogt, %max3A_19, %gt3A_20 : vector<400x1xf32>
    %div3A_22 = vector.broadcast %max3A_19 : vector<400x1xf32> to vector<400x128xf32>
    %div3A_23 = arith.divf %div3A_11, %div3A_22 : vector<400x128xf32>
    %mul3A_24 = arith.constant 0.995999991 : f32
    %mul3A_25 = vector.broadcast %mul3A_24 : f32 to vector<400x128xf32>
    %mul3A_26 = arith.mulf %div3A_23, %mul3A_25 : vector<400x128xf32>
    %broadcast_in_dim3A_27 = vector.shape_cast %gt3A_21 : vector<400x1xi1> to vector<400x1xi1>
    %broadcast_in_dim3A_28 = vector.broadcast %broadcast_in_dim3A_27 : vector<400x1xi1> to vector<400x128xi1>
    %select_n3A = arith.select %broadcast_in_dim3A_28, %mul3A_26, %div3A_11 : vector<400x128xi1>, vector<400x128xf32>
    %swap3A = arith.constant 0 : index
    %swap3A_29 = arith.constant 0 : index
    %swap3A_30 = vector.load %arg3[%swap3A, %swap3A_29] : memref<400x128xf32, #tpu.memory_space<vmem>>, vector<400x128xf32>
    tpu.vector_store %arg3[%swap3A, %swap3A_29], %select_n3A {strides = array<i32>} : memref<400x128xf32, #tpu.memory_space<vmem>>, vector<400x128xf32>,
    return
  }
  func.func @transform_0(%arg0: i32) -> (i32, i32) {
    %c0_i32 = arith.constant 0 : i32
    %c0_i32_0 = arith.constant 0 : i32
    %c0_i32_1 = arith.constant 0 : i32
    return %c0_i32, %c0_i32_0 : i32, i32
  }
  func.func @transform_1(%arg0: i32) -> (i32, i32) {
    %add3A = arith.constant 4 : i32
    %add3A_0 = arith.addi %arg0, %add3A : i32
    %c0_i32 = arith.constant 0 : i32
    %c0_i32_1 = arith.constant 0 : i32
    return %add3A_0, %c0_i32 : i32, i32
  }
  func.func @transform_2(%arg0: i32) -> (i32, i32) {
    %c0_i32 = arith.constant 0 : i32
    %c0_i32_0 = arith.constant 0 : i32
    return %arg0, %c0_i32 : i32, i32
  }
}

module attributes {stable_mosaic.version = 14 : i64} {
  func.func @_tangent_body(%arg0: i32, %arg1: memref<10000x128xf32, #tpu.memory_space<vmem>>, %arg2: memref<10016x128xf32, #tpu.memory_space<vmem>>) attributes {dimension_semantics = [#tpu.dimension_semantics<arbitrary>], iteration_bounds = array<i64: 1>, scalar_prefetch = 0 : i64, scratch_operands = 0 : i64, tpu.core_type = #tpu.core_type<tc>, window_params = [{pipeline_mode = #tpu.pipeline_mode<synchronous>, transform_indices = @transform_0, window_bounds = array<i64: 10000, 128>}, {pipeline_mode = #tpu.pipeline_mode<synchronous>, transform_indices = @transform_1, window_bounds = array<i64: 10016, 128>}]} {
    %get3A = arith.constant 0 : index
    %get3A_0 = arith.constant 0 : index
    %get3A_1 = vector.load %arg1[%get3A, %get3A_0] : memref<10000x128xf32, #tpu.memory_space<vmem>>, vector<10000x128xf32>
    %mul3A = arith.mulf %get3A_1, %get3A_1 : vector<10000x128xf32>
    %reduce_sum3A = arith.constant dense<0.000000e+00> : vector<10000xf32>
    %reduce_sum3A_2 = vector.multi_reduction <add>, %mul3A, %reduce_sum3A [1] : vector<10000x128xf32> to vector<10000xf32>
    %broadcast_in_dim3A = vector.shape_cast %reduce_sum3A_2 : vector<10000xf32> to vector<10000x1xf32>
    %sqrt3A = math.sqrt %broadcast_in_dim3A : vector<10000x1xf32>
    %max3A = arith.constant 1.000000e-15 : f32
    %max3A_3 = vector.broadcast %max3A : f32 to vector<10000x1xf32>
    %max3A_4 = arith.maximumf %sqrt3A, %max3A_3 : vector<10000x1xf32>
    %div3A = vector.broadcast %max3A_4 : vector<10000x1xf32> to vector<10000x128xf32>
    %div3A_5 = arith.divf %get3A_1, %div3A : vector<10000x128xf32>
    %jit3A = arith.constant -0.99999988 : f32
    %jit3A_6 = arith.constant 0.99999988 : f32
    %max3A_7 = vector.broadcast %jit3A : f32 to vector<10000x1xf32>
    %max3A_8 = arith.maximumf %max3A_7, %max3A_4 : vector<10000x1xf32>
    %min3A = vector.broadcast %jit3A_6 : f32 to vector<10000x1xf32>
    %min3A_9 = arith.minimumf %min3A, %max3A_8 : vector<10000x1xf32>
    %log1p3A = math.log1p %min3A_9 : vector<10000x1xf32>
    %neg3A = arith.constant 0.000000e+00 : f32
    %neg3A_10 = vector.broadcast %neg3A : f32 to vector<10000x1xf32>
    %neg3A_11 = arith.subf %neg3A_10, %min3A_9 : vector<10000x1xf32>
    %log1p3A_12 = math.log1p %neg3A_11 : vector<10000x1xf32>
    %sub3A = arith.subf %log1p3A, %log1p3A_12 : vector<10000x1xf32>
    %mul3A_13 = arith.constant 5.000000e-01 : f32
    %mul3A_14 = vector.broadcast %mul3A_13 : f32 to vector<10000x1xf32>
    %mul3A_15 = arith.mulf %mul3A_14, %sub3A : vector<10000x1xf32>
    %mul3A_16 = vector.broadcast %mul3A_15 : vector<10000x1xf32> to vector<10000x128xf32>
    %mul3A_17 = arith.mulf %div3A_5, %mul3A_16 : vector<10000x128xf32>
    %swap3A = arith.constant 0 : index
    %swap3A_18 = arith.constant 0 : index
    %swap3A_19 = vector.load %arg2[%swap3A, %swap3A_18] : memref<10016x128xf32, #tpu.memory_space<vmem>>, vector<10000x128xf32>
    tpu.vector_store %arg2[%swap3A, %swap3A_18], %mul3A_17 {strides = array<i32>} : memref<10016x128xf32, #tpu.memory_space<vmem>>, vector<10000x128xf32>,
    %broadcast_in_dim3A_20 = arith.constant 0.000000e+00 : f32
    %broadcast_in_dim3A_21 = vector.broadcast %broadcast_in_dim3A_20 : f32 to vector<16x128xf32>
    %swap3A_22 = arith.constant 10000 : index
    %swap3A_23 = arith.constant 0 : index
    %swap3A_24 = vector.load %arg2[%swap3A_22, %swap3A_23] : memref<10016x128xf32, #tpu.memory_space<vmem>>, vector<16x128xf32>
    tpu.vector_store %arg2[%swap3A_22, %swap3A_23], %broadcast_in_dim3A_21 {strides = array<i32>} : memref<10016x128xf32, #tpu.memory_space<vmem>>, vector<16x128xf32>,
    return
  }
  func.func @transform_0(%arg0: i32) -> (i32, i32) {
    %c0_i32 = arith.constant 0 : i32
    %c0_i32_0 = arith.constant 0 : i32
    %c0_i32_1 = arith.constant 0 : i32
    return %c0_i32, %c0_i32_0 : i32, i32
  }
  func.func @transform_1(%arg0: i32) -> (i32, i32) {
    %c0_i32 = arith.constant 0 : i32
    %c0_i32_0 = arith.constant 0 : i32
    %c0_i32_1 = arith.constant 0 : i32
    return %c0_i32, %c0_i32_0 : i32, i32
  }
}

module attributes {stable_mosaic.version = 14 : i64} {
  func.func @_epi_body(%arg0: i32, %arg1: memref<400x128xf32, #tpu.memory_space<vmem>>, %arg2: memref<400x128xf32, #tpu.memory_space<vmem>>) attributes {dimension_semantics = [#tpu.dimension_semantics<arbitrary>], iteration_bounds = array<i64: 4>, scalar_prefetch = 0 : i64, scratch_operands = 0 : i64, tpu.core_type = #tpu.core_type<tc>, window_params = [{transform_indices = @transform_0, window_bounds = array<i64: 400, 128>}, {transform_indices = @transform_1, window_bounds = array<i64: 400, 128>}]} {
    %get3A = arith.constant 0 : index
    %get3A_0 = arith.constant 0 : index
    %get3A_1 = vector.load %arg1[%get3A, %get3A_0] : memref<400x128xf32, #tpu.memory_space<vmem>>, vector<400x128xf32>
    %mul3A = arith.mulf %get3A_1, %get3A_1 : vector<400x128xf32>
    %reduce_sum3A = arith.constant dense<0.000000e+00> : vector<400xf32>
    %reduce_sum3A_2 = vector.multi_reduction <add>, %mul3A, %reduce_sum3A [1] : vector<400x128xf32> to vector<400xf32>
    %broadcast_in_dim3A = vector.shape_cast %reduce_sum3A_2 : vector<400xf32> to vector<400x1xf32>
    %sqrt3A = math.sqrt %broadcast_in_dim3A : vector<400x1xf32>
    %max3A = arith.constant 1.000000e-15 : f32
    %max3A_3 = vector.broadcast %max3A : f32 to vector<400x1xf32>
    %max3A_4 = arith.maximumf %sqrt3A, %max3A_3 : vector<400x1xf32>
    %tanh3A = math.tanh %max3A_4 : vector<400x1xf32>
    %mul3A_5 = vector.broadcast %tanh3A : vector<400x1xf32> to vector<400x128xf32>
    %mul3A_6 = arith.mulf %mul3A_5, %get3A_1 : vector<400x128xf32>
    %div3A = vector.broadcast %max3A_4 : vector<400x1xf32> to vector<400x128xf32>
    %div3A_7 = arith.divf %mul3A_6, %div3A : vector<400x128xf32>
    %mul3A_8 = arith.mulf %div3A_7, %div3A_7 : vector<400x128xf32>
    %reduce_sum3A_9 = arith.constant dense<0.000000e+00> : vector<400xf32>
    %reduce_sum3A_10 = vector.multi_reduction <add>, %mul3A_8, %reduce_sum3A_9 [1] : vector<400x128xf32> to vector<400xf32>
    %broadcast_in_dim3A_11 = vector.shape_cast %reduce_sum3A_10 : vector<400xf32> to vector<400x1xf32>
    %sqrt3A_12 = math.sqrt %broadcast_in_dim3A_11 : vector<400x1xf32>
    %max3A_13 = arith.constant 1.000000e-15 : f32
    %max3A_14 = vector.broadcast %max3A_13 : f32 to vector<400x1xf32>
    %max3A_15 = arith.maximumf %sqrt3A_12, %max3A_14 : vector<400x1xf32>
    %gt3A = arith.constant 0.995999991 : f32
    %gt3A_16 = vector.broadcast %gt3A : f32 to vector<400x1xf32>
    %gt3A_17 = arith.cmpf ogt, %max3A_15, %gt3A_16 : vector<400x1xf32>
    %div3A_18 = vector.broadcast %max3A_15 : vector<400x1xf32> to vector<400x128xf32>
    %div3A_19 = arith.divf %div3A_7, %div3A_18 : vector<400x128xf32>
    %mul3A_20 = arith.constant 0.995999991 : f32
    %mul3A_21 = vector.broadcast %mul3A_20 : f32 to vector<400x128xf32>
    %mul3A_22 = arith.mulf %div3A_19, %mul3A_21 : vector<400x128xf32>
    %broadcast_in_dim3A_23 = vector.shape_cast %gt3A_17 : vector<400x1xi1> to vector<400x1xi1>
    %broadcast_in_dim3A_24 = vector.broadcast %broadcast_in_dim3A_23 : vector<400x1xi1> to vector<400x128xi1>
    %select_n3A = arith.select %broadcast_in_dim3A_24, %mul3A_22, %div3A_7 : vector<400x128xi1>, vector<400x128xf32>
    %swap3A = arith.constant 0 : index
    %swap3A_25 = arith.constant 0 : index
    %swap3A_26 = vector.load %arg2[%swap3A, %swap3A_25] : memref<400x128xf32, #tpu.memory_space<vmem>>, vector<400x128xf32>
    tpu.vector_store %arg2[%swap3A, %swap3A_25], %select_n3A {strides = array<i32>} : memref<400x128xf32, #tpu.memory_space<vmem>>, vector<400x128xf32>,
    return
  }
  func.func @transform_0(%arg0: i32) -> (i32, i32) {
    %c0_i32 = arith.constant 0 : i32
    %c0_i32_0 = arith.constant 0 : i32
    return %arg0, %c0_i32 : i32, i32
  }
  func.func @transform_1(%arg0: i32) -> (i32, i32) {
    %c0_i32 = arith.constant 0 : i32
    %c0_i32_0 = arith.constant 0 : i32
    return %arg0, %c0_i32 : i32, i32
  }
}

</mosaic_0001>

<sc_bundles>
// kernel: kernel.6.cloned.1.call-start
scs
__scs_entry_jumppad:
0x0: {  	(pc) =	sbr.rel $0x88, $3  }
0x1: {  	(tag) =	ssettag $0x0;
	lr =	simm.s32 $0x1  }
0x2: {  	[smem:$0x3F9F] =	sst lr;
	_ =	strace $0xD0000000  }
0x3: {  	_ = 	snop  }
0x4: {  	_ = 	snop  }
0x5: {  	_ = 	snop  }
0x6: {  	_ = 	snop  }
0x7: {  	_ = 	snop  }
__scs_overlays_trampoline_lowered:
0x8: {  	[smem:$0x3FAE] =	sst s0  }
0x9: {  	[smem:$0x3FAF] =	sst s1  }
0xa: {  	[smem:$0x3FB0] =	sst s2  }
0xb: {  	[smem:$0x3FB1] =	sst s3  }
0xc: {  	[smem:$0x3FB2] =	sst s4  }
0xd: {  	[smem:$0x3FB3] =	sst s5  }
0xe: {  	[smem:$0x3FB4] =	sst s6  }
0xf: {  	[smem:$0x3FB5] =	sst s7  }
0x10: {  	[smem:$0x3FB6] =	sst s8  }
0x11: {  	[smem:$0x3FB7] =	sst s9;
	s0 =	simm.s32 @!p0 $0x0  }
0x12: {  	s1 =	sld [smem:$0x3F9D];
	s0 =	simm.s32 @p0 $0x1  }
0x13: {  	[smem:$0x3FB8] =	sst s0;
	s0 =	simm.s32 @!p1 $0x0  }
0x14: {  	s2 =	sld [smem:$0x3F9C];
	s0 =	simm.s32 @p1 $0x1  }
0x15: {  	[smem:$0x3FB9] =	sst s0;
	s0 =	simm.s32 @!p2 $0x0  }
0x16: {  	s3 =	sld [smem:$0x3FDB];
	s0 =	simm.s32 @p2 $0x1  }
0x17: {  	s4 =	simm.s32 $0x1BF5;
	[smem:$0x3FBB] =	sst s0  }
0x18: {  	s0 =	sld [smem:$0x3F9E];
	_ =	swait.ge [sflag:s4], $0x0  }
0x19: {  	s7 =	sld [smem:$0x3F9F]  }
0x1a: {  	s8 =	sadd.s32 $0xFFFFE003, lr  }
0x1b: {  	s9 =	sadd.s32 $0xFFFFFEF7, lr;
	s5 =	simm.s32 $0xFFFFFFFF;
	p2 =	slt.u32 s8, $0xFFFFF086  }
0x1c: {  	p1 =	slt.u32 s9, $0xF7A;
	s5 =	simm.s32 @!p2 $0x0  }
0x1d: {  	s5 =	simm.s32 @p1 $0x1;
	p0 =	seq.s32 s7, s2  }
0x1e: {  	s7 =	smul.u32 @!p0 $0xF7A, s2;
	p2 =	seq.s32 @!p0 s5, $0x0  }
0x1f: {  	s9 =	smul.u32 $0xF7A, s1;
	s8 =	simm.s32 @!p0 $0x1BF5;
	p2 =	por !p2, p0  }
0x20: {  	[sflag:s8] =	ssyncset.s32 @!p0 $0xFFFFF086;
	s6 =	sadd.s32 @!p0 s3, s7;
	s7 =	simm.s32 @!p0 $0x108  }
0x21: {  	s3 =	sadd.s32 s3, s9;
	s6 =	sadd.s32 @!p0 $0x88, s6;
	s7 =	simm.s32 @p2 $0x1082  }
0x22: {  	[simem:s7], [sflag:s8] =	dma.local @!p0 [hbm:s6], $0xF7A  }
0x23: {  	s9 =	sor.u32 $0xD0000000, s2;
	s6 =	simm.s32 $0x108;
	_ =	swait.ge @!p0 [sflag:s8], $0x0  }
0x24: {  	s3 =	sadd.s32 $0x88, s3;
	s6 =	simm.s32 @!p1 $0x1082;
	[sflag:s4] =	ssyncset.s32 $0xFFFFF086  }
0x25: {  	[simem:s6], [sflag:s4] =	dma.local [hbm:s3], $0xF7A  }
0x26: {  	[smem:$0x3F9F] =	sst s1;
	(tag) =	ssettag s2;
	_ =	strace s9  }
0x27: {  	s1 =	sld [smem:$0x3FAF]  }
0x28: {  	s2 =	sld [smem:$0x3FB0]  }
0x29: {  	s4 =	sld [smem:$0x3FB2]  }
0x2a: {  	p0 =	seq.s32 s5, $0x0;
	s5 =	sld [smem:$0x3FB3]  }
0x2b: {  	s6 =	sld [smem:$0x3FB4]  }
0x2c: {  	s7 =	sld [smem:$0x3FB5]  }
0x2d: {  	s3 =	simm.s32 $0x108;
	s8 =	sld [smem:$0x3FB6]  }
0x2e: {  	s3 =	simm.s32 @!p0 $0x1082;
	s9 =	sld [smem:$0x3FB7]  }
0x2f: {  	lr =	sadd.s32 s0, s3;
	s0 =	sld [smem:$0x3FAE]  }
0x30: {  	s3 =	sld [smem:$0x3FB1]  }
0x31: {  	[smem:$0x3FBA] =	sst s10  }
0x32: {  	s10 =	sld [smem:$0x3FB8];
	_ =	sdelay $0x3  }
0x33: {  	p0 =	seq.s32 s10, $0x1;
	s10 =	sld [smem:$0x3FBA];
	_ =	sdelay $0x3  }
0x34: {  	[smem:$0x3FBA] =	sst s10  }
0x35: {  	s10 =	sld [smem:$0x3FB9];
	_ =	sdelay $0x3  }
0x36: {  	p1 =	seq.s32 s10, $0x1;
	s10 =	sld [smem:$0x3FBA];
	_ =	sdelay $0x3  }
0x37: {  	[smem:$0x3FBA] =	sst s10  }
0x38: {  	s10 =	sld [smem:$0x3FBB]  }
0x39: {  	_ = 	snop;
	(pc) =	sbr.ind lr, $3  }
0x3a: {  	_ = 	snop  }
0x3b: {  	_ = 	snop  }
0x3c: {  	p2 =	seq.s32 s10, $0x1;
	s10 =	sld [smem:$0x3FBA]  }
0x3d: {  	_ =	shalt  }
0x3e: {  	_ =	shalt  }
0x3f: {  	_ =	shalt  }
0x40: {  	_ =	shalt  }
0x41: {  	_ =	shalt  }
0x42: {  	_ =	shalt  }
0x43: {  	_ =	shalt  }
0x44: {  	_ =	shalt  }
0x45: {  	_ =	shalt  }
0x46: {  	_ =	shalt  }
0x47: {  	_ =	shalt  }
0x48: {  	_ =	shalt  }
0x49: {  	_ =	shalt  }
0x4a: {  	_ =	shalt  }
0x4b: {  	_ =	shalt  }
0x4c: {  	_ =	shalt  }
0x4d: {  	_ =	shalt  }
0x4e: {  	_ =	shalt  }
0x4f: {  	_ =	shalt  }
0x50: {  	_ =	shalt  }
0x51: {  	_ =	shalt  }
0x52: {  	_ =	shalt  }
0x53: {  	_ =	shalt  }
0x54: {  	_ =	shalt  }
0x55: {  	_ =	shalt  }
0x56: {  	_ =	shalt  }
0x57: {  	_ =	shalt  }
0x58: {  	_ =	shalt  }
0x59: {  	_ =	shalt  }
0x5a: {  	_ =	shalt  }
0x5b: {  	_ =	shalt  }
0x5c: {  	_ =	shalt  }
0x5d: {  	_ =	shalt  }
0x5e: {  	_ =	shalt  }
0x5f: {  	_ =	shalt  }
0x60: {  	_ =	shalt  }
0x61: {  	_ =	shalt  }
0x62: {  	_ =	shalt  }
0x63: {  	_ =	shalt  }
0x64: {  	_ =	shalt  }
0x65: {  	_ =	shalt  }
0x66: {  	_ =	shalt  }
0x67: {  	_ =	shalt  }
0x68: {  	_ =	shalt  }
0x69: {  	_ =	shalt  }
0x6a: {  	_ =	shalt  }
0x6b: {  	_ =	shalt  }
0x6c: {  	_ =	shalt  }
0x6d: {  	_ =	shalt  }
0x6e: {  	_ =	shalt  }
0x6f: {  	_ =	shalt  }
0x70: {  	_ =	shalt  }
0x71: {  	_ =	shalt  }
0x72: {  	_ =	shalt  }
0x73: {  	_ =	shalt  }
0x74: {  	_ =	shalt  }
0x75: {  	_ =	shalt  }
0x76: {  	_ =	shalt  }
0x77: {  	_ =	shalt  }
0x78: {  	_ =	shalt  }
0x79: {  	_ =	shalt  }
0x7a: {  	_ =	shalt  }
0x7b: {  	_ =	shalt  }
0x7c: {  	_ =	shalt  }
0x7d: {  	_ =	shalt  }
0x7e: {  	_ =	shalt  }
0x7f: {  	_ =	shalt  }
0x80: {  	_ =	shalt  }
0x81: {  	_ =	shalt  }
0x82: {  	_ =	shalt  }
0x83: {  	_ =	shalt  }
0x84: {  	_ =	shalt  }
0x85: {  	_ =	shalt  }
0x86: {  	_ =	shalt  }
0x87: {  	_ =	shalt  }
.Lfunc_end0:
.L_simem_size_0:
called_computation_lowered:
.L_overlay_start_0:
0x88: {  	s2 =	sld [smem:$0x3FD9]  }
0x89: {  	s3 =	sld [smem:$0x3FFE];
	_ =	sdelay $0x1  }
0x8a: {  	s1 =	srdreg.scid  }
0x8b: {  	s0 =	sand.u32 $0x1, s1  }
0x8c: {  	s17 =	sshll.u32 s0, $0xA;
	s2 =	sadd.s32 s3, s2  }
0x8d: {  	s2 =	sadd.s32 s2, s17  }
0x8e: {  	[smem:$0x3FC6] =	sst s2  }
0x8f: {  	_ = 	snop  }
0x90: {  	s2 =	sld [smem:$0x3FD0];
	(tm) =	ssettm $0x1  }
0x91: {  	s18 =	sld [smem:$0x3FFB];
	_ =	sdelay $0x3  }
0x92: {  	_ =	strace s18  }
0x93: {  	s3 =	sld [smem:$0x3FFC];
	_ =	sdelay $0x3  }
0x94: {  	_ =	strace s3  }
0x95: {  	s3 =	sld [smem:$0x3FFD];
	_ =	sdelay $0x3  }
0x96: {  	_ =	strace s3  }
0x97: {  	_ =	strace $0x8FFFFFFF  }
0x98: {  	s19 =	sld [smem:$0x3FDB];
	_ =	sdelay $0x1  }
0x99: {  	s4 =	simm.s32 $_scs_section_size  }
0x9a: {  	s5 =	simm.s32 $_size__tile_overlayer_lowered;
	s6 =	simm.s32 $_tile_overlayer_lowered  }
0x9b: {  	s22 =	simm.s32 $0x1BFF;
	s21 =	sshll.u32 s6, $0x1;
	s3 =	sadd.s32 s4, s19  }
0x9c: {  	s7 =	simm.s32 $0x0;
	s20 =	sshll.u32 s5, $0x1;
	s5 =	sadd.s32 s21, s3  }
0x9d: {  	[timem:s7], [sflag:s22] =	dma.local [hbm:s5], s20  }
0x9e: {  	_ =	swait.ge [sflag:s22], s20  }
0x9f: {  	s4 =	ssub.s32 $0x0, s20;
	[sflag:s22] =	ssyncset.done $0x0  }
0xa0: {  	[sflag:s22] =	ssyncadd.s32 s4;
	_ =	sdelay $0x1  }
0xa1: {  	s23 =	simm.s32 $0x1B8B  }
0xa2: {  	_ =	swait.ge [sflag:s23], $0x1  }
0xa3: {  	[sflag:s23] =	ssyncset.done $0x0  }
0xa4: {  	s25 =	simm.s32 $0x1B8E;
	s24 =	sld [smem:$0x3FFE];
	[sflag:s23] =	ssyncadd.s32 $0xFFFFFFFF  }
0xa5: {  	s26 =	simm.s32 $execute0_lowered;
	[smem:$0x3FD2] =	sst s25  }
0xa6: {  	s5 =	sshll.u32 s26, $0x1;
	_ =	strace $0x80000046;
	[dreg:$0x1] =	wrdreg $0xFFFFFFFF  }
0xa7: {  	s28 =	simm.s32 $_size_execute0_lowered;
	s3 =	sadd.s32 s3, s5;
	[dreg:$0x0] =	wrdreg $0x0  }
0xa8: {  	s5 =	sshll.u32 s28, $0x1;
	[dreg:$0x2] =	wrdreg s3  }
0xa9: {  	[dreg:$0x3] =	wrdreg s5  }
0xaa: {  	[dreg:$0x4] =	wrdreg $0xC0  }
0xab: {  	_ =	task [dreg:s7], $0x5FFFF  }
0xac: {  	[dreg:$0x1] =	wrdreg $0xFFFFFFFF  }
0xad: {  	[dreg:$0x0] =	wrdreg $0x60  }
0xae: {  	[dreg:$0x2] =	wrdreg s24  }
0xaf: {  	[dreg:$0x3] =	wrdreg s2  }
0xb0: {  	[dreg:$0x4] =	wrdreg $0x9  }
0xb1: {  	_ =	task.clear_ibuf [dreg:s7], $0x5FFFF;
	_ =	strace $0x90000046  }
0xb2: {  	s29 =	simm.s32 $0x9;
	_ =	strace $0x80000048  }
0xb3: {  	_ =	swait.ge [sflag:s29], $0x1  }
0xb4: {  	[sflag:s29] =	ssyncadd.s32 $0xFFFFFFFF  }
0xb5: {  	_ =	strace $0x90000048  }
0xb6: {  	_ =	sfence  }
0xb7: {  	s30 =	sld [smem:$0x0];
	_ =	sdelay $0x2  }
0xb8: {  	s31 =	sshll.u32 s1, $0xD;
	s1 =	sshrl.u32 s1, $0x2  }
0xb9: {  	s3 =	sand.u32 $0x4000, s31;
	s1 =	sadd.s32 s1, s30  }
0xba: {  	s0 =	sor.u32 s3, s0;
	s1 =	sshll.u32 s1, $0x11  }
0xbb: {  	s0 =	sor.u32 s1, s0  }
0xbc: {  	s0 =	sadd.s32 $0x8F2B, s0  }
0xbd: {  	[sflag:s0] =	ssyncadd.remote.s32 $0x1  }
0xbe: {  	_ =	sfence.sel $0xFFFF  }
0xbf: {  	[dreg:$0x0] =	wrdreg $0xFFFFFFFF;
	(pc) =	sbr.abs _section_cstart, $3  }
0xc0: {  	[dreg:$0x1] =	wrdreg $0xFFFFFFFF  }
0xc1: {  	_ =	task.clear_ibuf [dreg:s7], $0x2FFFF;
	_ =	strace $0x9FFFFFFF  }
0xc2: {  	(tm) =	ssettm $0x7FFFFFFF  }
0xc3: {  	_ =	shalt  }
tec
execute0_lowered:
.L_overlay_start_1:
0x0: {  	(tag) =	ssettag $0x1  }
0x1: {  	s1 =	srdreg.scid;
	s4 =	rddreg [dreg:$0x0]  }
0x2: {  	s0 =	stileid.u32;
	s6 =	rddreg [dreg:$0x1];
	s2 =	simm.s32 $0x0  }
0x3: {  	s3 =	sand.u32 $0x1, s1;
	s30 =	sshll.u32 s0, $0x1;
	s1 =	rddreg [dreg:$0x2]  }
0x4: {  	[smem:$0x7FF] =	sst s2;
	s9 =	smul.u32 $0x1E848, s0;
	s4 =	sadd.s32 $0x27E00, s4  }
0x5: {  	s5 =	sor.u32 s3, s30;
	s8 =	ssub.s32 $0x2, s3;
	s11 =	smul.u32 $0xF424, s3  }
0x6: {  	_ =	strace $0x80000047;
	s7 =	smul.u32 $0xF424, s5;
	s10 =	sshrl.u32 s8, $0x1  }
0x7: {  	s5 =	smul.u32 $0x320, s5;
	s9 =	sadd.s32 s9, s4;
	s8 =	ssub.s32 s8, s10  }
0x8: {  	s31 =	sadd.s32 s11, s9;
	s9 =	simm.s32 $0x2;
	s10 =	simm.s32 $0x0  }
0x9: {  	s3 =	sadd.s32 s4, s7;
	s4 =	sadd.s32 s6, s5;
	s5 =	smax.u32 s8, $0x1  }
0xa: {  	v0 =	vimm.f32 $0.0e+00;
	v1 =	vimm.s32 $0x2710;
	s6 =	sadd.s32 $0x4E2, s31;
	s7 =	simm.s32 $0x1;
	s8 =	simm.s32 $0x7800  }
.LBB2_1:
0xb: {  	[tilespmem:$0x2710] =	vst v0  }
0xc: {  	[tilespmem:$0x2720] =	vst v0  }
0xd: {  	[tilespmem:$0x2730] =	vst v0  }
0xe: {  	[tilespmem:$0x2740] =	vst v0  }
0xf: {  	[tilespmem:$0x2750] =	vst v0  }
0x10: {  	[tilespmem:$0x2760] =	vst v0  }
0x11: {  	[tilespmem:$0x2770] =	vst v0  }
0x12: {  	[tilespmem:$0x2780] =	vst v0  }
0x13: {  	[tilespmem:$0x2790] =	vst v0  }
0x14: {  	[tilespmem:$0x27A0] =	vst v0  }
0x15: {  	[tilespmem:$0x27B0] =	vst v0  }
0x16: {  	[tilespmem:$0x27C0] =	vst v0  }
0x17: {  	[tilespmem:$0x27D0] =	vst v0  }
0x18: {  	[tilespmem:$0x27E0] =	vst v0  }
0x19: {  	[tilespmem:$0x27F0] =	vst v0  }
0x1a: {  	[tilespmem:$0x4F10] =	vst v0  }
0x1b: {  	[tilespmem:$0x4F20] =	vst v0  }
0x1c: {  	[tilespmem:$0x4F30] =	vst v0  }
0x1d: {  	[tilespmem:$0x4F40] =	vst v0  }
0x1e: {  	[tilespmem:$0x4F50] =	vst v0  }
0x1f: {  	[tilespmem:$0x4F60] =	vst v0  }
0x20: {  	[tilespmem:$0x4F70] =	vst v0  }
0x21: {  	[tilespmem:$0x4F80] =	vst v0  }
0x22: {  	[tilespmem:$0x4F90] =	vst v0  }
0x23: {  	[tilespmem:$0x4FA0] =	vst v0  }
0x24: {  	[tilespmem:$0x4FB0] =	vst v0  }
0x25: {  	[tilespmem:$0x4FC0] =	vst v0  }
0x26: {  	[tilespmem:$0x4FD0] =	vst v0  }
0x27: {  	[tilespmem:$0x4FE0] =	vst v0  }
0x28: {  	[tilespmem:$0x4FF0] =	vst v0  }
0x29: {  	[tilespmem:s2], [sflag:$0x1] =	stream.linear.gather [hbm4b:s3+s2], $0x2710, $0x38;
	[tilespmem:$0x9100] =	vst v63  }
0x2a: {  	s11 =	sand.u32 $0x1, s7;
	_ =	swait.ge [sflag:s7], $0x2710  }
0x2b: {  	p0 =	seq.s32 s11, $0x1;
	s11 =	simm.s32 $0x2800;
	[sflag:s7] =	ssyncset.done $0x0  }
0x2c: {  	s11 =	simm.s32 @!p0 $0x0;
	[sflag:s7] =	ssyncadd.s32 $0xFFFFD8F0  }
0x2d: {  	[tilespmem:s11], [sflag:$0x1] =	stream.linear.gather [hbm4b:s6+s2], $0x2710, $0x38;
	[tilespmem:$0x9100] =	vst v63  }
0x2e: {  	[tilespmem:$0x77F0] =	vst v0  }
0x2f: {  	[tilespmem:$0x77E0] =	vst v0  }
0x30: {  	[tilespmem:$0x77D0] =	vst v0  }
0x31: {  	[tilespmem:$0x77C0] =	vst v0  }
0x32: {  	[tilespmem:$0x77B0] =	vst v0  }
0x33: {  	[tilespmem:$0x77A0] =	vst v0  }
0x34: {  	[tilespmem:$0x7790] =	vst v0  }
0x35: {  	[tilespmem:$0x7780] =	vst v0  }
0x36: {  	[tilespmem:$0x5020] =	vst v1  }
0x37: {  	[tilespmem:$0x5010] =	vst v1  }
0x38: {  	s11 =	simm.s32 $0x7840;
	[tilespmem:$0x5000] =	vst v1  }
0x39: {  	[tilespmem:s11+$0xFFFFFFC0] =	vst v0  }
0x3a: {  	v2 =	vld [tilespmem:$0x7790];
	_ =	sdelay $0x4  }
0x3b: {  	[tilespmem:s11+$0xFFFFFFD0] =	vst v2  }
0x3c: {  	v2 =	vld [tilespmem:$0x77A0];
	_ =	sdelay $0x4  }
0x3d: {  	[tilespmem:s11+$0xFFFFFFE0] =	vst v2  }
0x3e: {  	v2 =	vld [tilespmem:$0x77B0];
	_ =	sdelay $0x4  }
0x3f: {  	[tilespmem:s11+$0xFFFFFFF0] =	vst v2  }
0x40: {  	v2 =	vld [tilespmem:$0x77C0];
	_ =	sdelay $0x4  }
0x41: {  	[tilespmem:s11+$0x0] =	vst v2  }
0x42: {  	v2 =	vld [tilespmem:$0x77D0];
	_ =	sdelay $0x4  }
0x43: {  	[tilespmem:s11+$0x10] =	vst v2  }
0x44: {  	s12 =	simm.s32 $0x2;
	s14 =	smov.u32 s6;
	s13 =	simm.s32 $0x7840;
	v2 =	vld [tilespmem:$0x77E0]  }
.LBB2_2:
0x45: {  	p0 =	sne.s32 s12, $0x31;
	s14 =	sadd.s32 $0x4E2, s14;
	s11 =	sadd.s32 $0x80, s11  }
0x46: {  	s15 =	smov.u32 s12;
	s12 =	sadd.s32 $0x1, s12;
	_ =	sdelay $0x2  }
0x47: {  	[tilespmem:s13+$0x20] =	vst v2  }
0x48: {  	v2 =	vld [tilespmem:$0x77F0];
	_ =	sdelay $0x4  }
0x49: {  	[tilespmem:s13+$0x30] =	vst v2;
	s13 =	smov.u32 s11  }
0x4a: {  	s15 =	sand.u32 $0x1, s15;
	_ =	swait.ge [sflag:s7], $0x2710  }
0x4b: {  	p1 =	seq.s32 s15, $0x1;
	s15 =	simm.s32 $0x2800;
	[sflag:s7] =	ssyncset.done $0x0  }
0x4c: {  	s15 =	simm.s32 @!p1 $0x0;
	[sflag:s7] =	ssyncadd.s32 $0xFFFFD8F0  }
0x4d: {  	[tilespmem:s15], [sflag:$0x1] =	stream.linear.gather [hbm4b:s14+s2], $0x2710, $0x38;
	[tilespmem:$0x9100] =	vst v63  }
0x4e: {  	[tilespmem:$0x77F0] =	vst v0  }
0x4f: {  	[tilespmem:$0x77E0] =	vst v0  }
0x50: {  	[tilespmem:$0x77D0] =	vst v0  }
0x51: {  	[tilespmem:$0x77C0] =	vst v0  }
0x52: {  	[tilespmem:$0x77B0] =	vst v0  }
0x53: {  	[tilespmem:$0x77A0] =	vst v0  }
0x54: {  	[tilespmem:$0x7790] =	vst v0  }
0x55: {  	[tilespmem:$0x7780] =	vst v0  }
0x56: {  	[tilespmem:$0x5020] =	vst v1  }
0x57: {  	[tilespmem:$0x5010] =	vst v1  }
0x58: {  	[tilespmem:$0x5000] =	vst v1  }
0x59: {  	[tilespmem:s11+$0xFFFFFFC0] =	vst v0  }
0x5a: {  	v2 =	vld [tilespmem:$0x7790];
	_ =	sdelay $0x4  }
0x5b: {  	[tilespmem:s11+$0xFFFFFFD0] =	vst v2  }
0x5c: {  	v2 =	vld [tilespmem:$0x77A0];
	_ =	sdelay $0x4  }
0x5d: {  	[tilespmem:s11+$0xFFFFFFE0] =	vst v2  }
0x5e: {  	v2 =	vld [tilespmem:$0x77B0];
	_ =	sdelay $0x4  }
0x5f: {  	[tilespmem:s11+$0xFFFFFFF0] =	vst v2  }
0x60: {  	v2 =	vld [tilespmem:$0x77C0];
	_ =	sdelay $0x4  }
0x61: {  	[tilespmem:s11+$0x0] =	vst v2  }
0x62: {  	v2 =	vld [tilespmem:$0x77D0];
	_ =	sdelay $0x1  }
.Ltmp0:
0x63: {  	(pc) =	sbr.rel @p0 .LBB2_2-.Ltmp0, $3  }
0x64: {  	_ =	sdelay $0x1  }
0x65: {  	[tilespmem:s11+$0x10] =	vst v2  }
0x66: {  	v2 =	vld [tilespmem:$0x77E0]  }
0x67: {  	_ =	sdelay $0x3  }
0x68: {  	[tilespmem:s13+$0x20] =	vst v2  }
0x69: {  	v2 =	vld [tilespmem:$0x77F0];
	_ =	sdelay $0x4  }
0x6a: {  	[tilespmem:s13+$0x30] =	vst v2  }
0x6b: {  	_ =	swait.ge [sflag:s7], $0x2710  }
0x6c: {  	[sflag:s7] =	ssyncset.done $0x0  }
0x6d: {  	[sflag:s7] =	ssyncadd.s32 $0xFFFFD8F0  }
0x6e: {  	[tilespmem:$0x7790] =	vst v0  }
0x6f: {  	[tilespmem:$0x77A0] =	vst v0  }
0x70: {  	[tilespmem:$0x77B0] =	vst v0  }
0x71: {  	[tilespmem:$0x77C0] =	vst v0;
	v2 =	vld [tilespmem:$0x7790]  }
0x72: {  	[tilespmem:$0x77D0] =	vst v0  }
0x73: {  	[tilespmem:$0x77E0] =	vst v0  }
0x74: {  	[tilespmem:$0x5000] =	vst v1  }
0x75: {  	[tilespmem:$0x77F0] =	vst v0;
	v3 =	vld [tilespmem:$0x77A0]  }
0x76: {  	[tilespmem:$0x9090] =	vst v2;
	v2 =	vld [tilespmem:$0x77D0]  }
0x77: {  	[tilespmem:$0x5010] =	vst v1  }
0x78: {  	[tilespmem:$0x5020] =	vst v1;
	v4 =	vld [tilespmem:$0x77B0]  }
0x79: {  	[tilespmem:$0x7780] =	vst v0;
	v5 =	vld [tilespmem:$0x77C0]  }
0x7a: {  	[tilespmem:$0x90A0] =	vst v3;
	v3 =	vld [tilespmem:$0x77E0]  }
0x7b: {  	[tilespmem:$0x90D0] =	vst v2;
	v2 =	vld [tilespmem:$0x77F0]  }
0x7c: {  	[tilespmem:$0x9080] =	vst v0  }
0x7d: {  	[tilespmem:$0x90B0] =	vst v4  }
0x7e: {  	s10 =	sadd.s32 $0x1, s10;
	[tilespmem:$0x90C0] =	vst v5  }
0x7f: {  	p0 =	sne.s32 s10, s5;
	[tilespmem:$0x90E0] =	vst v3  }
.Ltmp1:
0x80: {  	[tilespmem:$0x90F0] =	vst v2;
	(pc) =	sbr.rel @p0 .LBB2_1-.Ltmp1, $4  }
0x81: {  	[hbm4b:s4+s2] =	stream.linear.scatter [tilespmem:s8], [sflag:$0x2], $0x1900, $0x38;
	[tilespmem:$0x9100] =	vst v63  }
0x82: {  	_ =	swait.ge [sflag:s9], $0x1900  }
0x83: {  	[sflag:s9] =	ssyncset.done $0x0  }
0x84: {  	[sflag:s9] =	ssyncadd.s32 $0xFFFFE700  }
0x85: {  	_ =	sfence.sel $0x180000  }
0x86: {  	[bflag:$0x0] =	sbarrier.arrive $0xFFFF  }
0x87: {  	p0 =	sne.s32 s0, $0x0;
	_ =	strace $0x90000047  }
0x88: {  	s0 =	sadd.s32 @!p0 $0x100000, s1;
	[bflag:$0x2] =	sbarrier.arrive $0xFFFF  }
0x89: {  	[sflag:s0] =	ssyncadd.tile.s32 @!p0 $0x1;
	_ =	shalt  }
.Lfunc_end2:
_tile_overlayer_lowered:
.L_overlay_start_2:
0x8a: {  	(tag) =	ssettag $0x2  }
0x8b: {  	s0 =	rddreg [dreg:$0x0];
	s2 =	stileid.u32  }
0x8c: {  	s1 =	rddreg [dreg:$0x1];
	p0 =	sne.s32 s2, $0x0  }
0x8d: {  	s3 =	rddreg [dreg:$0x2];
	[bflag:$0x3] =	sbarrier.arrive $0xFFFF;
	s2 =	simm.s32 @!p0 $0x1C02  }
0x8e: {  	[timem:s3], [sflag:s2] =	dma.local @!p0 [hbm:s0], s1  }
0x8f: {  	s0 =	simm.s32 @!p0 $0x2  }
0x90: {  	_ =	swait.ge @!p0 [sflag:s0], s1  }
0x91: {  	s1 =	ssub.s32 @!p0 $0x0, s1;
	[sflag:s0] =	ssyncset.done @!p0 $0x0  }
0x92: {  	[sflag:s0] =	ssyncadd.s32 @!p0 s1  }
0x93: {  	[bflag:$0x3] =	sbarrier.arrive $0xFFFF  }
0x94: {  	_ =	shalt  }

</sc_bundles>
